<compile_context>
chip_gen: v7x
topology: tpu7x:2x2x1
jax: 0.10.2.dev20260603
libtpu: 0.0.44.dev20260713+nightly
codegen_flags: <defaults>
</compile_context>

<pallas_src>
import functools

import jax
import jax.numpy as jnp
from jax import lax
from jax.experimental import pallas as pl
from jax.experimental.pallas import tpu as pltpu
from jax.experimental.pallas import tpu_sc as plsc

N = 10000
E = 320000
F = 128
HD = 64
G = 64

NC = 2
NS = 16
NW = NC * NS
CHUNK = 128
NBUF = 4
NPAD = 10240
ROWS_PER_TILE = NPAD // NS
ZROWS = 64
CPT = 2560
EPAD = CPT * CHUNK
CPW_DEG = CPT // NW
CPW_SC = CPT // NW
NBUF_SC = 8
assert CPW_SC % NBUF_SC == 0 and CPW_DEG % NBUF == 0

_MESH = plsc.VectorSubcoreMesh(core_axis_name="c", subcore_axis_name="s")
_SC_PARAMS = pltpu.CompilerParams(use_tc_tiling_on_sc=False)


def _zero_fill(zbuf, width):
    z16 = jnp.zeros((16,), jnp.float32)

    def row(i, _):
        for k in range(width // 16):
            zbuf[i, pl.ds(k * 16, 16)] = z16
        return 0

    lax.fori_loop(0, zbuf.shape[0], row, 0)


def _zero_acc_slice(zbuf, acc, s):
    zr = zbuf.shape[0]

    def cp(k, _):
        pltpu.sync_copy(zbuf, acc.at[pl.ds(s * ROWS_PER_TILE + k * zr, zr)])
        return 0

    lax.fori_loop(0, ROWS_PER_TILE // zr, cp, 0)


def _deg_body(dst_hbm, out_hbm, dst_v, ones_v, zbuf, acc, sem):
    c = lax.axis_index("c")
    s = lax.axis_index("s")
    wid = c * NS + s
    _zero_fill(zbuf, 16)
    one16 = jnp.ones((16,), jnp.float32)

    def fill_ones(i, _):
        ones_v[i, :] = one16
        return 0

    lax.fori_loop(0, CHUNK, fill_ones, 0)
    pltpu.sync_copy(dst_hbm.at[pl.ds(wid * CPW_DEG, CPW_DEG)], dst_v)
    _zero_acc_slice(zbuf, acc, s)
    plsc.subcore_barrier()

    for b in range(NBUF):
        pltpu.async_copy(ones_v, acc.at[dst_v.at[b]], sem, add=True)

    def body(j, _):
        pltpu.make_async_copy(ones_v, acc.at[dst_v.at[j]], sem).wait()

        @pl.when(j + NBUF < CPW_DEG)
        def _():
            pltpu.async_copy(ones_v, acc.at[dst_v.at[j + NBUF]], sem, add=True)

        return 0

    lax.fori_loop(0, CPW_DEG, body, 0)
    plsc.subcore_barrier()
    pltpu.sync_copy(acc.at[pl.ds(s * ROWS_PER_TILE, ROWS_PER_TILE)],
                    out_hbm.at[c, pl.ds(s * ROWS_PER_TILE, ROWS_PER_TILE)])


_deg_kernel = functools.partial(
    pl.kernel,
    out_type=jax.ShapeDtypeStruct((NC, NPAD, 16), jnp.float32),
    mesh=_MESH,
    compiler_params=_SC_PARAMS,
    scratch_types=[
        pltpu.VMEM((CPW_DEG, CHUNK), jnp.int32),
        pltpu.VMEM((CHUNK, 16), jnp.float32),
        pltpu.VMEM((ZROWS, 16), jnp.float32),
        pltpu.VMEM_SHARED((NPAD, 16), jnp.float32),
        pltpu.SemaphoreType.DMA,
    ],
)(_deg_body)


def _scat_body(g_hbm, src_hbm, dst_hbm, out_hbm, src_v, dst_v, rows_v, zbuf, acc,
               gsem):
    c = lax.axis_index("c")
    s = lax.axis_index("s")
    wid = c * NS + s
    _zero_fill(zbuf, HD)
    _zero_acc_slice(zbuf, acc, s)
    chunk0 = wid * CPW_SC
    pltpu.sync_copy(src_hbm.at[pl.ds(chunk0, CPW_SC)], src_v)
    pltpu.sync_copy(dst_hbm.at[pl.ds(chunk0, CPW_SC)], dst_v)
    plsc.subcore_barrier()

    for b in range(NBUF_SC):
        pltpu.async_copy(g_hbm.at[src_v.at[b]], rows_v.at[b], gsem.at[b])

    def outer(jo, _):
        for b in range(NBUF_SC):
            j = jo * NBUF_SC + b
            pltpu.make_async_copy(g_hbm.at[src_v.at[j]], rows_v.at[b],
                                  gsem.at[b]).wait()
            pltpu.sync_copy(rows_v.at[b], acc.at[dst_v.at[j]], add=True)

            @pl.when(j + NBUF_SC < CPW_SC)
            def _():
                pltpu.async_copy(g_hbm.at[src_v.at[j + NBUF_SC]], rows_v.at[b],
                                 gsem.at[b])

        return 0

    lax.fori_loop(0, CPW_SC // NBUF_SC, outer, 0)
    plsc.subcore_barrier()
    pltpu.sync_copy(acc.at[pl.ds(s * ROWS_PER_TILE, ROWS_PER_TILE)],
                    out_hbm.at[c, pl.ds(s * ROWS_PER_TILE, ROWS_PER_TILE)])


_scat_kernel = functools.partial(
    pl.kernel,
    out_type=jax.ShapeDtypeStruct((NC, NPAD, HD), jnp.float32),
    mesh=_MESH,
    compiler_params=_SC_PARAMS,
    scratch_types=[
        pltpu.VMEM((CPW_SC, CHUNK), jnp.int32),
        pltpu.VMEM((CPW_SC, CHUNK), jnp.int32),
        pltpu.VMEM((NBUF_SC, CHUNK, HD), jnp.float32),
        pltpu.VMEM((ZROWS // 2, HD), jnp.float32),
        pltpu.VMEM_SHARED((NPAD, HD), jnp.float32),
        pltpu.SemaphoreType.DMA((NBUF_SC,)),
    ],
)(_scat_body)


def _dinv(degp_ref):
    deg = degp_ref[0, :, 0:1] + degp_ref[1, :, 0:1] + 1.0
    return lax.rsqrt(deg)


def _mm1_body(x_ref, w1_ref, degp_ref, g1_ref):
    dinv = _dinv(degp_ref)
    g1_ref[...] = jnp.dot(x_ref[...], w1_ref[...],
                          preferred_element_type=jnp.float32) * dinv


def _mm2_body(s1_ref, g1_ref, degp_ref, b1_ref, w2_ref, g2_ref):
    dinv = _dinv(degp_ref)
    h1 = jnp.maximum((s1_ref[0] + s1_ref[1] + g1_ref[...]) * dinv + b1_ref[...], 0.0)
    g2_ref[...] = jnp.dot(h1, w2_ref[...],
                          preferred_element_type=jnp.float32) * dinv


def _head_body(s2_ref, g2_ref, degp_ref, b2_ref, batch_ref, wfc_ref, bfc_ref, out_ref):
    dinv = _dinv(degp_ref)
    h2 = jnp.maximum((s2_ref[0] + s2_ref[1] + g2_ref[...]) * dinv + b2_ref[...], 0.0)
    onehot = (batch_ref[...] == lax.broadcasted_iota(jnp.int32, (G, NPAD), 0)
              ).astype(jnp.float32)
    sums = jnp.dot(onehot, h2, preferred_element_type=jnp.float32)
    cnt = jnp.dot(onehot, jnp.ones((NPAD, 1), jnp.float32),
                  preferred_element_type=jnp.float32)
    pooled = sums / jnp.maximum(cnt, 1.0)
    z = jnp.dot(pooled, wfc_ref[...], preferred_element_type=jnp.float32) + bfc_ref[...]
    out_ref[...] = 1.0 / (1.0 + jnp.exp(-z))


def kernel(x, edge_index, batch, W1, b1, W2, b2, Wfc, bfc):
    pad_idx = (jnp.arange(EPAD - E, dtype=jnp.int32) % (NPAD - N)) + N
    src = jnp.concatenate(
        [edge_index[0].astype(jnp.int32), pad_idx]).reshape(CPT, CHUNK)
    dst = jnp.concatenate(
        [edge_index[1].astype(jnp.int32), pad_idx]).reshape(CPT, CHUNK)
    x_pad = jnp.zeros((NPAD, F), jnp.float32).at[:N].set(x)
    batch_pad = jnp.full((1, NPAD), G, jnp.int32).at[0, :N].set(batch.astype(jnp.int32))
    b1r = b1.reshape(1, HD)
    b2r = b2.reshape(1, HD)
    bfcr = bfc.reshape(1, 1)

    degp = _deg_kernel(dst)

    g1 = pl.pallas_call(
        _mm1_body,
        out_shape=jax.ShapeDtypeStruct((NPAD, HD), jnp.float32),
    )(x_pad, W1, degp)

    s1 = _scat_kernel(g1, src, dst)

    g2 = pl.pallas_call(
        _mm2_body,
        out_shape=jax.ShapeDtypeStruct((NPAD, HD), jnp.float32),
    )(s1, g1, degp, b1r, W2)

    s2 = _scat_kernel(g2, src, dst)

    out = pl.pallas_call(
        _head_body,
        out_shape=jax.ShapeDtypeStruct((G, 1), jnp.float32),
    )(s2, g2, degp, b2r, batch_pad, Wfc, bfcr)
    return out

# --- scband reference (transcript-rebuilt; emitter-appended) ---
"""Pipeline reference for scband-gcn-54838142435789 (READ-ONLY COPY).

The authoritative reference and input builder live on the scoring server;
editing this copy changes nothing except your own understanding.
"""

import jax, jax.numpy as jnp
import numpy as np

N_NODES = 10000
N_EDGES = 320000
NUM_FEATURES = 128
HIDDEN = 64
NUM_CLASSES = 1
NUM_GRAPHS = 64


def setup_inputs(seed: int = 0) -> dict:
    key = jax.random.key(seed)
    ks = jax.random.split(key, 10)
    x = jax.random.normal(ks[0], (N_NODES, NUM_FEATURES), dtype=jnp.float32)
    edge_index = jax.random.randint(ks[1], (2, N_EDGES), 0, N_NODES)
    batch = jnp.sort(jax.random.randint(ks[2], (N_NODES,), 0, NUM_GRAPHS))
    W1 = jax.random.normal(ks[3], (NUM_FEATURES, HIDDEN), dtype=jnp.float32) * 0.05
    b1 = jnp.zeros((HIDDEN,), dtype=jnp.float32)
    W2 = jax.random.normal(ks[4], (HIDDEN, HIDDEN), dtype=jnp.float32) * 0.05
    b2 = jnp.zeros((HIDDEN,), dtype=jnp.float32)
    Wfc = jax.random.normal(ks[5], (HIDDEN, NUM_CLASSES), dtype=jnp.float32) * 0.05
    bfc = jnp.zeros((NUM_CLASSES,), dtype=jnp.float32)
    return {"x": x, "edge_index": edge_index, "batch": batch,
            "W1": W1, "b1": b1, "W2": W2, "b2": b2, "Wfc": Wfc, "bfc": bfc}


def _gcn_conv(x, edge_index, W, b):
    # PyG GCNConv: x' = D^{-1/2} (A + I) D^{-1/2} X W + b
    h = x @ W
    loop = jnp.arange(N_NODES, dtype=edge_index.dtype)
    src = jnp.concatenate([edge_index[0], loop])
    dst = jnp.concatenate([edge_index[1], loop])
    deg = jnp.zeros((N_NODES,), h.dtype).at[dst].add(1.0)
    deg_inv_sqrt = jnp.where(deg > 0, jax.lax.rsqrt(jnp.maximum(deg, 1e-12)), 0.0)
    norm = deg_inv_sqrt[src] * deg_inv_sqrt[dst]
    msg = h[src] * norm[:, None]
    out = jnp.zeros_like(h).at[dst].add(msg)
    return out + b


def reference(x, edge_index, batch, W1, b1, W2, b2, Wfc, bfc):
    h = jax.nn.relu(_gcn_conv(x, edge_index, W1, b1))
    # dropout is identity in eval/inference mode
    h = jax.nn.relu(_gcn_conv(h, edge_index, W2, b2))
    # global_mean_pool over batch ids
    seg_sum = jax.ops.segment_sum(h, batch, num_segments=NUM_GRAPHS)
    cnt = jax.ops.segment_sum(jnp.ones((N_NODES, 1), h.dtype), batch, num_segments=NUM_GRAPHS)
    pooled = seg_sum / jnp.maximum(cnt, 1.0)
    return jax.nn.sigmoid(pooled @ Wfc + bfc)

if __name__ == "__main__":
    import jax
    _d = setup_inputs()
    print(jax.jit(kernel)(*tuple(_d.values())))

</pallas_src>

<mosaic_0001>
#map = affine_map<(d0, d1) -> (0, 0)>
#map1 = affine_map<(d0, d1) -> (0, 0, 0)>
module attributes {stable_mosaic.version = 14 : i64} {
  func.func @_scat_body(%arg0: i32, %arg1: i32, %arg2: memref<10240x64xf32, #tpu.memory_space<hbm>>, %arg3: memref<2560x128xi32, #tpu.memory_space<hbm>>, %arg4: memref<2560x128xi32, #tpu.memory_space<hbm>>, %arg5: memref<2x10240x64xf32, #tpu.memory_space<hbm>>, %arg6: memref<80x128xi32, #tpu.memory_space<vmem>>, %arg7: memref<80x128xi32, #tpu.memory_space<vmem>>, %arg8: memref<8x128x64xf32, #tpu.memory_space<vmem>>, %arg9: memref<32x64xf32, #tpu.memory_space<vmem>>, %arg10: memref<10240x64xf32, #tpu.memory_space<vmem_shared>>, %arg11: memref<8x!tpu.dma_semaphore, #tpu.memory_space<semaphore_mem>>) attributes {dimension_semantics = [#tpu.dimension_semantics<core_parallel>, #tpu.dimension_semantics<subcore_parallel>], iteration_bounds = array<i64: 2, 16>, scalar_prefetch = 0 : i64, scratch_operands = 6 : i64, tpu.core_type = #tpu.core_type<sc_vector_subcore>, window_params = [{transform_indices = #map}, {transform_indices = #map}, {transform_indices = #map}, {transform_indices = #map1}]} {
    %mul3A = arith.constant 16 : i32
    %mul3A_0 = arith.muli %arg0, %mul3A : i32
    %add3A = arith.addi %mul3A_0, %arg1 : i32
    %broadcast_in_dim3A = arith.constant 0.000000e+00 : f32
    %broadcast_in_dim3A_1 = vector.broadcast %broadcast_in_dim3A : f32 to vector<16xf32>
    %scan3A = arith.constant 0 : i32
    %scan3A_2 = arith.constant 0 : i32
    %scan3A_3 = arith.constant 32 : i32
    %scan3A_4 = arith.addi %scan3A_2, %scan3A_3 : i32
    %scan3A_5 = arith.constant 1 : i32
    %scan3A_6 = scf.for %scan3A_148 = %scan3A_2 to %scan3A_4 step %scan3A_5 iter_args(%scan3A_149 = %scan3A) -> (i32)  : i32 {
      %swap3A = arith.index_cast %scan3A_148 : i32 to index
      %swap3A_150 = arith.constant 0 : index
      %swap3A_151 = tpu.vector_load %arg9[%swap3A, %swap3A_150] {strides = array<i32>} : memref<32x64xf32, #tpu.memory_space<vmem>>, vector<1x16xf32>,
      %swap3A_152 = vector.shape_cast %swap3A_151 : vector<1x16xf32> to vector<16xf32>
      %swap3A_153 = vector.shape_cast %broadcast_in_dim3A_1 : vector<16xf32> to vector<1x16xf32>
      tpu.vector_store %arg9[%swap3A, %swap3A_150], %swap3A_153 {strides = array<i32>} : memref<32x64xf32, #tpu.memory_space<vmem>>, vector<1x16xf32>,
      %swap3A_154 = arith.index_cast %scan3A_148 : i32 to index
      %swap3A_155 = arith.constant 16 : index
      %swap3A_156 = tpu.vector_load %arg9[%swap3A_154, %swap3A_155] {strides = array<i32>} : memref<32x64xf32, #tpu.memory_space<vmem>>, vector<1x16xf32>,
      %swap3A_157 = vector.shape_cast %swap3A_156 : vector<1x16xf32> to vector<16xf32>
      %swap3A_158 = vector.shape_cast %broadcast_in_dim3A_1 : vector<16xf32> to vector<1x16xf32>
      tpu.vector_store %arg9[%swap3A_154, %swap3A_155], %swap3A_158 {strides = array<i32>} : memref<32x64xf32, #tpu.memory_space<vmem>>, vector<1x16xf32>,
      %swap3A_159 = arith.index_cast %scan3A_148 : i32 to index
      %swap3A_160 = arith.constant 32 : index
      %swap3A_161 = tpu.vector_load %arg9[%swap3A_159, %swap3A_160] {strides = array<i32>} : memref<32x64xf32, #tpu.memory_space<vmem>>, vector<1x16xf32>,
      %swap3A_162 = vector.shape_cast %swap3A_161 : vector<1x16xf32> to vector<16xf32>
      %swap3A_163 = vector.shape_cast %broadcast_in_dim3A_1 : vector<16xf32> to vector<1x16xf32>
      tpu.vector_store %arg9[%swap3A_159, %swap3A_160], %swap3A_163 {strides = array<i32>} : memref<32x64xf32, #tpu.memory_space<vmem>>, vector<1x16xf32>,
      %swap3A_164 = arith.index_cast %scan3A_148 : i32 to index
      %swap3A_165 = arith.constant 48 : index
      %swap3A_166 = tpu.vector_load %arg9[%swap3A_164, %swap3A_165] {strides = array<i32>} : memref<32x64xf32, #tpu.memory_space<vmem>>, vector<1x16xf32>,
      %swap3A_167 = vector.shape_cast %swap3A_166 : vector<1x16xf32> to vector<16xf32>
      %swap3A_168 = vector.shape_cast %broadcast_in_dim3A_1 : vector<16xf32> to vector<1x16xf32>
      tpu.vector_store %arg9[%swap3A_164, %swap3A_165], %swap3A_168 {strides = array<i32>} : memref<32x64xf32, #tpu.memory_space<vmem>>, vector<1x16xf32>,
      %scan3A_169 = arith.constant 0 : i32
      scf.yield %scan3A_169 : i32
    }
    %scan3A_7 = arith.constant 32 : i32
    %scan3A_8 = arith.constant 0 : i32
    %scan3A_9 = arith.constant 0 : i32
    %scan3A_10 = arith.constant 20 : i32
    %scan3A_11 = arith.addi %scan3A_9, %scan3A_10 : i32
    %scan3A_12 = arith.constant 1 : i32
    %scan3A_13 = scf.for %scan3A_148 = %scan3A_9 to %scan3A_11 step %scan3A_12 iter_args(%scan3A_149 = %scan3A_8) -> (i32)  : i32 {
      %mul3A_150 = arith.constant 640 : i32
      %mul3A_151 = arith.muli %arg1, %mul3A_150 : i32
      %mul3A_152 = arith.constant 32 : i32
      %mul3A_153 = arith.muli %scan3A_148, %mul3A_152 : i32
      %add3A_154 = arith.addi %mul3A_151, %mul3A_153 : i32
      "tpu.region"() ({
        %run_scoped3A = tpu.sem_alloc : memref<!tpu.dma_semaphore, #tpu.memory_space<semaphore_mem>>
        %dma_start3A_156 = arith.constant 0 : i32
        %dma_start3A_157 = tpu.memref_slice %arg10[%add3A_154, %dma_start3A_156] : memref<10240x64xf32, #tpu.memory_space<vmem_shared>> -> memref<32x64xf32, #tpu.memory_space<vmem_shared>>
        %dma_start3A_158 = arith.constant 0 : i32
        %dma_start3A_159 = tpu.memref_slice %arg10[%add3A_154, %dma_start3A_158] : memref<10240x64xf32, #tpu.memory_space<vmem_shared>> -> memref<32x64xf32, #tpu.memory_space<vmem_shared>>
        tpu.enqueue_dma source(%arg9 : memref<32x64xf32, #tpu.memory_space<vmem>>) target(%dma_start3A_159 : memref<32x64xf32, #tpu.memory_space<vmem_shared>>) target_semaphore(%run_scoped3A : memref<!tpu.dma_semaphore, #tpu.memory_space<semaphore_mem>>)
        %dma_wait3A = arith.constant 0 : i32
        %dma_wait3A_160 = tpu.memref_slice %arg10[%add3A_154, %dma_wait3A] : memref<10240x64xf32, #tpu.memory_space<vmem_shared>> -> memref<32x64xf32, #tpu.memory_space<vmem_shared>>
        %dma_wait3A_161 = arith.constant 0 : i32
        %dma_wait3A_162 = tpu.memref_slice %arg10[%add3A_154, %dma_wait3A_161] : memref<10240x64xf32, #tpu.memory_space<vmem_shared>> -> memref<32x64xf32, #tpu.memory_space<vmem_shared>>
        tpu.wait_dma2 semaphore(%run_scoped3A : memref<!tpu.dma_semaphore, #tpu.memory_space<semaphore_mem>>) src(%arg9 : memref<32x64xf32, #tpu.memory_space<vmem>>) dst(%dma_wait3A_162 : memref<32x64xf32, #tpu.memory_space<vmem_shared>>)
        tpu.yield
      }) : () -> ()
      %scan3A_155 = arith.constant 0 : i32
      scf.yield %scan3A_155 : i32
    }
    %scan3A_14 = arith.constant 20 : i32
    %mul3A_15 = arith.constant 80 : i32
    %mul3A_16 = arith.muli %add3A, %mul3A_15 : i32
    "tpu.region"() ({
      %run_scoped3A = tpu.sem_alloc : memref<!tpu.dma_semaphore, #tpu.memory_space<semaphore_mem>>
      %dma_start3A_148 = arith.constant 0 : i32
      %dma_start3A_149 = tpu.memref_slice %arg3[%mul3A_16, %dma_start3A_148] : memref<2560x128xi32, #tpu.memory_space<hbm>> -> memref<80x128xi32, #tpu.memory_space<hbm>>
      %dma_start3A_150 = arith.constant 0 : i32
      %dma_start3A_151 = tpu.memref_slice %arg3[%mul3A_16, %dma_start3A_150] : memref<2560x128xi32, #tpu.memory_space<hbm>> -> memref<80x128xi32, #tpu.memory_space<hbm>>
      tpu.enqueue_dma source(%dma_start3A_151 : memref<80x128xi32, #tpu.memory_space<hbm>>) target(%arg6 : memref<80x128xi32, #tpu.memory_space<vmem>>) target_semaphore(%run_scoped3A : memref<!tpu.dma_semaphore, #tpu.memory_space<semaphore_mem>>)
      %dma_wait3A = arith.constant 0 : i32
      %dma_wait3A_152 = tpu.memref_slice %arg3[%mul3A_16, %dma_wait3A] : memref<2560x128xi32, #tpu.memory_space<hbm>> -> memref<80x128xi32, #tpu.memory_space<hbm>>
      %dma_wait3A_153 = arith.constant 0 : i32
      %dma_wait3A_154 = tpu.memref_slice %arg3[%mul3A_16, %dma_wait3A_153] : memref<2560x128xi32, #tpu.memory_space<hbm>> -> memref<80x128xi32, #tpu.memory_space<hbm>>
      tpu.wait_dma2 semaphore(%run_scoped3A : memref<!tpu.dma_semaphore, #tpu.memory_space<semaphore_mem>>) src(%dma_wait3A_154 : memref<80x128xi32, #tpu.memory_space<hbm>>) dst(%arg6 : memref<80x128xi32, #tpu.memory_space<vmem>>)
      tpu.yield
    }) : () -> ()
    "tpu.region"() ({
      %run_scoped3A = tpu.sem_alloc : memref<!tpu.dma_semaphore, #tpu.memory_space<semaphore_mem>>
      %dma_start3A_148 = arith.constant 0 : i32
      %dma_start3A_149 = tpu.memref_slice %arg4[%mul3A_16, %dma_start3A_148] : memref<2560x128xi32, #tpu.memory_space<hbm>> -> memref<80x128xi32, #tpu.memory_space<hbm>>
      %dma_start3A_150 = arith.constant 0 : i32
      %dma_start3A_151 = tpu.memref_slice %arg4[%mul3A_16, %dma_start3A_150] : memref<2560x128xi32, #tpu.memory_space<hbm>> -> memref<80x128xi32, #tpu.memory_space<hbm>>
      tpu.enqueue_dma source(%dma_start3A_151 : memref<80x128xi32, #tpu.memory_space<hbm>>) target(%arg7 : memref<80x128xi32, #tpu.memory_space<vmem>>) target_semaphore(%run_scoped3A : memref<!tpu.dma_semaphore, #tpu.memory_space<semaphore_mem>>)
      %dma_wait3A = arith.constant 0 : i32
      %dma_wait3A_152 = tpu.memref_slice %arg4[%mul3A_16, %dma_wait3A] : memref<2560x128xi32, #tpu.memory_space<hbm>> -> memref<80x128xi32, #tpu.memory_space<hbm>>
      %dma_wait3A_153 = arith.constant 0 : i32
      %dma_wait3A_154 = tpu.memref_slice %arg4[%mul3A_16, %dma_wait3A_153] : memref<2560x128xi32, #tpu.memory_space<hbm>> -> memref<80x128xi32, #tpu.memory_space<hbm>>
      tpu.wait_dma2 semaphore(%run_scoped3A : memref<!tpu.dma_semaphore, #tpu.memory_space<semaphore_mem>>) src(%dma_wait3A_154 : memref<80x128xi32, #tpu.memory_space<hbm>>) dst(%arg7 : memref<80x128xi32, #tpu.memory_space<vmem>>)
      tpu.yield
    }) : () -> ()
    %barrier3A = arith.constant 0 : index
    tpu.barrier barrier_id(%barrier3A)
    %dma_start3A = arith.constant 0 : i32
    %dma_start3A_17 = arith.constant 0 : i32
    %dma_start3A_18 = arith.constant 0 : i32
    %dma_start3A_19 = arith.constant 0 : i32
    %dma_start3A_20 = arith.constant 0 : i32
    %dma_start3A_21 = tpu.memref_slice %arg8[%dma_start3A_17, %dma_start3A_19, %dma_start3A_20] : memref<8x128x64xf32, #tpu.memory_space<vmem>> -> memref<1x128x64xf32, #tpu.memory_space<vmem>>
    %dma_start3A_22 = tpu.memref_squeeze %dma_start3A_21 : memref<1x128x64xf32, #tpu.memory_space<vmem>> -> memref<128x64xf32, #tpu.memory_space<vmem>>
    %dma_start3A_23 = arith.constant 0 : i32
    %dma_start3A_24 = tpu.memref_slice %arg6[%dma_start3A, %dma_start3A_23] : memref<80x128xi32, #tpu.memory_space<vmem>> -> memref<1x128xi32, #tpu.memory_space<vmem>>
    %dma_start3A_25 = tpu.memref_squeeze %dma_start3A_24 : memref<1x128xi32, #tpu.memory_space<vmem>> -> memref<128xi32, #tpu.memory_space<vmem>>
    %dma_start3A_26 = arith.constant 0 : i32
    %dma_start3A_27 = arith.constant 0 : i32
    %dma_start3A_28 = tpu.memref_slice %arg2[%dma_start3A_26, %dma_start3A_27] : memref<10240x64xf32, #tpu.memory_space<hbm>> -> memref<10240x64xf32, #tpu.memory_space<hbm>>
    %dma_start3A_29 = tpu.memref_slice %arg11[%dma_start3A_18] : memref<8x!tpu.dma_semaphore, #tpu.memory_space<semaphore_mem>> -> memref<1x!tpu.dma_semaphore, #tpu.memory_space<semaphore_mem>>
    %dma_start3A_30 = tpu.memref_squeeze %dma_start3A_29 : memref<1x!tpu.dma_semaphore, #tpu.memory_space<semaphore_mem>> -> memref<!tpu.dma_semaphore, #tpu.memory_space<semaphore_mem>>
    tpu.enqueue_indirect_dma source(%dma_start3A_28 : memref<10240x64xf32, #tpu.memory_space<hbm>>) target(%dma_start3A_22 : memref<128x64xf32, #tpu.memory_space<vmem>>) offsets(%dma_start3A_25 : memref<128xi32, #tpu.memory_space<vmem>>) semaphore(%dma_start3A_30 : memref<!tpu.dma_semaphore, #tpu.memory_space<semaphore_mem>>)
    %dma_start3A_31 = arith.constant 1 : i32
    %dma_start3A_32 = arith.constant 1 : i32
    %dma_start3A_33 = arith.constant 1 : i32
    %dma_start3A_34 = arith.constant 0 : i32
    %dma_start3A_35 = arith.constant 0 : i32
    %dma_start3A_36 = tpu.memref_slice %arg8[%dma_start3A_32, %dma_start3A_34, %dma_start3A_35] : memref<8x128x64xf32, #tpu.memory_space<vmem>> -> memref<1x128x64xf32, #tpu.memory_space<vmem>>
    %dma_start3A_37 = tpu.memref_squeeze %dma_start3A_36 : memref<1x128x64xf32, #tpu.memory_space<vmem>> -> memref<128x64xf32, #tpu.memory_space<vmem>>
    %dma_start3A_38 = arith.constant 0 : i32
    %dma_start3A_39 = tpu.memref_slice %arg6[%dma_start3A_31, %dma_start3A_38] : memref<80x128xi32, #tpu.memory_space<vmem>> -> memref<1x128xi32, #tpu.memory_space<vmem>>
    %dma_start3A_40 = tpu.memref_squeeze %dma_start3A_39 : memref<1x128xi32, #tpu.memory_space<vmem>> -> memref<128xi32, #tpu.memory_space<vmem>>
    %dma_start3A_41 = arith.constant 0 : i32
    %dma_start3A_42 = arith.constant 0 : i32
    %dma_start3A_43 = tpu.memref_slice %arg2[%dma_start3A_41, %dma_start3A_42] : memref<10240x64xf32, #tpu.memory_space<hbm>> -> memref<10240x64xf32, #tpu.memory_space<hbm>>
    %dma_start3A_44 = tpu.memref_slice %arg11[%dma_start3A_33] : memref<8x!tpu.dma_semaphore, #tpu.memory_space<semaphore_mem>> -> memref<1x!tpu.dma_semaphore, #tpu.memory_space<semaphore_mem>>
    %dma_start3A_45 = tpu.memref_squeeze %dma_start3A_44 : memref<1x!tpu.dma_semaphore, #tpu.memory_space<semaphore_mem>> -> memref<!tpu.dma_semaphore, #tpu.memory_space<semaphore_mem>>
    tpu.enqueue_indirect_dma source(%dma_start3A_43 : memref<10240x64xf32, #tpu.memory_space<hbm>>) target(%dma_start3A_37 : memref<128x64xf32, #tpu.memory_space<vmem>>) offsets(%dma_start3A_40 : memref<128xi32, #tpu.memory_space<vmem>>) semaphore(%dma_start3A_45 : memref<!tpu.dma_semaphore, #tpu.memory_space<semaphore_mem>>)
    %dma_start3A_46 = arith.constant 2 : i32
    %dma_start3A_47 = arith.constant 2 : i32
    %dma_start3A_48 = arith.constant 2 : i32
    %dma_start3A_49 = arith.constant 0 : i32
    %dma_start3A_50 = arith.constant 0 : i32
    %dma_start3A_51 = tpu.memref_slice %arg8[%dma_start3A_47, %dma_start3A_49, %dma_start3A_50] : memref<8x128x64xf32, #tpu.memory_space<vmem>> -> memref<1x128x64xf32, #tpu.memory_space<vmem>>
    %dma_start3A_52 = tpu.memref_squeeze %dma_start3A_51 : memref<1x128x64xf32, #tpu.memory_space<vmem>> -> memref<128x64xf32, #tpu.memory_space<vmem>>
    %dma_start3A_53 = arith.constant 0 : i32
    %dma_start3A_54 = tpu.memref_slice %arg6[%dma_start3A_46, %dma_start3A_53] : memref<80x128xi32, #tpu.memory_space<vmem>> -> memref<1x128xi32, #tpu.memory_space<vmem>>
    %dma_start3A_55 = tpu.memref_squeeze %dma_start3A_54 : memref<1x128xi32, #tpu.memory_space<vmem>> -> memref<128xi32, #tpu.memory_space<vmem>>
    %dma_start3A_56 = arith.constant 0 : i32
    %dma_start3A_57 = arith.constant 0 : i32
    %dma_start3A_58 = tpu.memref_slice %arg2[%dma_start3A_56, %dma_start3A_57] : memref<10240x64xf32, #tpu.memory_space<hbm>> -> memref<10240x64xf32, #tpu.memory_space<hbm>>
    %dma_start3A_59 = tpu.memref_slice %arg11[%dma_start3A_48] : memref<8x!tpu.dma_semaphore, #tpu.memory_space<semaphore_mem>> -> memref<1x!tpu.dma_semaphore, #tpu.memory_space<semaphore_mem>>
    %dma_start3A_60 = tpu.memref_squeeze %dma_start3A_59 : memref<1x!tpu.dma_semaphore, #tpu.memory_space<semaphore_mem>> -> memref<!tpu.dma_semaphore, #tpu.memory_space<semaphore_mem>>
    tpu.enqueue_indirect_dma source(%dma_start3A_58 : memref<10240x64xf32, #tpu.memory_space<hbm>>) target(%dma_start3A_52 : memref<128x64xf32, #tpu.memory_space<vmem>>) offsets(%dma_start3A_55 : memref<128xi32, #tpu.memory_space<vmem>>) semaphore(%dma_start3A_60 : memref<!tpu.dma_semaphore, #tpu.memory_space<semaphore_mem>>)
    %dma_start3A_61 = arith.constant 3 : i32
    %dma_start3A_62 = arith.constant 3 : i32
    %dma_start3A_63 = arith.constant 3 : i32
    %dma_start3A_64 = arith.constant 0 : i32
    %dma_start3A_65 = arith.constant 0 : i32
    %dma_start3A_66 = tpu.memref_slice %arg8[%dma_start3A_62, %dma_start3A_64, %dma_start3A_65] : memref<8x128x64xf32, #tpu.memory_space<vmem>> -> memref<1x128x64xf32, #tpu.memory_space<vmem>>
    %dma_start3A_67 = tpu.memref_squeeze %dma_start3A_66 : memref<1x128x64xf32, #tpu.memory_space<vmem>> -> memref<128x64xf32, #tpu.memory_space<vmem>>
    %dma_start3A_68 = arith.constant 0 : i32
    %dma_start3A_69 = tpu.memref_slice %arg6[%dma_start3A_61, %dma_start3A_68] : memref<80x128xi32, #tpu.memory_space<vmem>> -> memref<1x128xi32, #tpu.memory_space<vmem>>
    %dma_start3A_70 = tpu.memref_squeeze %dma_start3A_69 : memref<1x128xi32, #tpu.memory_space<vmem>> -> memref<128xi32, #tpu.memory_space<vmem>>
    %dma_start3A_71 = arith.constant 0 : i32
    %dma_start3A_72 = arith.constant 0 : i32
    %dma_start3A_73 = tpu.memref_slice %arg2[%dma_start3A_71, %dma_start3A_72] : memref<10240x64xf32, #tpu.memory_space<hbm>> -> memref<10240x64xf32, #tpu.memory_space<hbm>>
    %dma_start3A_74 = tpu.memref_slice %arg11[%dma_start3A_63] : memref<8x!tpu.dma_semaphore, #tpu.memory_space<semaphore_mem>> -> memref<1x!tpu.dma_semaphore, #tpu.memory_space<semaphore_mem>>
    %dma_start3A_75 = tpu.memref_squeeze %dma_start3A_74 : memref<1x!tpu.dma_semaphore, #tpu.memory_space<semaphore_mem>> -> memref<!tpu.dma_semaphore, #tpu.memory_space<semaphore_mem>>
    tpu.enqueue_indirect_dma source(%dma_start3A_73 : memref<10240x64xf32, #tpu.memory_space<hbm>>) target(%dma_start3A_67 : memref<128x64xf32, #tpu.memory_space<vmem>>) offsets(%dma_start3A_70 : memref<128xi32, #tpu.memory_space<vmem>>) semaphore(%dma_start3A_75 : memref<!tpu.dma_semaphore, #tpu.memory_space<semaphore_mem>>)
    %dma_start3A_76 = arith.constant 4 : i32
    %dma_start3A_77 = arith.constant 4 : i32
    %dma_start3A_78 = arith.constant 4 : i32
    %dma_start3A_79 = arith.constant 0 : i32
    %dma_start3A_80 = arith.constant 0 : i32
    %dma_start3A_81 = tpu.memref_slice %arg8[%dma_start3A_77, %dma_start3A_79, %dma_start3A_80] : memref<8x128x64xf32, #tpu.memory_space<vmem>> -> memref<1x128x64xf32, #tpu.memory_space<vmem>>
    %dma_start3A_82 = tpu.memref_squeeze %dma_start3A_81 : memref<1x128x64xf32, #tpu.memory_space<vmem>> -> memref<128x64xf32, #tpu.memory_space<vmem>>
    %dma_start3A_83 = arith.constant 0 : i32
    %dma_start3A_84 = tpu.memref_slice %arg6[%dma_start3A_76, %dma_start3A_83] : memref<80x128xi32, #tpu.memory_space<vmem>> -> memref<1x128xi32, #tpu.memory_space<vmem>>
    %dma_start3A_85 = tpu.memref_squeeze %dma_start3A_84 : memref<1x128xi32, #tpu.memory_space<vmem>> -> memref<128xi32, #tpu.memory_space<vmem>>
    %dma_start3A_86 = arith.constant 0 : i32
    %dma_start3A_87 = arith.constant 0 : i32
    %dma_start3A_88 = tpu.memref_slice %arg2[%dma_start3A_86, %dma_start3A_87] : memref<10240x64xf32, #tpu.memory_space<hbm>> -> memref<10240x64xf32, #tpu.memory_space<hbm>>
    %dma_start3A_89 = tpu.memref_slice %arg11[%dma_start3A_78] : memref<8x!tpu.dma_semaphore, #tpu.memory_space<semaphore_mem>> -> memref<1x!tpu.dma_semaphore, #tpu.memory_space<semaphore_mem>>
    %dma_start3A_90 = tpu.memref_squeeze %dma_start3A_89 : memref<1x!tpu.dma_semaphore, #tpu.memory_space<semaphore_mem>> -> memref<!tpu.dma_semaphore, #tpu.memory_space<semaphore_mem>>
    tpu.enqueue_indirect_dma source(%dma_start3A_88 : memref<10240x64xf32, #tpu.memory_space<hbm>>) target(%dma_start3A_82 : memref<128x64xf32, #tpu.memory_space<vmem>>) offsets(%dma_start3A_85 : memref<128xi32, #tpu.memory_space<vmem>>) semaphore(%dma_start3A_90 : memref<!tpu.dma_semaphore, #tpu.memory_space<semaphore_mem>>)
    %dma_start3A_91 = arith.constant 5 : i32
    %dma_start3A_92 = arith.constant 5 : i32
    %dma_start3A_93 = arith.constant 5 : i32
    %dma_start3A_94 = arith.constant 0 : i32
    %dma_start3A_95 = arith.constant 0 : i32
    %dma_start3A_96 = tpu.memref_slice %arg8[%dma_start3A_92, %dma_start3A_94, %dma_start3A_95] : memref<8x128x64xf32, #tpu.memory_space<vmem>> -> memref<1x128x64xf32, #tpu.memory_space<vmem>>
    %dma_start3A_97 = tpu.memref_squeeze %dma_start3A_96 : memref<1x128x64xf32, #tpu.memory_space<vmem>> -> memref<128x64xf32, #tpu.memory_space<vmem>>
    %dma_start3A_98 = arith.constant 0 : i32
    %dma_start3A_99 = tpu.memref_slice %arg6[%dma_start3A_91, %dma_start3A_98] : memref<80x128xi32, #tpu.memory_space<vmem>> -> memref<1x128xi32, #tpu.memory_space<vmem>>
    %dma_start3A_100 = tpu.memref_squeeze %dma_start3A_99 : memref<1x128xi32, #tpu.memory_space<vmem>> -> memref<128xi32, #tpu.memory_space<vmem>>
    %dma_start3A_101 = arith.constant 0 : i32
    %dma_start3A_102 = arith.constant 0 : i32
    %dma_start3A_103 = tpu.memref_slice %arg2[%dma_start3A_101, %dma_start3A_102] : memref<10240x64xf32, #tpu.memory_space<hbm>> -> memref<10240x64xf32, #tpu.memory_space<hbm>>
    %dma_start3A_104 = tpu.memref_slice %arg11[%dma_start3A_93] : memref<8x!tpu.dma_semaphore, #tpu.memory_space<semaphore_mem>> -> memref<1x!tpu.dma_semaphore, #tpu.memory_space<semaphore_mem>>
    %dma_start3A_105 = tpu.memref_squeeze %dma_start3A_104 : memref<1x!tpu.dma_semaphore, #tpu.memory_space<semaphore_mem>> -> memref<!tpu.dma_semaphore, #tpu.memory_space<semaphore_mem>>
    tpu.enqueue_indirect_dma source(%dma_start3A_103 : memref<10240x64xf32, #tpu.memory_space<hbm>>) target(%dma_start3A_97 : memref<128x64xf32, #tpu.memory_space<vmem>>) offsets(%dma_start3A_100 : memref<128xi32, #tpu.memory_space<vmem>>) semaphore(%dma_start3A_105 : memref<!tpu.dma_semaphore, #tpu.memory_space<semaphore_mem>>)
    %dma_start3A_106 = arith.constant 6 : i32
    %dma_start3A_107 = arith.constant 6 : i32
    %dma_start3A_108 = arith.constant 6 : i32
    %dma_start3A_109 = arith.constant 0 : i32
    %dma_start3A_110 = arith.constant 0 : i32
    %dma_start3A_111 = tpu.memref_slice %arg8[%dma_start3A_107, %dma_start3A_109, %dma_start3A_110] : memref<8x128x64xf32, #tpu.memory_space<vmem>> -> memref<1x128x64xf32, #tpu.memory_space<vmem>>
    %dma_start3A_112 = tpu.memref_squeeze %dma_start3A_111 : memref<1x128x64xf32, #tpu.memory_space<vmem>> -> memref<128x64xf32, #tpu.memory_space<vmem>>
    %dma_start3A_113 = arith.constant 0 : i32
    %dma_start3A_114 = tpu.memref_slice %arg6[%dma_start3A_106, %dma_start3A_113] : memref<80x128xi32, #tpu.memory_space<vmem>> -> memref<1x128xi32, #tpu.memory_space<vmem>>
    %dma_start3A_115 = tpu.memref_squeeze %dma_start3A_114 : memref<1x128xi32, #tpu.memory_space<vmem>> -> memref<128xi32, #tpu.memory_space<vmem>>
    %dma_start3A_116 = arith.constant 0 : i32
    %dma_start3A_117 = arith.constant 0 : i32
    %dma_start3A_118 = tpu.memref_slice %arg2[%dma_start3A_116, %dma_start3A_117] : memref<10240x64xf32, #tpu.memory_space<hbm>> -> memref<10240x64xf32, #tpu.memory_space<hbm>>
    %dma_start3A_119 = tpu.memref_slice %arg11[%dma_start3A_108] : memref<8x!tpu.dma_semaphore, #tpu.memory_space<semaphore_mem>> -> memref<1x!tpu.dma_semaphore, #tpu.memory_space<semaphore_mem>>
    %dma_start3A_120 = tpu.memref_squeeze %dma_start3A_119 : memref<1x!tpu.dma_semaphore, #tpu.memory_space<semaphore_mem>> -> memref<!tpu.dma_semaphore, #tpu.memory_space<semaphore_mem>>
    tpu.enqueue_indirect_dma source(%dma_start3A_118 : memref<10240x64xf32, #tpu.memory_space<hbm>>) target(%dma_start3A_112 : memref<128x64xf32, #tpu.memory_space<vmem>>) offsets(%dma_start3A_115 : memref<128xi32, #tpu.memory_space<vmem>>) semaphore(%dma_start3A_120 : memref<!tpu.dma_semaphore, #tpu.memory_space<semaphore_mem>>)
    %dma_start3A_121 = arith.constant 7 : i32
    %dma_start3A_122 = arith.constant 7 : i32
    %dma_start3A_123 = arith.constant 7 : i32
    %dma_start3A_124 = arith.constant 0 : i32
    %dma_start3A_125 = arith.constant 0 : i32
    %dma_start3A_126 = tpu.memref_slice %arg8[%dma_start3A_122, %dma_start3A_124, %dma_start3A_125] : memref<8x128x64xf32, #tpu.memory_space<vmem>> -> memref<1x128x64xf32, #tpu.memory_space<vmem>>
    %dma_start3A_127 = tpu.memref_squeeze %dma_start3A_126 : memref<1x128x64xf32, #tpu.memory_space<vmem>> -> memref<128x64xf32, #tpu.memory_space<vmem>>
    %dma_start3A_128 = arith.constant 0 : i32
    %dma_start3A_129 = tpu.memref_slice %arg6[%dma_start3A_121, %dma_start3A_128] : memref<80x128xi32, #tpu.memory_space<vmem>> -> memref<1x128xi32, #tpu.memory_space<vmem>>
    %dma_start3A_130 = tpu.memref_squeeze %dma_start3A_129 : memref<1x128xi32, #tpu.memory_space<vmem>> -> memref<128xi32, #tpu.memory_space<vmem>>
    %dma_start3A_131 = arith.constant 0 : i32
    %dma_start3A_132 = arith.constant 0 : i32
    %dma_start3A_133 = tpu.memref_slice %arg2[%dma_start3A_131, %dma_start3A_132] : memref<10240x64xf32, #tpu.memory_space<hbm>> -> memref<10240x64xf32, #tpu.memory_space<hbm>>
    %dma_start3A_134 = tpu.memref_slice %arg11[%dma_start3A_123] : memref<8x!tpu.dma_semaphore, #tpu.memory_space<semaphore_mem>> -> memref<1x!tpu.dma_semaphore, #tpu.memory_space<semaphore_mem>>
    %dma_start3A_135 = tpu.memref_squeeze %dma_start3A_134 : memref<1x!tpu.dma_semaphore, #tpu.memory_space<semaphore_mem>> -> memref<!tpu.dma_semaphore, #tpu.memory_space<semaphore_mem>>
    tpu.enqueue_indirect_dma source(%dma_start3A_133 : memref<10240x64xf32, #tpu.memory_space<hbm>>) target(%dma_start3A_127 : memref<128x64xf32, #tpu.memory_space<vmem>>) offsets(%dma_start3A_130 : memref<128xi32, #tpu.memory_space<vmem>>) semaphore(%dma_start3A_135 : memref<!tpu.dma_semaphore, #tpu.memory_space<semaphore_mem>>)
    %scan3A_136 = arith.constant 0 : i32
    %scan3A_137 = arith.constant 0 : i32
    %scan3A_138 = arith.constant 10 : i32
    %scan3A_139 = arith.addi %scan3A_137, %scan3A_138 : i32
    %scan3A_140 = arith.constant 1 : i32
    %scan3A_141 = scf.for %scan3A_148 = %scan3A_137 to %scan3A_139 step %scan3A_140 iter_args(%scan3A_149 = %scan3A_136) -> (i32)  : i32 {
      %mul3A_150 = arith.constant 8 : i32
      %mul3A_151 = arith.muli %scan3A_148, %mul3A_150 : i32
      %add3A_152 = arith.constant 0 : i32
      %add3A_153 = arith.addi %mul3A_151, %add3A_152 : i32
      %dma_wait3A = arith.constant 0 : i32
      %dma_wait3A_154 = arith.constant 0 : i32
      %dma_wait3A_155 = arith.constant 0 : i32
      %dma_wait3A_156 = arith.constant 0 : i32
      %dma_wait3A_157 = tpu.memref_slice %arg8[%dma_wait3A, %dma_wait3A_155, %dma_wait3A_156] : memref<8x128x64xf32, #tpu.memory_space<vmem>> -> memref<1x128x64xf32, #tpu.memory_space<vmem>>
      %dma_wait3A_158 = tpu.memref_squeeze %dma_wait3A_157 : memref<1x128x64xf32, #tpu.memory_space<vmem>> -> memref<128x64xf32, #tpu.memory_space<vmem>>
      %dma_wait3A_159 = arith.constant 0 : i32
      %dma_wait3A_160 = tpu.memref_slice %arg6[%add3A_153, %dma_wait3A_159] : memref<80x128xi32, #tpu.memory_space<vmem>> -> memref<1x128xi32, #tpu.memory_space<vmem>>
      %dma_wait3A_161 = tpu.memref_squeeze %dma_wait3A_160 : memref<1x128xi32, #tpu.memory_space<vmem>> -> memref<128xi32, #tpu.memory_space<vmem>>
      %dma_wait3A_162 = arith.constant 0 : i32
      %dma_wait3A_163 = arith.constant 0 : i32
      %dma_wait3A_164 = tpu.memref_slice %arg2[%dma_wait3A_162, %dma_wait3A_163] : memref<10240x64xf32, #tpu.memory_space<hbm>> -> memref<10240x64xf32, #tpu.memory_space<hbm>>
      %dma_wait3A_165 = tpu.memref_slice %arg11[%dma_wait3A_154] : memref<8x!tpu.dma_semaphore, #tpu.memory_space<semaphore_mem>> -> memref<1x!tpu.dma_semaphore, #tpu.memory_space<semaphore_mem>>
      %dma_wait3A_166 = tpu.memref_squeeze %dma_wait3A_165 : memref<1x!tpu.dma_semaphore, #tpu.memory_space<semaphore_mem>> -> memref<!tpu.dma_semaphore, #tpu.memory_space<semaphore_mem>>
      tpu.wait_indirect_dma semaphore(%dma_wait3A_166 : memref<!tpu.dma_semaphore, #tpu.memory_space<semaphore_mem>>) src(%dma_wait3A_164 : memref<10240x64xf32, #tpu.memory_space<hbm>>) dst(%dma_wait3A_158 : memref<128x64xf32, #tpu.memory_space<vmem>>)
      %run_scoped3A = arith.constant 0 : i32
      "tpu.region"() ({
        %run_scoped3A_354 = tpu.sem_alloc : memref<!tpu.dma_semaphore, #tpu.memory_space<semaphore_mem>>
        %dma_start3A_355 = arith.constant 0 : i32
        %dma_start3A_356 = arith.constant 0 : i32
        %dma_start3A_357 = tpu.memref_slice %arg8[%run_scoped3A, %dma_start3A_355, %dma_start3A_356] : memref<8x128x64xf32, #tpu.memory_space<vmem>> -> memref<1x128x64xf32, #tpu.memory_space<vmem>>
        %dma_start3A_358 = tpu.memref_squeeze %dma_start3A_357 : memref<1x128x64xf32, #tpu.memory_space<vmem>> -> memref<128x64xf32, #tpu.memory_space<vmem>>
        %dma_start3A_359 = arith.constant 0 : i32
        %dma_start3A_360 = tpu.memref_slice %arg7[%add3A_153, %dma_start3A_359] : memref<80x128xi32, #tpu.memory_space<vmem>> -> memref<1x128xi32, #tpu.memory_space<vmem>>
        %dma_start3A_361 = tpu.memref_squeeze %dma_start3A_360 : memref<1x128xi32, #tpu.memory_space<vmem>> -> memref<128xi32, #tpu.memory_space<vmem>>
        %dma_start3A_362 = arith.constant 0 : i32
        %dma_start3A_363 = arith.constant 0 : i32
        %dma_start3A_364 = tpu.memref_slice %arg10[%dma_start3A_362, %dma_start3A_363] : memref<10240x64xf32, #tpu.memory_space<vmem_shared>> -> memref<10240x64xf32, #tpu.memory_space<vmem_shared>>
        tpu.enqueue_indirect_dma source(%dma_start3A_358 : memref<128x64xf32, #tpu.memory_space<vmem>>) target(%dma_start3A_364 : memref<10240x64xf32, #tpu.memory_space<vmem_shared>>) offsets(%dma_start3A_361 : memref<128xi32, #tpu.memory_space<vmem>>) semaphore(%run_scoped3A_354 : memref<!tpu.dma_semaphore, #tpu.memory_space<semaphore_mem>>) {add = true}
        %dma_wait3A_365 = arith.constant 0 : i32
        %dma_wait3A_366 = arith.constant 0 : i32
        %dma_wait3A_367 = tpu.memref_slice %arg8[%run_scoped3A, %dma_wait3A_365, %dma_wait3A_366] : memref<8x128x64xf32, #tpu.memory_space<vmem>> -> memref<1x128x64xf32, #tpu.memory_space<vmem>>
        %dma_wait3A_368 = tpu.memref_squeeze %dma_wait3A_367 : memref<1x128x64xf32, #tpu.memory_space<vmem>> -> memref<128x64xf32, #tpu.memory_space<vmem>>
        %dma_wait3A_369 = arith.constant 0 : i32
        %dma_wait3A_370 = tpu.memref_slice %arg7[%add3A_153, %dma_wait3A_369] : memref<80x128xi32, #tpu.memory_space<vmem>> -> memref<1x128xi32, #tpu.memory_space<vmem>>
        %dma_wait3A_371 = tpu.memref_squeeze %dma_wait3A_370 : memref<1x128xi32, #tpu.memory_space<vmem>> -> memref<128xi32, #tpu.memory_space<vmem>>
        %dma_wait3A_372 = arith.constant 0 : i32
        %dma_wait3A_373 = arith.constant 0 : i32
        %dma_wait3A_374 = tpu.memref_slice %arg10[%dma_wait3A_372, %dma_wait3A_373] : memref<10240x64xf32, #tpu.memory_space<vmem_shared>> -> memref<10240x64xf32, #tpu.memory_space<vmem_shared>>
        tpu.wait_indirect_dma semaphore(%run_scoped3A_354 : memref<!tpu.dma_semaphore, #tpu.memory_space<semaphore_mem>>) src(%dma_wait3A_368 : memref<128x64xf32, #tpu.memory_space<vmem>>) dst(%dma_wait3A_374 : memref<10240x64xf32, #tpu.memory_space<vmem_shared>>)
        tpu.yield
      }) : () -> ()
      %add3A_167 = arith.constant 8 : i32
      %add3A_168 = arith.addi %add3A_153, %add3A_167 : i32
      %lt3A = arith.constant 80 : i32
      %lt3A_169 = arith.cmpi slt, %add3A_168, %lt3A : i32
      %convert_element_type3A = arith.extui %lt3A_169 : i1 to i32
      %cond3A = arith.constant 0 : i32
      %cond3A_170 = arith.cmpi ne, %convert_element_type3A, %cond3A : i32
      scf.if %cond3A_170 {
        %add3A_354 = arith.constant 8 : i32
        %add3A_355 = arith.addi %add3A_153, %add3A_354 : i32
        %dma_start3A_356 = arith.constant 0 : i32
        %dma_start3A_357 = arith.constant 0 : i32
        %dma_start3A_358 = arith.constant 0 : i32
        %dma_start3A_359 = arith.constant 0 : i32
        %dma_start3A_360 = tpu.memref_slice %arg8[%dma_start3A_356, %dma_start3A_358, %dma_start3A_359] : memref<8x128x64xf32, #tpu.memory_space<vmem>> -> memref<1x128x64xf32, #tpu.memory_space<vmem>>
        %dma_start3A_361 = tpu.memref_squeeze %dma_start3A_360 : memref<1x128x64xf32, #tpu.memory_space<vmem>> -> memref<128x64xf32, #tpu.memory_space<vmem>>
        %dma_start3A_362 = arith.constant 0 : i32
        %dma_start3A_363 = tpu.memref_slice %arg6[%add3A_355, %dma_start3A_362] : memref<80x128xi32, #tpu.memory_space<vmem>> -> memref<1x128xi32, #tpu.memory_space<vmem>>
        %dma_start3A_364 = tpu.memref_squeeze %dma_start3A_363 : memref<1x128xi32, #tpu.memory_space<vmem>> -> memref<128xi32, #tpu.memory_space<vmem>>
        %dma_start3A_365 = arith.constant 0 : i32
        %dma_start3A_366 = arith.constant 0 : i32
        %dma_start3A_367 = tpu.memref_slice %arg2[%dma_start3A_365, %dma_start3A_366] : memref<10240x64xf32, #tpu.memory_space<hbm>> -> memref<10240x64xf32, #tpu.memory_space<hbm>>
        %dma_start3A_368 = tpu.memref_slice %arg11[%dma_start3A_357] : memref<8x!tpu.dma_semaphore, #tpu.memory_space<semaphore_mem>> -> memref<1x!tpu.dma_semaphore, #tpu.memory_space<semaphore_mem>>
        %dma_start3A_369 = tpu.memref_squeeze %dma_start3A_368 : memref<1x!tpu.dma_semaphore, #tpu.memory_space<semaphore_mem>> -> memref<!tpu.dma_semaphore, #tpu.memory_space<semaphore_mem>>
        tpu.enqueue_indirect_dma source(%dma_start3A_367 : memref<10240x64xf32, #tpu.memory_space<hbm>>) target(%dma_start3A_361 : memref<128x64xf32, #tpu.memory_space<vmem>>) offsets(%dma_start3A_364 : memref<128xi32, #tpu.memory_space<vmem>>) semaphore(%dma_start3A_369 : memref<!tpu.dma_semaphore, #tpu.memory_space<semaphore_mem>>)
      } else {
      }
      %mul3A_171 = arith.constant 8 : i32
      %mul3A_172 = arith.muli %scan3A_148, %mul3A_171 : i32
      %add3A_173 = arith.constant 1 : i32
      %add3A_174 = arith.addi %mul3A_172, %add3A_173 : i32
      %dma_wait3A_175 = arith.constant 1 : i32
      %dma_wait3A_176 = arith.constant 1 : i32
      %dma_wait3A_177 = arith.constant 0 : i32
      %dma_wait3A_178 = arith.constant 0 : i32
      %dma_wait3A_179 = tpu.memref_slice %arg8[%dma_wait3A_175, %dma_wait3A_177, %dma_wait3A_178] : memref<8x128x64xf32, #tpu.memory_space<vmem>> -> memref<1x128x64xf32, #tpu.memory_space<vmem>>
      %dma_wait3A_180 = tpu.memref_squeeze %dma_wait3A_179 : memref<1x128x64xf32, #tpu.memory_space<vmem>> -> memref<128x64xf32, #tpu.memory_space<vmem>>
      %dma_wait3A_181 = arith.constant 0 : i32
      %dma_wait3A_182 = tpu.memref_slice %arg6[%add3A_174, %dma_wait3A_181] : memref<80x128xi32, #tpu.memory_space<vmem>> -> memref<1x128xi32, #tpu.memory_space<vmem>>
      %dma_wait3A_183 = tpu.memref_squeeze %dma_wait3A_182 : memref<1x128xi32, #tpu.memory_space<vmem>> -> memref<128xi32, #tpu.memory_space<vmem>>
      %dma_wait3A_184 = arith.constant 0 : i32
      %dma_wait3A_185 = arith.constant 0 : i32
      %dma_wait3A_186 = tpu.memref_slice %arg2[%dma_wait3A_184, %dma_wait3A_185] : memref<10240x64xf32, #tpu.memory_space<hbm>> -> memref<10240x64xf32, #tpu.memory_space<hbm>>
      %dma_wait3A_187 = tpu.memref_slice %arg11[%dma_wait3A_176] : memref<8x!tpu.dma_semaphore, #tpu.memory_space<semaphore_mem>> -> memref<1x!tpu.dma_semaphore, #tpu.memory_space<semaphore_mem>>
      %dma_wait3A_188 = tpu.memref_squeeze %dma_wait3A_187 : memref<1x!tpu.dma_semaphore, #tpu.memory_space<semaphore_mem>> -> memref<!tpu.dma_semaphore, #tpu.memory_space<semaphore_mem>>
      tpu.wait_indirect_dma semaphore(%dma_wait3A_188 : memref<!tpu.dma_semaphore, #tpu.memory_space<semaphore_mem>>) src(%dma_wait3A_186 : memref<10240x64xf32, #tpu.memory_space<hbm>>) dst(%dma_wait3A_180 : memref<128x64xf32, #tpu.memory_space<vmem>>)
      %run_scoped3A_189 = arith.constant 1 : i32
      "tpu.region"() ({
        %run_scoped3A_354 = tpu.sem_alloc : memref<!tpu.dma_semaphore, #tpu.memory_space<semaphore_mem>>
        %dma_start3A_355 = arith.constant 0 : i32
        %dma_start3A_356 = arith.constant 0 : i32
        %dma_start3A_357 = tpu.memref_slice %arg8[%run_scoped3A_189, %dma_start3A_355, %dma_start3A_356] : memref<8x128x64xf32, #tpu.memory_space<vmem>> -> memref<1x128x64xf32, #tpu.memory_space<vmem>>
        %dma_start3A_358 = tpu.memref_squeeze %dma_start3A_357 : memref<1x128x64xf32, #tpu.memory_space<vmem>> -> memref<128x64xf32, #tpu.memory_space<vmem>>
        %dma_start3A_359 = arith.constant 0 : i32
        %dma_start3A_360 = tpu.memref_slice %arg7[%add3A_174, %dma_start3A_359] : memref<80x128xi32, #tpu.memory_space<vmem>> -> memref<1x128xi32, #tpu.memory_space<vmem>>
        %dma_start3A_361 = tpu.memref_squeeze %dma_start3A_360 : memref<1x128xi32, #tpu.memory_space<vmem>> -> memref<128xi32, #tpu.memory_space<vmem>>
        %dma_start3A_362 = arith.constant 0 : i32
        %dma_start3A_363 = arith.constant 0 : i32
        %dma_start3A_364 = tpu.memref_slice %arg10[%dma_start3A_362, %dma_start3A_363] : memref<10240x64xf32, #tpu.memory_space<vmem_shared>> -> memref<10240x64xf32, #tpu.memory_space<vmem_shared>>
        tpu.enqueue_indirect_dma source(%dma_start3A_358 : memref<128x64xf32, #tpu.memory_space<vmem>>) target(%dma_start3A_364 : memref<10240x64xf32, #tpu.memory_space<vmem_shared>>) offsets(%dma_start3A_361 : memref<128xi32, #tpu.memory_space<vmem>>) semaphore(%run_scoped3A_354 : memref<!tpu.dma_semaphore, #tpu.memory_space<semaphore_mem>>) {add = true}
        %dma_wait3A_365 = arith.constant 0 : i32
        %dma_wait3A_366 = arith.constant 0 : i32
        %dma_wait3A_367 = tpu.memref_slice %arg8[%run_scoped3A_189, %dma_wait3A_365, %dma_wait3A_366] : memref<8x128x64xf32, #tpu.memory_space<vmem>> -> memref<1x128x64xf32, #tpu.memory_space<vmem>>
        %dma_wait3A_368 = tpu.memref_squeeze %dma_wait3A_367 : memref<1x128x64xf32, #tpu.memory_space<vmem>> -> memref<128x64xf32, #tpu.memory_space<vmem>>
        %dma_wait3A_369 = arith.constant 0 : i32
        %dma_wait3A_370 = tpu.memref_slice %arg7[%add3A_174, %dma_wait3A_369] : memref<80x128xi32, #tpu.memory_space<vmem>> -> memref<1x128xi32, #tpu.memory_space<vmem>>
        %dma_wait3A_371 = tpu.memref_squeeze %dma_wait3A_370 : memref<1x128xi32, #tpu.memory_space<vmem>> -> memref<128xi32, #tpu.memory_space<vmem>>
        %dma_wait3A_372 = arith.constant 0 : i32
        %dma_wait3A_373 = arith.constant 0 : i32
        %dma_wait3A_374 = tpu.memref_slice %arg10[%dma_wait3A_372, %dma_wait3A_373] : memref<10240x64xf32, #tpu.memory_space<vmem_shared>> -> memref<10240x64xf32, #tpu.memory_space<vmem_shared>>
        tpu.wait_indirect_dma semaphore(%run_scoped3A_354 : memref<!tpu.dma_semaphore, #tpu.memory_space<semaphore_mem>>) src(%dma_wait3A_368 : memref<128x64xf32, #tpu.memory_space<vmem>>) dst(%dma_wait3A_374 : memref<10240x64xf32, #tpu.memory_space<vmem_shared>>)
        tpu.yield
      }) : () -> ()
      %add3A_190 = arith.constant 8 : i32
      %add3A_191 = arith.addi %add3A_174, %add3A_190 : i32
      %lt3A_192 = arith.constant 80 : i32
      %lt3A_193 = arith.cmpi slt, %add3A_191, %lt3A_192 : i32
      %convert_element_type3A_194 = arith.extui %lt3A_193 : i1 to i32
      %cond3A_195 = arith.constant 0 : i32
      %cond3A_196 = arith.cmpi ne, %convert_element_type3A_194, %cond3A_195 : i32
      scf.if %cond3A_196 {
        %add3A_354 = arith.constant 8 : i32
        %add3A_355 = arith.addi %add3A_174, %add3A_354 : i32
        %dma_start3A_356 = arith.constant 1 : i32
        %dma_start3A_357 = arith.constant 1 : i32
        %dma_start3A_358 = arith.constant 0 : i32
        %dma_start3A_359 = arith.constant 0 : i32
        %dma_start3A_360 = tpu.memref_slice %arg8[%dma_start3A_356, %dma_start3A_358, %dma_start3A_359] : memref<8x128x64xf32, #tpu.memory_space<vmem>> -> memref<1x128x64xf32, #tpu.memory_space<vmem>>
        %dma_start3A_361 = tpu.memref_squeeze %dma_start3A_360 : memref<1x128x64xf32, #tpu.memory_space<vmem>> -> memref<128x64xf32, #tpu.memory_space<vmem>>
        %dma_start3A_362 = arith.constant 0 : i32
        %dma_start3A_363 = tpu.memref_slice %arg6[%add3A_355, %dma_start3A_362] : memref<80x128xi32, #tpu.memory_space<vmem>> -> memref<1x128xi32, #tpu.memory_space<vmem>>
        %dma_start3A_364 = tpu.memref_squeeze %dma_start3A_363 : memref<1x128xi32, #tpu.memory_space<vmem>> -> memref<128xi32, #tpu.memory_space<vmem>>
        %dma_start3A_365 = arith.constant 0 : i32
        %dma_start3A_366 = arith.constant 0 : i32
        %dma_start3A_367 = tpu.memref_slice %arg2[%dma_start3A_365, %dma_start3A_366] : memref<10240x64xf32, #tpu.memory_space<hbm>> -> memref<10240x64xf32, #tpu.memory_space<hbm>>
        %dma_start3A_368 = tpu.memref_slice %arg11[%dma_start3A_357] : memref<8x!tpu.dma_semaphore, #tpu.memory_space<semaphore_mem>> -> memref<1x!tpu.dma_semaphore, #tpu.memory_space<semaphore_mem>>
        %dma_start3A_369 = tpu.memref_squeeze %dma_start3A_368 : memref<1x!tpu.dma_semaphore, #tpu.memory_space<semaphore_mem>> -> memref<!tpu.dma_semaphore, #tpu.memory_space<semaphore_mem>>
        tpu.enqueue_indirect_dma source(%dma_start3A_367 : memref<10240x64xf32, #tpu.memory_space<hbm>>) target(%dma_start3A_361 : memref<128x64xf32, #tpu.memory_space<vmem>>) offsets(%dma_start3A_364 : memref<128xi32, #tpu.memory_space<vmem>>) semaphore(%dma_start3A_369 : memref<!tpu.dma_semaphore, #tpu.memory_space<semaphore_mem>>)
      } else {
      }
      %mul3A_197 = arith.constant 8 : i32
      %mul3A_198 = arith.muli %scan3A_148, %mul3A_197 : i32
      %add3A_199 = arith.constant 2 : i32
      %add3A_200 = arith.addi %mul3A_198, %add3A_199 : i32
      %dma_wait3A_201 = arith.constant 2 : i32
      %dma_wait3A_202 = arith.constant 2 : i32
      %dma_wait3A_203 = arith.constant 0 : i32
      %dma_wait3A_204 = arith.constant 0 : i32
      %dma_wait3A_205 = tpu.memref_slice %arg8[%dma_wait3A_201, %dma_wait3A_203, %dma_wait3A_204] : memref<8x128x64xf32, #tpu.memory_space<vmem>> -> memref<1x128x64xf32, #tpu.memory_space<vmem>>
      %dma_wait3A_206 = tpu.memref_squeeze %dma_wait3A_205 : memref<1x128x64xf32, #tpu.memory_space<vmem>> -> memref<128x64xf32, #tpu.memory_space<vmem>>
      %dma_wait3A_207 = arith.constant 0 : i32
      %dma_wait3A_208 = tpu.memref_slice %arg6[%add3A_200, %dma_wait3A_207] : memref<80x128xi32, #tpu.memory_space<vmem>> -> memref<1x128xi32, #tpu.memory_space<vmem>>
      %dma_wait3A_209 = tpu.memref_squeeze %dma_wait3A_208 : memref<1x128xi32, #tpu.memory_space<vmem>> -> memref<128xi32, #tpu.memory_space<vmem>>
      %dma_wait3A_210 = arith.constant 0 : i32
      %dma_wait3A_211 = arith.constant 0 : i32
      %dma_wait3A_212 = tpu.memref_slice %arg2[%dma_wait3A_210, %dma_wait3A_211] : memref<10240x64xf32, #tpu.memory_space<hbm>> -> memref<10240x64xf32, #tpu.memory_space<hbm>>
      %dma_wait3A_213 = tpu.memref_slice %arg11[%dma_wait3A_202] : memref<8x!tpu.dma_semaphore, #tpu.memory_space<semaphore_mem>> -> memref<1x!tpu.dma_semaphore, #tpu.memory_space<semaphore_mem>>
      %dma_wait3A_214 = tpu.memref_squeeze %dma_wait3A_213 : memref<1x!tpu.dma_semaphore, #tpu.memory_space<semaphore_mem>> -> memref<!tpu.dma_semaphore, #tpu.memory_space<semaphore_mem>>
      tpu.wait_indirect_dma semaphore(%dma_wait3A_214 : memref<!tpu.dma_semaphore, #tpu.memory_space<semaphore_mem>>) src(%dma_wait3A_212 : memref<10240x64xf32, #tpu.memory_space<hbm>>) dst(%dma_wait3A_206 : memref<128x64xf32, #tpu.memory_space<vmem>>)
      %run_scoped3A_215 = arith.constant 2 : i32
      "tpu.region"() ({
        %run_scoped3A_354 = tpu.sem_alloc : memref<!tpu.dma_semaphore, #tpu.memory_space<semaphore_mem>>
        %dma_start3A_355 = arith.constant 0 : i32
        %dma_start3A_356 = arith.constant 0 : i32
        %dma_start3A_357 = tpu.memref_slice %arg8[%run_scoped3A_215, %dma_start3A_355, %dma_start3A_356] : memref<8x128x64xf32, #tpu.memory_space<vmem>> -> memref<1x128x64xf32, #tpu.memory_space<vmem>>
        %dma_start3A_358 = tpu.memref_squeeze %dma_start3A_357 : memref<1x128x64xf32, #tpu.memory_space<vmem>> -> memref<128x64xf32, #tpu.memory_space<vmem>>
        %dma_start3A_359 = arith.constant 0 : i32
        %dma_start3A_360 = tpu.memref_slice %arg7[%add3A_200, %dma_start3A_359] : memref<80x128xi32, #tpu.memory_space<vmem>> -> memref<1x128xi32, #tpu.memory_space<vmem>>
        %dma_start3A_361 = tpu.memref_squeeze %dma_start3A_360 : memref<1x128xi32, #tpu.memory_space<vmem>> -> memref<128xi32, #tpu.memory_space<vmem>>
        %dma_start3A_362 = arith.constant 0 : i32
        %dma_start3A_363 = arith.constant 0 : i32
        %dma_start3A_364 = tpu.memref_slice %arg10[%dma_start3A_362, %dma_start3A_363] : memref<10240x64xf32, #tpu.memory_space<vmem_shared>> -> memref<10240x64xf32, #tpu.memory_space<vmem_shared>>
        tpu.enqueue_indirect_dma source(%dma_start3A_358 : memref<128x64xf32, #tpu.memory_space<vmem>>) target(%dma_start3A_364 : memref<10240x64xf32, #tpu.memory_space<vmem_shared>>) offsets(%dma_start3A_361 : memref<128xi32, #tpu.memory_space<vmem>>) semaphore(%run_scoped3A_354 : memref<!tpu.dma_semaphore, #tpu.memory_space<semaphore_mem>>) {add = true}
        %dma_wait3A_365 = arith.constant 0 : i32
        %dma_wait3A_366 = arith.constant 0 : i32
        %dma_wait3A_367 = tpu.memref_slice %arg8[%run_scoped3A_215, %dma_wait3A_365, %dma_wait3A_366] : memref<8x128x64xf32, #tpu.memory_space<vmem>> -> memref<1x128x64xf32, #tpu.memory_space<vmem>>
        %dma_wait3A_368 = tpu.memref_squeeze %dma_wait3A_367 : memref<1x128x64xf32, #tpu.memory_space<vmem>> -> memref<128x64xf32, #tpu.memory_space<vmem>>
        %dma_wait3A_369 = arith.constant 0 : i32
        %dma_wait3A_370 = tpu.memref_slice %arg7[%add3A_200, %dma_wait3A_369] : memref<80x128xi32, #tpu.memory_space<vmem>> -> memref<1x128xi32, #tpu.memory_space<vmem>>
        %dma_wait3A_371 = tpu.memref_squeeze %dma_wait3A_370 : memref<1x128xi32, #tpu.memory_space<vmem>> -> memref<128xi32, #tpu.memory_space<vmem>>
        %dma_wait3A_372 = arith.constant 0 : i32
        %dma_wait3A_373 = arith.constant 0 : i32
        %dma_wait3A_374 = tpu.memref_slice %arg10[%dma_wait3A_372, %dma_wait3A_373] : memref<10240x64xf32, #tpu.memory_space<vmem_shared>> -> memref<10240x64xf32, #tpu.memory_space<vmem_shared>>
        tpu.wait_indirect_dma semaphore(%run_scoped3A_354 : memref<!tpu.dma_semaphore, #tpu.memory_space<semaphore_mem>>) src(%dma_wait3A_368 : memref<128x64xf32, #tpu.memory_space<vmem>>) dst(%dma_wait3A_374 : memref<10240x64xf32, #tpu.memory_space<vmem_shared>>)
        tpu.yield
      }) : () -> ()
      %add3A_216 = arith.constant 8 : i32
      %add3A_217 = arith.addi %add3A_200, %add3A_216 : i32
      %lt3A_218 = arith.constant 80 : i32
      %lt3A_219 = arith.cmpi slt, %add3A_217, %lt3A_218 : i32
      %convert_element_type3A_220 = arith.extui %lt3A_219 : i1 to i32
      %cond3A_221 = arith.constant 0 : i32
      %cond3A_222 = arith.cmpi ne, %convert_element_type3A_220, %cond3A_221 : i32
      scf.if %cond3A_222 {
        %add3A_354 = arith.constant 8 : i32
        %add3A_355 = arith.addi %add3A_200, %add3A_354 : i32
        %dma_start3A_356 = arith.constant 2 : i32
        %dma_start3A_357 = arith.constant 2 : i32
        %dma_start3A_358 = arith.constant 0 : i32
        %dma_start3A_359 = arith.constant 0 : i32
        %dma_start3A_360 = tpu.memref_slice %arg8[%dma_start3A_356, %dma_start3A_358, %dma_start3A_359] : memref<8x128x64xf32, #tpu.memory_space<vmem>> -> memref<1x128x64xf32, #tpu.memory_space<vmem>>
        %dma_start3A_361 = tpu.memref_squeeze %dma_start3A_360 : memref<1x128x64xf32, #tpu.memory_space<vmem>> -> memref<128x64xf32, #tpu.memory_space<vmem>>
        %dma_start3A_362 = arith.constant 0 : i32
        %dma_start3A_363 = tpu.memref_slice %arg6[%add3A_355, %dma_start3A_362] : memref<80x128xi32, #tpu.memory_space<vmem>> -> memref<1x128xi32, #tpu.memory_space<vmem>>
        %dma_start3A_364 = tpu.memref_squeeze %dma_start3A_363 : memref<1x128xi32, #tpu.memory_space<vmem>> -> memref<128xi32, #tpu.memory_space<vmem>>
        %dma_start3A_365 = arith.constant 0 : i32
        %dma_start3A_366 = arith.constant 0 : i32
        %dma_start3A_367 = tpu.memref_slice %arg2[%dma_start3A_365, %dma_start3A_366] : memref<10240x64xf32, #tpu.memory_space<hbm>> -> memref<10240x64xf32, #tpu.memory_space<hbm>>
        %dma_start3A_368 = tpu.memref_slice %arg11[%dma_start3A_357] : memref<8x!tpu.dma_semaphore, #tpu.memory_space<semaphore_mem>> -> memref<1x!tpu.dma_semaphore, #tpu.memory_space<semaphore_mem>>
        %dma_start3A_369 = tpu.memref_squeeze %dma_start3A_368 : memref<1x!tpu.dma_semaphore, #tpu.memory_space<semaphore_mem>> -> memref<!tpu.dma_semaphore, #tpu.memory_space<semaphore_mem>>
        tpu.enqueue_indirect_dma source(%dma_start3A_367 : memref<10240x64xf32, #tpu.memory_space<hbm>>) target(%dma_start3A_361 : memref<128x64xf32, #tpu.memory_space<vmem>>) offsets(%dma_start3A_364 : memref<128xi32, #tpu.memory_space<vmem>>) semaphore(%dma_start3A_369 : memref<!tpu.dma_semaphore, #tpu.memory_space<semaphore_mem>>)
      } else {
      }
      %mul3A_223 = arith.constant 8 : i32
      %mul3A_224 = arith.muli %scan3A_148, %mul3A_223 : i32
      %add3A_225 = arith.constant 3 : i32
      %add3A_226 = arith.addi %mul3A_224, %add3A_225 : i32
      %dma_wait3A_227 = arith.constant 3 : i32
      %dma_wait3A_228 = arith.constant 3 : i32
      %dma_wait3A_229 = arith.constant 0 : i32
      %dma_wait3A_230 = arith.constant 0 : i32
      %dma_wait3A_231 = tpu.memref_slice %arg8[%dma_wait3A_227, %dma_wait3A_229, %dma_wait3A_230] : memref<8x128x64xf32, #tpu.memory_space<vmem>> -> memref<1x128x64xf32, #tpu.memory_space<vmem>>
      %dma_wait3A_232 = tpu.memref_squeeze %dma_wait3A_231 : memref<1x128x64xf32, #tpu.memory_space<vmem>> -> memref<128x64xf32, #tpu.memory_space<vmem>>
      %dma_wait3A_233 = arith.constant 0 : i32
      %dma_wait3A_234 = tpu.memref_slice %arg6[%add3A_226, %dma_wait3A_233] : memref<80x128xi32, #tpu.memory_space<vmem>> -> memref<1x128xi32, #tpu.memory_space<vmem>>
      %dma_wait3A_235 = tpu.memref_squeeze %dma_wait3A_234 : memref<1x128xi32, #tpu.memory_space<vmem>> -> memref<128xi32, #tpu.memory_space<vmem>>
      %dma_wait3A_236 = arith.constant 0 : i32
      %dma_wait3A_237 = arith.constant 0 : i32
      %dma_wait3A_238 = tpu.memref_slice %arg2[%dma_wait3A_236, %dma_wait3A_237] : memref<10240x64xf32, #tpu.memory_space<hbm>> -> memref<10240x64xf32, #tpu.memory_space<hbm>>
      %dma_wait3A_239 = tpu.memref_slice %arg11[%dma_wait3A_228] : memref<8x!tpu.dma_semaphore, #tpu.memory_space<semaphore_mem>> -> memref<1x!tpu.dma_semaphore, #tpu.memory_space<semaphore_mem>>
      %dma_wait3A_240 = tpu.memref_squeeze %dma_wait3A_239 : memref<1x!tpu.dma_semaphore, #tpu.memory_space<semaphore_mem>> -> memref<!tpu.dma_semaphore, #tpu.memory_space<semaphore_mem>>
      tpu.wait_indirect_dma semaphore(%dma_wait3A_240 : memref<!tpu.dma_semaphore, #tpu.memory_space<semaphore_mem>>) src(%dma_wait3A_238 : memref<10240x64xf32, #tpu.memory_space<hbm>>) dst(%dma_wait3A_232 : memref<128x64xf32, #tpu.memory_space<vmem>>)
      %run_scoped3A_241 = arith.constant 3 : i32
      "tpu.region"() ({
        %run_scoped3A_354 = tpu.sem_alloc : memref<!tpu.dma_semaphore, #tpu.memory_space<semaphore_mem>>
        %dma_start3A_355 = arith.constant 0 : i32
        %dma_start3A_356 = arith.constant 0 : i32
        %dma_start3A_357 = tpu.memref_slice %arg8[%run_scoped3A_241, %dma_start3A_355, %dma_start3A_356] : memref<8x128x64xf32, #tpu.memory_space<vmem>> -> memref<1x128x64xf32, #tpu.memory_space<vmem>>
        %dma_start3A_358 = tpu.memref_squeeze %dma_start3A_357 : memref<1x128x64xf32, #tpu.memory_space<vmem>> -> memref<128x64xf32, #tpu.memory_space<vmem>>
        %dma_start3A_359 = arith.constant 0 : i32
        %dma_start3A_360 = tpu.memref_slice %arg7[%add3A_226, %dma_start3A_359] : memref<80x128xi32, #tpu.memory_space<vmem>> -> memref<1x128xi32, #tpu.memory_space<vmem>>
        %dma_start3A_361 = tpu.memref_squeeze %dma_start3A_360 : memref<1x128xi32, #tpu.memory_space<vmem>> -> memref<128xi32, #tpu.memory_space<vmem>>
        %dma_start3A_362 = arith.constant 0 : i32
        %dma_start3A_363 = arith.constant 0 : i32
        %dma_start3A_364 = tpu.memref_slice %arg10[%dma_start3A_362, %dma_start3A_363] : memref<10240x64xf32, #tpu.memory_space<vmem_shared>> -> memref<10240x64xf32, #tpu.memory_space<vmem_shared>>
        tpu.enqueue_indirect_dma source(%dma_start3A_358 : memref<128x64xf32, #tpu.memory_space<vmem>>) target(%dma_start3A_364 : memref<10240x64xf32, #tpu.memory_space<vmem_shared>>) offsets(%dma_start3A_361 : memref<128xi32, #tpu.memory_space<vmem>>) semaphore(%run_scoped3A_354 : memref<!tpu.dma_semaphore, #tpu.memory_space<semaphore_mem>>) {add = true}
        %dma_wait3A_365 = arith.constant 0 : i32
        %dma_wait3A_366 = arith.constant 0 : i32
        %dma_wait3A_367 = tpu.memref_slice %arg8[%run_scoped3A_241, %dma_wait3A_365, %dma_wait3A_366] : memref<8x128x64xf32, #tpu.memory_space<vmem>> -> memref<1x128x64xf32, #tpu.memory_space<vmem>>
        %dma_wait3A_368 = tpu.memref_squeeze %dma_wait3A_367 : memref<1x128x64xf32, #tpu.memory_space<vmem>> -> memref<128x64xf32, #tpu.memory_space<vmem>>
        %dma_wait3A_369 = arith.constant 0 : i32
        %dma_wait3A_370 = tpu.memref_slice %arg7[%add3A_226, %dma_wait3A_369] : memref<80x128xi32, #tpu.memory_space<vmem>> -> memref<1x128xi32, #tpu.memory_space<vmem>>
        %dma_wait3A_371 = tpu.memref_squeeze %dma_wait3A_370 : memref<1x128xi32, #tpu.memory_space<vmem>> -> memref<128xi32, #tpu.memory_space<vmem>>
        %dma_wait3A_372 = arith.constant 0 : i32
        %dma_wait3A_373 = arith.constant 0 : i32
        %dma_wait3A_374 = tpu.memref_slice %arg10[%dma_wait3A_372, %dma_wait3A_373] : memref<10240x64xf32, #tpu.memory_space<vmem_shared>> -> memref<10240x64xf32, #tpu.memory_space<vmem_shared>>
        tpu.wait_indirect_dma semaphore(%run_scoped3A_354 : memref<!tpu.dma_semaphore, #tpu.memory_space<semaphore_mem>>) src(%dma_wait3A_368 : memref<128x64xf32, #tpu.memory_space<vmem>>) dst(%dma_wait3A_374 : memref<10240x64xf32, #tpu.memory_space<vmem_shared>>)
        tpu.yield
      }) : () -> ()
      %add3A_242 = arith.constant 8 : i32
      %add3A_243 = arith.addi %add3A_226, %add3A_242 : i32
      %lt3A_244 = arith.constant 80 : i32
      %lt3A_245 = arith.cmpi slt, %add3A_243, %lt3A_244 : i32
      %convert_element_type3A_246 = arith.extui %lt3A_245 : i1 to i32
      %cond3A_247 = arith.constant 0 : i32
      %cond3A_248 = arith.cmpi ne, %convert_element_type3A_246, %cond3A_247 : i32
      scf.if %cond3A_248 {
        %add3A_354 = arith.constant 8 : i32
        %add3A_355 = arith.addi %add3A_226, %add3A_354 : i32
        %dma_start3A_356 = arith.constant 3 : i32
        %dma_start3A_357 = arith.constant 3 : i32
        %dma_start3A_358 = arith.constant 0 : i32
        %dma_start3A_359 = arith.constant 0 : i32
        %dma_start3A_360 = tpu.memref_slice %arg8[%dma_start3A_356, %dma_start3A_358, %dma_start3A_359] : memref<8x128x64xf32, #tpu.memory_space<vmem>> -> memref<1x128x64xf32, #tpu.memory_space<vmem>>
        %dma_start3A_361 = tpu.memref_squeeze %dma_start3A_360 : memref<1x128x64xf32, #tpu.memory_space<vmem>> -> memref<128x64xf32, #tpu.memory_space<vmem>>
        %dma_start3A_362 = arith.constant 0 : i32
        %dma_start3A_363 = tpu.memref_slice %arg6[%add3A_355, %dma_start3A_362] : memref<80x128xi32, #tpu.memory_space<vmem>> -> memref<1x128xi32, #tpu.memory_space<vmem>>
        %dma_start3A_364 = tpu.memref_squeeze %dma_start3A_363 : memref<1x128xi32, #tpu.memory_space<vmem>> -> memref<128xi32, #tpu.memory_space<vmem>>
        %dma_start3A_365 = arith.constant 0 : i32
        %dma_start3A_366 = arith.constant 0 : i32
        %dma_start3A_367 = tpu.memref_slice %arg2[%dma_start3A_365, %dma_start3A_366] : memref<10240x64xf32, #tpu.memory_space<hbm>> -> memref<10240x64xf32, #tpu.memory_space<hbm>>
        %dma_start3A_368 = tpu.memref_slice %arg11[%dma_start3A_357] : memref<8x!tpu.dma_semaphore, #tpu.memory_space<semaphore_mem>> -> memref<1x!tpu.dma_semaphore, #tpu.memory_space<semaphore_mem>>
        %dma_start3A_369 = tpu.memref_squeeze %dma_start3A_368 : memref<1x!tpu.dma_semaphore, #tpu.memory_space<semaphore_mem>> -> memref<!tpu.dma_semaphore, #tpu.memory_space<semaphore_mem>>
        tpu.enqueue_indirect_dma source(%dma_start3A_367 : memref<10240x64xf32, #tpu.memory_space<hbm>>) target(%dma_start3A_361 : memref<128x64xf32, #tpu.memory_space<vmem>>) offsets(%dma_start3A_364 : memref<128xi32, #tpu.memory_space<vmem>>) semaphore(%dma_start3A_369 : memref<!tpu.dma_semaphore, #tpu.memory_space<semaphore_mem>>)
      } else {
      }
      %mul3A_249 = arith.constant 8 : i32
      %mul3A_250 = arith.muli %scan3A_148, %mul3A_249 : i32
      %add3A_251 = arith.constant 4 : i32
      %add3A_252 = arith.addi %mul3A_250, %add3A_251 : i32
      %dma_wait3A_253 = arith.constant 4 : i32
      %dma_wait3A_254 = arith.constant 4 : i32
      %dma_wait3A_255 = arith.constant 0 : i32
      %dma_wait3A_256 = arith.constant 0 : i32
      %dma_wait3A_257 = tpu.memref_slice %arg8[%dma_wait3A_253, %dma_wait3A_255, %dma_wait3A_256] : memref<8x128x64xf32, #tpu.memory_space<vmem>> -> memref<1x128x64xf32, #tpu.memory_space<vmem>>
      %dma_wait3A_258 = tpu.memref_squeeze %dma_wait3A_257 : memref<1x128x64xf32, #tpu.memory_space<vmem>> -> memref<128x64xf32, #tpu.memory_space<vmem>>
      %dma_wait3A_259 = arith.constant 0 : i32
      %dma_wait3A_260 = tpu.memref_slice %arg6[%add3A_252, %dma_wait3A_259] : memref<80x128xi32, #tpu.memory_space<vmem>> -> memref<1x128xi32, #tpu.memory_space<vmem>>
      %dma_wait3A_261 = tpu.memref_squeeze %dma_wait3A_260 : memref<1x128xi32, #tpu.memory_space<vmem>> -> memref<128xi32, #tpu.memory_space<vmem>>
      %dma_wait3A_262 = arith.constant 0 : i32
      %dma_wait3A_263 = arith.constant 0 : i32
      %dma_wait3A_264 = tpu.memref_slice %arg2[%dma_wait3A_262, %dma_wait3A_263] : memref<10240x64xf32, #tpu.memory_space<hbm>> -> memref<10240x64xf32, #tpu.memory_space<hbm>>
      %dma_wait3A_265 = tpu.memref_slice %arg11[%dma_wait3A_254] : memref<8x!tpu.dma_semaphore, #tpu.memory_space<semaphore_mem>> -> memref<1x!tpu.dma_semaphore, #tpu.memory_space<semaphore_mem>>
      %dma_wait3A_266 = tpu.memref_squeeze %dma_wait3A_265 : memref<1x!tpu.dma_semaphore, #tpu.memory_space<semaphore_mem>> -> memref<!tpu.dma_semaphore, #tpu.memory_space<semaphore_mem>>
      tpu.wait_indirect_dma semaphore(%dma_wait3A_266 : memref<!tpu.dma_semaphore, #tpu.memory_space<semaphore_mem>>) src(%dma_wait3A_264 : memref<10240x64xf32, #tpu.memory_space<hbm>>) dst(%dma_wait3A_258 : memref<128x64xf32, #tpu.memory_space<vmem>>)
      %run_scoped3A_267 = arith.constant 4 : i32
      "tpu.region"() ({
        %run_scoped3A_354 = tpu.sem_alloc : memref<!tpu.dma_semaphore, #tpu.memory_space<semaphore_mem>>
        %dma_start3A_355 = arith.constant 0 : i32
        %dma_start3A_356 = arith.constant 0 : i32
        %dma_start3A_357 = tpu.memref_slice %arg8[%run_scoped3A_267, %dma_start3A_355, %dma_start3A_356] : memref<8x128x64xf32, #tpu.memory_space<vmem>> -> memref<1x128x64xf32, #tpu.memory_space<vmem>>
        %dma_start3A_358 = tpu.memref_squeeze %dma_start3A_357 : memref<1x128x64xf32, #tpu.memory_space<vmem>> -> memref<128x64xf32, #tpu.memory_space<vmem>>
        %dma_start3A_359 = arith.constant 0 : i32
        %dma_start3A_360 = tpu.memref_slice %arg7[%add3A_252, %dma_start3A_359] : memref<80x128xi32, #tpu.memory_space<vmem>> -> memref<1x128xi32, #tpu.memory_space<vmem>>
        %dma_start3A_361 = tpu.memref_squeeze %dma_start3A_360 : memref<1x128xi32, #tpu.memory_space<vmem>> -> memref<128xi32, #tpu.memory_space<vmem>>
        %dma_start3A_362 = arith.constant 0 : i32
        %dma_start3A_363 = arith.constant 0 : i32
        %dma_start3A_364 = tpu.memref_slice %arg10[%dma_start3A_362, %dma_start3A_363] : memref<10240x64xf32, #tpu.memory_space<vmem_shared>> -> memref<10240x64xf32, #tpu.memory_space<vmem_shared>>
        tpu.enqueue_indirect_dma source(%dma_start3A_358 : memref<128x64xf32, #tpu.memory_space<vmem>>) target(%dma_start3A_364 : memref<10240x64xf32, #tpu.memory_space<vmem_shared>>) offsets(%dma_start3A_361 : memref<128xi32, #tpu.memory_space<vmem>>) semaphore(%run_scoped3A_354 : memref<!tpu.dma_semaphore, #tpu.memory_space<semaphore_mem>>) {add = true}
        %dma_wait3A_365 = arith.constant 0 : i32
        %dma_wait3A_366 = arith.constant 0 : i32
        %dma_wait3A_367 = tpu.memref_slice %arg8[%run_scoped3A_267, %dma_wait3A_365, %dma_wait3A_366] : memref<8x128x64xf32, #tpu.memory_space<vmem>> -> memref<1x128x64xf32, #tpu.memory_space<vmem>>
        %dma_wait3A_368 = tpu.memref_squeeze %dma_wait3A_367 : memref<1x128x64xf32, #tpu.memory_space<vmem>> -> memref<128x64xf32, #tpu.memory_space<vmem>>
        %dma_wait3A_369 = arith.constant 0 : i32
        %dma_wait3A_370 = tpu.memref_slice %arg7[%add3A_252, %dma_wait3A_369] : memref<80x128xi32, #tpu.memory_space<vmem>> -> memref<1x128xi32, #tpu.memory_space<vmem>>
        %dma_wait3A_371 = tpu.memref_squeeze %dma_wait3A_370 : memref<1x128xi32, #tpu.memory_space<vmem>> -> memref<128xi32, #tpu.memory_space<vmem>>
        %dma_wait3A_372 = arith.constant 0 : i32
        %dma_wait3A_373 = arith.constant 0 : i32
        %dma_wait3A_374 = tpu.memref_slice %arg10[%dma_wait3A_372, %dma_wait3A_373] : memref<10240x64xf32, #tpu.memory_space<vmem_shared>> -> memref<10240x64xf32, #tpu.memory_space<vmem_shared>>
        tpu.wait_indirect_dma semaphore(%run_scoped3A_354 : memref<!tpu.dma_semaphore, #tpu.memory_space<semaphore_mem>>) src(%dma_wait3A_368 : memref<128x64xf32, #tpu.memory_space<vmem>>) dst(%dma_wait3A_374 : memref<10240x64xf32, #tpu.memory_space<vmem_shared>>)
        tpu.yield
      }) : () -> ()
      %add3A_268 = arith.constant 8 : i32
      %add3A_269 = arith.addi %add3A_252, %add3A_268 : i32
      %lt3A_270 = arith.constant 80 : i32
      %lt3A_271 = arith.cmpi slt, %add3A_269, %lt3A_270 : i32
      %convert_element_type3A_272 = arith.extui %lt3A_271 : i1 to i32
      %cond3A_273 = arith.constant 0 : i32
      %cond3A_274 = arith.cmpi ne, %convert_element_type3A_272, %cond3A_273 : i32
      scf.if %cond3A_274 {
        %add3A_354 = arith.constant 8 : i32
        %add3A_355 = arith.addi %add3A_252, %add3A_354 : i32
        %dma_start3A_356 = arith.constant 4 : i32
        %dma_start3A_357 = arith.constant 4 : i32
        %dma_start3A_358 = arith.constant 0 : i32
        %dma_start3A_359 = arith.constant 0 : i32
        %dma_start3A_360 = tpu.memref_slice %arg8[%dma_start3A_356, %dma_start3A_358, %dma_start3A_359] : memref<8x128x64xf32, #tpu.memory_space<vmem>> -> memref<1x128x64xf32, #tpu.memory_space<vmem>>
        %dma_start3A_361 = tpu.memref_squeeze %dma_start3A_360 : memref<1x128x64xf32, #tpu.memory_space<vmem>> -> memref<128x64xf32, #tpu.memory_space<vmem>>
        %dma_start3A_362 = arith.constant 0 : i32
        %dma_start3A_363 = tpu.memref_slice %arg6[%add3A_355, %dma_start3A_362] : memref<80x128xi32, #tpu.memory_space<vmem>> -> memref<1x128xi32, #tpu.memory_space<vmem>>
        %dma_start3A_364 = tpu.memref_squeeze %dma_start3A_363 : memref<1x128xi32, #tpu.memory_space<vmem>> -> memref<128xi32, #tpu.memory_space<vmem>>
        %dma_start3A_365 = arith.constant 0 : i32
        %dma_start3A_366 = arith.constant 0 : i32
        %dma_start3A_367 = tpu.memref_slice %arg2[%dma_start3A_365, %dma_start3A_366] : memref<10240x64xf32, #tpu.memory_space<hbm>> -> memref<10240x64xf32, #tpu.memory_space<hbm>>
        %dma_start3A_368 = tpu.memref_slice %arg11[%dma_start3A_357] : memref<8x!tpu.dma_semaphore, #tpu.memory_space<semaphore_mem>> -> memref<1x!tpu.dma_semaphore, #tpu.memory_space<semaphore_mem>>
        %dma_start3A_369 = tpu.memref_squeeze %dma_start3A_368 : memref<1x!tpu.dma_semaphore, #tpu.memory_space<semaphore_mem>> -> memref<!tpu.dma_semaphore, #tpu.memory_space<semaphore_mem>>
        tpu.enqueue_indirect_dma source(%dma_start3A_367 : memref<10240x64xf32, #tpu.memory_space<hbm>>) target(%dma_start3A_361 : memref<128x64xf32, #tpu.memory_space<vmem>>) offsets(%dma_start3A_364 : memref<128xi32, #tpu.memory_space<vmem>>) semaphore(%dma_start3A_369 : memref<!tpu.dma_semaphore, #tpu.memory_space<semaphore_mem>>)
      } else {
      }
      %mul3A_275 = arith.constant 8 : i32
      %mul3A_276 = arith.muli %scan3A_148, %mul3A_275 : i32
      %add3A_277 = arith.constant 5 : i32
      %add3A_278 = arith.addi %mul3A_276, %add3A_277 : i32
      %dma_wait3A_279 = arith.constant 5 : i32
      %dma_wait3A_280 = arith.constant 5 : i32
      %dma_wait3A_281 = arith.constant 0 : i32
      %dma_wait3A_282 = arith.constant 0 : i32
      %dma_wait3A_283 = tpu.memref_slice %arg8[%dma_wait3A_279, %dma_wait3A_281, %dma_wait3A_282] : memref<8x128x64xf32, #tpu.memory_space<vmem>> -> memref<1x128x64xf32, #tpu.memory_space<vmem>>
      %dma_wait3A_284 = tpu.memref_squeeze %dma_wait3A_283 : memref<1x128x64xf32, #tpu.memory_space<vmem>> -> memref<128x64xf32, #tpu.memory_space<vmem>>
      %dma_wait3A_285 = arith.constant 0 : i32
      %dma_wait3A_286 = tpu.memref_slice %arg6[%add3A_278, %dma_wait3A_285] : memref<80x128xi32, #tpu.memory_space<vmem>> -> memref<1x128xi32, #tpu.memory_space<vmem>>
      %dma_wait3A_287 = tpu.memref_squeeze %dma_wait3A_286 : memref<1x128xi32, #tpu.memory_space<vmem>> -> memref<128xi32, #tpu.memory_space<vmem>>
      %dma_wait3A_288 = arith.constant 0 : i32
      %dma_wait3A_289 = arith.constant 0 : i32
      %dma_wait3A_290 = tpu.memref_slice %arg2[%dma_wait3A_288, %dma_wait3A_289] : memref<10240x64xf32, #tpu.memory_space<hbm>> -> memref<10240x64xf32, #tpu.memory_space<hbm>>
      %dma_wait3A_291 = tpu.memref_slice %arg11[%dma_wait3A_280] : memref<8x!tpu.dma_semaphore, #tpu.memory_space<semaphore_mem>> -> memref<1x!tpu.dma_semaphore, #tpu.memory_space<semaphore_mem>>
      %dma_wait3A_292 = tpu.memref_squeeze %dma_wait3A_291 : memref<1x!tpu.dma_semaphore, #tpu.memory_space<semaphore_mem>> -> memref<!tpu.dma_semaphore, #tpu.memory_space<semaphore_mem>>
      tpu.wait_indirect_dma semaphore(%dma_wait3A_292 : memref<!tpu.dma_semaphore, #tpu.memory_space<semaphore_mem>>) src(%dma_wait3A_290 : memref<10240x64xf32, #tpu.memory_space<hbm>>) dst(%dma_wait3A_284 : memref<128x64xf32, #tpu.memory_space<vmem>>)
      %run_scoped3A_293 = arith.constant 5 : i32
      "tpu.region"() ({
        %run_scoped3A_354 = tpu.sem_alloc : memref<!tpu.dma_semaphore, #tpu.memory_space<semaphore_mem>>
        %dma_start3A_355 = arith.constant 0 : i32
        %dma_start3A_356 = arith.constant 0 : i32
        %dma_start3A_357 = tpu.memref_slice %arg8[%run_scoped3A_293, %dma_start3A_355, %dma_start3A_356] : memref<8x128x64xf32, #tpu.memory_space<vmem>> -> memref<1x128x64xf32, #tpu.memory_space<vmem>>
        %dma_start3A_358 = tpu.memref_squeeze %dma_start3A_357 : memref<1x128x64xf32, #tpu.memory_space<vmem>> -> memref<128x64xf32, #tpu.memory_space<vmem>>
        %dma_start3A_359 = arith.constant 0 : i32
        %dma_start3A_360 = tpu.memref_slice %arg7[%add3A_278, %dma_start3A_359] : memref<80x128xi32, #tpu.memory_space<vmem>> -> memref<1x128xi32, #tpu.memory_space<vmem>>
        %dma_start3A_361 = tpu.memref_squeeze %dma_start3A_360 : memref<1x128xi32, #tpu.memory_space<vmem>> -> memref<128xi32, #tpu.memory_space<vmem>>
        %dma_start3A_362 = arith.constant 0 : i32
        %dma_start3A_363 = arith.constant 0 : i32
        %dma_start3A_364 = tpu.memref_slice %arg10[%dma_start3A_362, %dma_start3A_363] : memref<10240x64xf32, #tpu.memory_space<vmem_shared>> -> memref<10240x64xf32, #tpu.memory_space<vmem_shared>>
        tpu.enqueue_indirect_dma source(%dma_start3A_358 : memref<128x64xf32, #tpu.memory_space<vmem>>) target(%dma_start3A_364 : memref<10240x64xf32, #tpu.memory_space<vmem_shared>>) offsets(%dma_start3A_361 : memref<128xi32, #tpu.memory_space<vmem>>) semaphore(%run_scoped3A_354 : memref<!tpu.dma_semaphore, #tpu.memory_space<semaphore_mem>>) {add = true}
        %dma_wait3A_365 = arith.constant 0 : i32
        %dma_wait3A_366 = arith.constant 0 : i32
        %dma_wait3A_367 = tpu.memref_slice %arg8[%run_scoped3A_293, %dma_wait3A_365, %dma_wait3A_366] : memref<8x128x64xf32, #tpu.memory_space<vmem>> -> memref<1x128x64xf32, #tpu.memory_space<vmem>>
        %dma_wait3A_368 = tpu.memref_squeeze %dma_wait3A_367 : memref<1x128x64xf32, #tpu.memory_space<vmem>> -> memref<128x64xf32, #tpu.memory_space<vmem>>
        %dma_wait3A_369 = arith.constant 0 : i32
        %dma_wait3A_370 = tpu.memref_slice %arg7[%add3A_278, %dma_wait3A_369] : memref<80x128xi32, #tpu.memory_space<vmem>> -> memref<1x128xi32, #tpu.memory_space<vmem>>
        %dma_wait3A_371 = tpu.memref_squeeze %dma_wait3A_370 : memref<1x128xi32, #tpu.memory_space<vmem>> -> memref<128xi32, #tpu.memory_space<vmem>>
        %dma_wait3A_372 = arith.constant 0 : i32
        %dma_wait3A_373 = arith.constant 0 : i32
        %dma_wait3A_374 = tpu.memref_slice %arg10[%dma_wait3A_372, %dma_wait3A_373] : memref<10240x64xf32, #tpu.memory_space<vmem_shared>> -> memref<10240x64xf32, #tpu.memory_space<vmem_shared>>
        tpu.wait_indirect_dma semaphore(%run_scoped3A_354 : memref<!tpu.dma_semaphore, #tpu.memory_space<semaphore_mem>>) src(%dma_wait3A_368 : memref<128x64xf32, #tpu.memory_space<vmem>>) dst(%dma_wait3A_374 : memref<10240x64xf32, #tpu.memory_space<vmem_shared>>)
        tpu.yield
      }) : () -> ()
      %add3A_294 = arith.constant 8 : i32
      %add3A_295 = arith.addi %add3A_278, %add3A_294 : i32
      %lt3A_296 = arith.constant 80 : i32
      %lt3A_297 = arith.cmpi slt, %add3A_295, %lt3A_296 : i32
      %convert_element_type3A_298 = arith.extui %lt3A_297 : i1 to i32
      %cond3A_299 = arith.constant 0 : i32
      %cond3A_300 = arith.cmpi ne, %convert_element_type3A_298, %cond3A_299 : i32
      scf.if %cond3A_300 {
        %add3A_354 = arith.constant 8 : i32
        %add3A_355 = arith.addi %add3A_278, %add3A_354 : i32
        %dma_start3A_356 = arith.constant 5 : i32
        %dma_start3A_357 = arith.constant 5 : i32
        %dma_start3A_358 = arith.constant 0 : i32
        %dma_start3A_359 = arith.constant 0 : i32
        %dma_start3A_360 = tpu.memref_slice %arg8[%dma_start3A_356, %dma_start3A_358, %dma_start3A_359] : memref<8x128x64xf32, #tpu.memory_space<vmem>> -> memref<1x128x64xf32, #tpu.memory_space<vmem>>
        %dma_start3A_361 = tpu.memref_squeeze %dma_start3A_360 : memref<1x128x64xf32, #tpu.memory_space<vmem>> -> memref<128x64xf32, #tpu.memory_space<vmem>>
        %dma_start3A_362 = arith.constant 0 : i32
        %dma_start3A_363 = tpu.memref_slice %arg6[%add3A_355, %dma_start3A_362] : memref<80x128xi32, #tpu.memory_space<vmem>> -> memref<1x128xi32, #tpu.memory_space<vmem>>
        %dma_start3A_364 = tpu.memref_squeeze %dma_start3A_363 : memref<1x128xi32, #tpu.memory_space<vmem>> -> memref<128xi32, #tpu.memory_space<vmem>>
        %dma_start3A_365 = arith.constant 0 : i32
        %dma_start3A_366 = arith.constant 0 : i32
        %dma_start3A_367 = tpu.memref_slice %arg2[%dma_start3A_365, %dma_start3A_366] : memref<10240x64xf32, #tpu.memory_space<hbm>> -> memref<10240x64xf32, #tpu.memory_space<hbm>>
        %dma_start3A_368 = tpu.memref_slice %arg11[%dma_start3A_357] : memref<8x!tpu.dma_semaphore, #tpu.memory_space<semaphore_mem>> -> memref<1x!tpu.dma_semaphore, #tpu.memory_space<semaphore_mem>>
        %dma_start3A_369 = tpu.memref_squeeze %dma_start3A_368 : memref<1x!tpu.dma_semaphore, #tpu.memory_space<semaphore_mem>> -> memref<!tpu.dma_semaphore, #tpu.memory_space<semaphore_mem>>
        tpu.enqueue_indirect_dma source(%dma_start3A_367 : memref<10240x64xf32, #tpu.memory_space<hbm>>) target(%dma_start3A_361 : memref<128x64xf32, #tpu.memory_space<vmem>>) offsets(%dma_start3A_364 : memref<128xi32, #tpu.memory_space<vmem>>) semaphore(%dma_start3A_369 : memref<!tpu.dma_semaphore, #tpu.memory_space<semaphore_mem>>)
      } else {
      }
      %mul3A_301 = arith.constant 8 : i32
      %mul3A_302 = arith.muli %scan3A_148, %mul3A_301 : i32
      %add3A_303 = arith.constant 6 : i32
      %add3A_304 = arith.addi %mul3A_302, %add3A_303 : i32
      %dma_wait3A_305 = arith.constant 6 : i32
      %dma_wait3A_306 = arith.constant 6 : i32
      %dma_wait3A_307 = arith.constant 0 : i32
      %dma_wait3A_308 = arith.constant 0 : i32
      %dma_wait3A_309 = tpu.memref_slice %arg8[%dma_wait3A_305, %dma_wait3A_307, %dma_wait3A_308] : memref<8x128x64xf32, #tpu.memory_space<vmem>> -> memref<1x128x64xf32, #tpu.memory_space<vmem>>
      %dma_wait3A_310 = tpu.memref_squeeze %dma_wait3A_309 : memref<1x128x64xf32, #tpu.memory_space<vmem>> -> memref<128x64xf32, #tpu.memory_space<vmem>>
      %dma_wait3A_311 = arith.constant 0 : i32
      %dma_wait3A_312 = tpu.memref_slice %arg6[%add3A_304, %dma_wait3A_311] : memref<80x128xi32, #tpu.memory_space<vmem>> -> memref<1x128xi32, #tpu.memory_space<vmem>>
      %dma_wait3A_313 = tpu.memref_squeeze %dma_wait3A_312 : memref<1x128xi32, #tpu.memory_space<vmem>> -> memref<128xi32, #tpu.memory_space<vmem>>
      %dma_wait3A_314 = arith.constant 0 : i32
      %dma_wait3A_315 = arith.constant 0 : i32
      %dma_wait3A_316 = tpu.memref_slice %arg2[%dma_wait3A_314, %dma_wait3A_315] : memref<10240x64xf32, #tpu.memory_space<hbm>> -> memref<10240x64xf32, #tpu.memory_space<hbm>>
      %dma_wait3A_317 = tpu.memref_slice %arg11[%dma_wait3A_306] : memref<8x!tpu.dma_semaphore, #tpu.memory_space<semaphore_mem>> -> memref<1x!tpu.dma_semaphore, #tpu.memory_space<semaphore_mem>>
      %dma_wait3A_318 = tpu.memref_squeeze %dma_wait3A_317 : memref<1x!tpu.dma_semaphore, #tpu.memory_space<semaphore_mem>> -> memref<!tpu.dma_semaphore, #tpu.memory_space<semaphore_mem>>
      tpu.wait_indirect_dma semaphore(%dma_wait3A_318 : memref<!tpu.dma_semaphore, #tpu.memory_space<semaphore_mem>>) src(%dma_wait3A_316 : memref<10240x64xf32, #tpu.memory_space<hbm>>) dst(%dma_wait3A_310 : memref<128x64xf32, #tpu.memory_space<vmem>>)
      %run_scoped3A_319 = arith.constant 6 : i32
      "tpu.region"() ({
        %run_scoped3A_354 = tpu.sem_alloc : memref<!tpu.dma_semaphore, #tpu.memory_space<semaphore_mem>>
        %dma_start3A_355 = arith.constant 0 : i32
        %dma_start3A_356 = arith.constant 0 : i32
        %dma_start3A_357 = tpu.memref_slice %arg8[%run_scoped3A_319, %dma_start3A_355, %dma_start3A_356] : memref<8x128x64xf32, #tpu.memory_space<vmem>> -> memref<1x128x64xf32, #tpu.memory_space<vmem>>
        %dma_start3A_358 = tpu.memref_squeeze %dma_start3A_357 : memref<1x128x64xf32, #tpu.memory_space<vmem>> -> memref<128x64xf32, #tpu.memory_space<vmem>>
        %dma_start3A_359 = arith.constant 0 : i32
        %dma_start3A_360 = tpu.memref_slice %arg7[%add3A_304, %dma_start3A_359] : memref<80x128xi32, #tpu.memory_space<vmem>> -> memref<1x128xi32, #tpu.memory_space<vmem>>
        %dma_start3A_361 = tpu.memref_squeeze %dma_start3A_360 : memref<1x128xi32, #tpu.memory_space<vmem>> -> memref<128xi32, #tpu.memory_space<vmem>>
        %dma_start3A_362 = arith.constant 0 : i32
        %dma_start3A_363 = arith.constant 0 : i32
        %dma_start3A_364 = tpu.memref_slice %arg10[%dma_start3A_362, %dma_start3A_363] : memref<10240x64xf32, #tpu.memory_space<vmem_shared>> -> memref<10240x64xf32, #tpu.memory_space<vmem_shared>>
        tpu.enqueue_indirect_dma source(%dma_start3A_358 : memref<128x64xf32, #tpu.memory_space<vmem>>) target(%dma_start3A_364 : memref<10240x64xf32, #tpu.memory_space<vmem_shared>>) offsets(%dma_start3A_361 : memref<128xi32, #tpu.memory_space<vmem>>) semaphore(%run_scoped3A_354 : memref<!tpu.dma_semaphore, #tpu.memory_space<semaphore_mem>>) {add = true}
        %dma_wait3A_365 = arith.constant 0 : i32
        %dma_wait3A_366 = arith.constant 0 : i32
        %dma_wait3A_367 = tpu.memref_slice %arg8[%run_scoped3A_319, %dma_wait3A_365, %dma_wait3A_366] : memref<8x128x64xf32, #tpu.memory_space<vmem>> -> memref<1x128x64xf32, #tpu.memory_space<vmem>>
        %dma_wait3A_368 = tpu.memref_squeeze %dma_wait3A_367 : memref<1x128x64xf32, #tpu.memory_space<vmem>> -> memref<128x64xf32, #tpu.memory_space<vmem>>
        %dma_wait3A_369 = arith.constant 0 : i32
        %dma_wait3A_370 = tpu.memref_slice %arg7[%add3A_304, %dma_wait3A_369] : memref<80x128xi32, #tpu.memory_space<vmem>> -> memref<1x128xi32, #tpu.memory_space<vmem>>
        %dma_wait3A_371 = tpu.memref_squeeze %dma_wait3A_370 : memref<1x128xi32, #tpu.memory_space<vmem>> -> memref<128xi32, #tpu.memory_space<vmem>>
        %dma_wait3A_372 = arith.constant 0 : i32
        %dma_wait3A_373 = arith.constant 0 : i32
        %dma_wait3A_374 = tpu.memref_slice %arg10[%dma_wait3A_372, %dma_wait3A_373] : memref<10240x64xf32, #tpu.memory_space<vmem_shared>> -> memref<10240x64xf32, #tpu.memory_space<vmem_shared>>
        tpu.wait_indirect_dma semaphore(%run_scoped3A_354 : memref<!tpu.dma_semaphore, #tpu.memory_space<semaphore_mem>>) src(%dma_wait3A_368 : memref<128x64xf32, #tpu.memory_space<vmem>>) dst(%dma_wait3A_374 : memref<10240x64xf32, #tpu.memory_space<vmem_shared>>)
        tpu.yield
      }) : () -> ()
      %add3A_320 = arith.constant 8 : i32
      %add3A_321 = arith.addi %add3A_304, %add3A_320 : i32
      %lt3A_322 = arith.constant 80 : i32
      %lt3A_323 = arith.cmpi slt, %add3A_321, %lt3A_322 : i32
      %convert_element_type3A_324 = arith.extui %lt3A_323 : i1 to i32
      %cond3A_325 = arith.constant 0 : i32
      %cond3A_326 = arith.cmpi ne, %convert_element_type3A_324, %cond3A_325 : i32
      scf.if %cond3A_326 {
        %add3A_354 = arith.constant 8 : i32
        %add3A_355 = arith.addi %add3A_304, %add3A_354 : i32
        %dma_start3A_356 = arith.constant 6 : i32
        %dma_start3A_357 = arith.constant 6 : i32
        %dma_start3A_358 = arith.constant 0 : i32
        %dma_start3A_359 = arith.constant 0 : i32
        %dma_start3A_360 = tpu.memref_slice %arg8[%dma_start3A_356, %dma_start3A_358, %dma_start3A_359] : memref<8x128x64xf32, #tpu.memory_space<vmem>> -> memref<1x128x64xf32, #tpu.memory_space<vmem>>
        %dma_start3A_361 = tpu.memref_squeeze %dma_start3A_360 : memref<1x128x64xf32, #tpu.memory_space<vmem>> -> memref<128x64xf32, #tpu.memory_space<vmem>>
        %dma_start3A_362 = arith.constant 0 : i32
        %dma_start3A_363 = tpu.memref_slice %arg6[%add3A_355, %dma_start3A_362] : memref<80x128xi32, #tpu.memory_space<vmem>> -> memref<1x128xi32, #tpu.memory_space<vmem>>
        %dma_start3A_364 = tpu.memref_squeeze %dma_start3A_363 : memref<1x128xi32, #tpu.memory_space<vmem>> -> memref<128xi32, #tpu.memory_space<vmem>>
        %dma_start3A_365 = arith.constant 0 : i32
        %dma_start3A_366 = arith.constant 0 : i32
        %dma_start3A_367 = tpu.memref_slice %arg2[%dma_start3A_365, %dma_start3A_366] : memref<10240x64xf32, #tpu.memory_space<hbm>> -> memref<10240x64xf32, #tpu.memory_space<hbm>>
        %dma_start3A_368 = tpu.memref_slice %arg11[%dma_start3A_357] : memref<8x!tpu.dma_semaphore, #tpu.memory_space<semaphore_mem>> -> memref<1x!tpu.dma_semaphore, #tpu.memory_space<semaphore_mem>>
        %dma_start3A_369 = tpu.memref_squeeze %dma_start3A_368 : memref<1x!tpu.dma_semaphore, #tpu.memory_space<semaphore_mem>> -> memref<!tpu.dma_semaphore, #tpu.memory_space<semaphore_mem>>
        tpu.enqueue_indirect_dma source(%dma_start3A_367 : memref<10240x64xf32, #tpu.memory_space<hbm>>) target(%dma_start3A_361 : memref<128x64xf32, #tpu.memory_space<vmem>>) offsets(%dma_start3A_364 : memref<128xi32, #tpu.memory_space<vmem>>) semaphore(%dma_start3A_369 : memref<!tpu.dma_semaphore, #tpu.memory_space<semaphore_mem>>)
      } else {
      }
      %mul3A_327 = arith.constant 8 : i32
      %mul3A_328 = arith.muli %scan3A_148, %mul3A_327 : i32
      %add3A_329 = arith.constant 7 : i32
      %add3A_330 = arith.addi %mul3A_328, %add3A_329 : i32
      %dma_wait3A_331 = arith.constant 7 : i32
      %dma_wait3A_332 = arith.constant 7 : i32
      %dma_wait3A_333 = arith.constant 0 : i32
      %dma_wait3A_334 = arith.constant 0 : i32
      %dma_wait3A_335 = tpu.memref_slice %arg8[%dma_wait3A_331, %dma_wait3A_333, %dma_wait3A_334] : memref<8x128x64xf32, #tpu.memory_space<vmem>> -> memref<1x128x64xf32, #tpu.memory_space<vmem>>
      %dma_wait3A_336 = tpu.memref_squeeze %dma_wait3A_335 : memref<1x128x64xf32, #tpu.memory_space<vmem>> -> memref<128x64xf32, #tpu.memory_space<vmem>>
      %dma_wait3A_337 = arith.constant 0 : i32
      %dma_wait3A_338 = tpu.memref_slice %arg6[%add3A_330, %dma_wait3A_337] : memref<80x128xi32, #tpu.memory_space<vmem>> -> memref<1x128xi32, #tpu.memory_space<vmem>>
      %dma_wait3A_339 = tpu.memref_squeeze %dma_wait3A_338 : memref<1x128xi32, #tpu.memory_space<vmem>> -> memref<128xi32, #tpu.memory_space<vmem>>
      %dma_wait3A_340 = arith.constant 0 : i32
      %dma_wait3A_341 = arith.constant 0 : i32
      %dma_wait3A_342 = tpu.memref_slice %arg2[%dma_wait3A_340, %dma_wait3A_341] : memref<10240x64xf32, #tpu.memory_space<hbm>> -> memref<10240x64xf32, #tpu.memory_space<hbm>>
      %dma_wait3A_343 = tpu.memref_slice %arg11[%dma_wait3A_332] : memref<8x!tpu.dma_semaphore, #tpu.memory_space<semaphore_mem>> -> memref<1x!tpu.dma_semaphore, #tpu.memory_space<semaphore_mem>>
      %dma_wait3A_344 = tpu.memref_squeeze %dma_wait3A_343 : memref<1x!tpu.dma_semaphore, #tpu.memory_space<semaphore_mem>> -> memref<!tpu.dma_semaphore, #tpu.memory_space<semaphore_mem>>
      tpu.wait_indirect_dma semaphore(%dma_wait3A_344 : memref<!tpu.dma_semaphore, #tpu.memory_space<semaphore_mem>>) src(%dma_wait3A_342 : memref<10240x64xf32, #tpu.memory_space<hbm>>) dst(%dma_wait3A_336 : memref<128x64xf32, #tpu.memory_space<vmem>>)
      %run_scoped3A_345 = arith.constant 7 : i32
      "tpu.region"() ({
        %run_scoped3A_354 = tpu.sem_alloc : memref<!tpu.dma_semaphore, #tpu.memory_space<semaphore_mem>>
        %dma_start3A_355 = arith.constant 0 : i32
        %dma_start3A_356 = arith.constant 0 : i32
        %dma_start3A_357 = tpu.memref_slice %arg8[%run_scoped3A_345, %dma_start3A_355, %dma_start3A_356] : memref<8x128x64xf32, #tpu.memory_space<vmem>> -> memref<1x128x64xf32, #tpu.memory_space<vmem>>
        %dma_start3A_358 = tpu.memref_squeeze %dma_start3A_357 : memref<1x128x64xf32, #tpu.memory_space<vmem>> -> memref<128x64xf32, #tpu.memory_space<vmem>>
        %dma_start3A_359 = arith.constant 0 : i32
        %dma_start3A_360 = tpu.memref_slice %arg7[%add3A_330, %dma_start3A_359] : memref<80x128xi32, #tpu.memory_space<vmem>> -> memref<1x128xi32, #tpu.memory_space<vmem>>
        %dma_start3A_361 = tpu.memref_squeeze %dma_start3A_360 : memref<1x128xi32, #tpu.memory_space<vmem>> -> memref<128xi32, #tpu.memory_space<vmem>>
        %dma_start3A_362 = arith.constant 0 : i32
        %dma_start3A_363 = arith.constant 0 : i32
        %dma_start3A_364 = tpu.memref_slice %arg10[%dma_start3A_362, %dma_start3A_363] : memref<10240x64xf32, #tpu.memory_space<vmem_shared>> -> memref<10240x64xf32, #tpu.memory_space<vmem_shared>>
        tpu.enqueue_indirect_dma source(%dma_start3A_358 : memref<128x64xf32, #tpu.memory_space<vmem>>) target(%dma_start3A_364 : memref<10240x64xf32, #tpu.memory_space<vmem_shared>>) offsets(%dma_start3A_361 : memref<128xi32, #tpu.memory_space<vmem>>) semaphore(%run_scoped3A_354 : memref<!tpu.dma_semaphore, #tpu.memory_space<semaphore_mem>>) {add = true}
        %dma_wait3A_365 = arith.constant 0 : i32
        %dma_wait3A_366 = arith.constant 0 : i32
        %dma_wait3A_367 = tpu.memref_slice %arg8[%run_scoped3A_345, %dma_wait3A_365, %dma_wait3A_366] : memref<8x128x64xf32, #tpu.memory_space<vmem>> -> memref<1x128x64xf32, #tpu.memory_space<vmem>>
        %dma_wait3A_368 = tpu.memref_squeeze %dma_wait3A_367 : memref<1x128x64xf32, #tpu.memory_space<vmem>> -> memref<128x64xf32, #tpu.memory_space<vmem>>
        %dma_wait3A_369 = arith.constant 0 : i32
        %dma_wait3A_370 = tpu.memref_slice %arg7[%add3A_330, %dma_wait3A_369] : memref<80x128xi32, #tpu.memory_space<vmem>> -> memref<1x128xi32, #tpu.memory_space<vmem>>
        %dma_wait3A_371 = tpu.memref_squeeze %dma_wait3A_370 : memref<1x128xi32, #tpu.memory_space<vmem>> -> memref<128xi32, #tpu.memory_space<vmem>>
        %dma_wait3A_372 = arith.constant 0 : i32
        %dma_wait3A_373 = arith.constant 0 : i32
        %dma_wait3A_374 = tpu.memref_slice %arg10[%dma_wait3A_372, %dma_wait3A_373] : memref<10240x64xf32, #tpu.memory_space<vmem_shared>> -> memref<10240x64xf32, #tpu.memory_space<vmem_shared>>
        tpu.wait_indirect_dma semaphore(%run_scoped3A_354 : memref<!tpu.dma_semaphore, #tpu.memory_space<semaphore_mem>>) src(%dma_wait3A_368 : memref<128x64xf32, #tpu.memory_space<vmem>>) dst(%dma_wait3A_374 : memref<10240x64xf32, #tpu.memory_space<vmem_shared>>)
        tpu.yield
      }) : () -> ()
      %add3A_346 = arith.constant 8 : i32
      %add3A_347 = arith.addi %add3A_330, %add3A_346 : i32
      %lt3A_348 = arith.constant 80 : i32
      %lt3A_349 = arith.cmpi slt, %add3A_347, %lt3A_348 : i32
      %convert_element_type3A_350 = arith.extui %lt3A_349 : i1 to i32
      %cond3A_351 = arith.constant 0 : i32
      %cond3A_352 = arith.cmpi ne, %convert_element_type3A_350, %cond3A_351 : i32
      scf.if %cond3A_352 {
        %add3A_354 = arith.constant 8 : i32
        %add3A_355 = arith.addi %add3A_330, %add3A_354 : i32
        %dma_start3A_356 = arith.constant 7 : i32
        %dma_start3A_357 = arith.constant 7 : i32
        %dma_start3A_358 = arith.constant 0 : i32
        %dma_start3A_359 = arith.constant 0 : i32
        %dma_start3A_360 = tpu.memref_slice %arg8[%dma_start3A_356, %dma_start3A_358, %dma_start3A_359] : memref<8x128x64xf32, #tpu.memory_space<vmem>> -> memref<1x128x64xf32, #tpu.memory_space<vmem>>
        %dma_start3A_361 = tpu.memref_squeeze %dma_start3A_360 : memref<1x128x64xf32, #tpu.memory_space<vmem>> -> memref<128x64xf32, #tpu.memory_space<vmem>>
        %dma_start3A_362 = arith.constant 0 : i32
        %dma_start3A_363 = tpu.memref_slice %arg6[%add3A_355, %dma_start3A_362] : memref<80x128xi32, #tpu.memory_space<vmem>> -> memref<1x128xi32, #tpu.memory_space<vmem>>
        %dma_start3A_364 = tpu.memref_squeeze %dma_start3A_363 : memref<1x128xi32, #tpu.memory_space<vmem>> -> memref<128xi32, #tpu.memory_space<vmem>>
        %dma_start3A_365 = arith.constant 0 : i32
        %dma_start3A_366 = arith.constant 0 : i32
        %dma_start3A_367 = tpu.memref_slice %arg2[%dma_start3A_365, %dma_start3A_366] : memref<10240x64xf32, #tpu.memory_space<hbm>> -> memref<10240x64xf32, #tpu.memory_space<hbm>>
        %dma_start3A_368 = tpu.memref_slice %arg11[%dma_start3A_357] : memref<8x!tpu.dma_semaphore, #tpu.memory_space<semaphore_mem>> -> memref<1x!tpu.dma_semaphore, #tpu.memory_space<semaphore_mem>>
        %dma_start3A_369 = tpu.memref_squeeze %dma_start3A_368 : memref<1x!tpu.dma_semaphore, #tpu.memory_space<semaphore_mem>> -> memref<!tpu.dma_semaphore, #tpu.memory_space<semaphore_mem>>
        tpu.enqueue_indirect_dma source(%dma_start3A_367 : memref<10240x64xf32, #tpu.memory_space<hbm>>) target(%dma_start3A_361 : memref<128x64xf32, #tpu.memory_space<vmem>>) offsets(%dma_start3A_364 : memref<128xi32, #tpu.memory_space<vmem>>) semaphore(%dma_start3A_369 : memref<!tpu.dma_semaphore, #tpu.memory_space<semaphore_mem>>)
      } else {
      }
      %scan3A_353 = arith.constant 0 : i32
      scf.yield %scan3A_353 : i32
    }
    %scan3A_142 = arith.constant 10 : i32
    %barrier3A_143 = arith.constant 0 : index
    tpu.barrier barrier_id(%barrier3A_143)
    %mul3A_144 = arith.constant 640 : i32
    %mul3A_145 = arith.muli %arg1, %mul3A_144 : i32
    %mul3A_146 = arith.constant 640 : i32
    %mul3A_147 = arith.muli %arg1, %mul3A_146 : i32
    "tpu.region"() ({
      %run_scoped3A = tpu.sem_alloc : memref<!tpu.dma_semaphore, #tpu.memory_space<semaphore_mem>>
      %dma_start3A_148 = arith.constant 0 : i32
      %dma_start3A_149 = tpu.memref_slice %arg5[%arg0, %mul3A_147, %dma_start3A_148] : memref<2x10240x64xf32, #tpu.memory_space<hbm>> -> memref<1x640x64xf32, #tpu.memory_space<hbm>>
      %dma_start3A_150 = tpu.memref_squeeze %dma_start3A_149 : memref<1x640x64xf32, #tpu.memory_space<hbm>> -> memref<640x64xf32, #tpu.memory_space<hbm>>
      %dma_start3A_151 = arith.constant 0 : i32
      %dma_start3A_152 = tpu.memref_slice %arg10[%mul3A_145, %dma_start3A_151] : memref<10240x64xf32, #tpu.memory_space<vmem_shared>> -> memref<640x64xf32, #tpu.memory_space<vmem_shared>>
      tpu.enqueue_dma source(%dma_start3A_152 : memref<640x64xf32, #tpu.memory_space<vmem_shared>>) target(%dma_start3A_150 : memref<640x64xf32, #tpu.memory_space<hbm>>) target_semaphore(%run_scoped3A : memref<!tpu.dma_semaphore, #tpu.memory_space<semaphore_mem>>)
      %dma_wait3A = arith.constant 0 : i32
      %dma_wait3A_153 = tpu.memref_slice %arg5[%arg0, %mul3A_147, %dma_wait3A] : memref<2x10240x64xf32, #tpu.memory_space<hbm>> -> memref<1x640x64xf32, #tpu.memory_space<hbm>>
      %dma_wait3A_154 = tpu.memref_squeeze %dma_wait3A_153 : memref<1x640x64xf32, #tpu.memory_space<hbm>> -> memref<640x64xf32, #tpu.memory_space<hbm>>
      %dma_wait3A_155 = arith.constant 0 : i32
      %dma_wait3A_156 = tpu.memref_slice %arg10[%mul3A_145, %dma_wait3A_155] : memref<10240x64xf32, #tpu.memory_space<vmem_shared>> -> memref<640x64xf32, #tpu.memory_space<vmem_shared>>
      tpu.wait_dma2 semaphore(%run_scoped3A : memref<!tpu.dma_semaphore, #tpu.memory_space<semaphore_mem>>) src(%dma_wait3A_156 : memref<640x64xf32, #tpu.memory_space<vmem_shared>>) dst(%dma_wait3A_154 : memref<640x64xf32, #tpu.memory_space<hbm>>)
      tpu.yield
    }) : () -> ()
    return
  }
}

#map = affine_map<(d0, d1) -> (0, 0)>
#map1 = affine_map<(d0, d1) -> (0, 0, 0)>
module attributes {stable_mosaic.version = 14 : i64} {
  func.func @_scat_body(%arg0: i32, %arg1: i32, %arg2: memref<10240x64xf32, #tpu.memory_space<hbm>>, %arg3: memref<2560x128xi32, #tpu.memory_space<hbm>>, %arg4: memref<2560x128xi32, #tpu.memory_space<hbm>>, %arg5: memref<2x10240x64xf32, #tpu.memory_space<hbm>>, %arg6: memref<80x128xi32, #tpu.memory_space<vmem>>, %arg7: memref<80x128xi32, #tpu.memory_space<vmem>>, %arg8: memref<8x128x64xf32, #tpu.memory_space<vmem>>, %arg9: memref<32x64xf32, #tpu.memory_space<vmem>>, %arg10: memref<10240x64xf32, #tpu.memory_space<vmem_shared>>, %arg11: memref<8x!tpu.dma_semaphore, #tpu.memory_space<semaphore_mem>>) attributes {dimension_semantics = [#tpu.dimension_semantics<core_parallel>, #tpu.dimension_semantics<subcore_parallel>], iteration_bounds = array<i64: 2, 16>, scalar_prefetch = 0 : i64, scratch_operands = 6 : i64, tpu.core_type = #tpu.core_type<sc_vector_subcore>, window_params = [{transform_indices = #map}, {transform_indices = #map}, {transform_indices = #map}, {transform_indices = #map1}]} {
    %mul3A = arith.constant 16 : i32
    %mul3A_0 = arith.muli %arg0, %mul3A : i32
    %add3A = arith.addi %mul3A_0, %arg1 : i32
    %broadcast_in_dim3A = arith.constant 0.000000e+00 : f32
    %broadcast_in_dim3A_1 = vector.broadcast %broadcast_in_dim3A : f32 to vector<16xf32>
    %scan3A = arith.constant 0 : i32
    %scan3A_2 = arith.constant 0 : i32
    %scan3A_3 = arith.constant 32 : i32
    %scan3A_4 = arith.addi %scan3A_2, %scan3A_3 : i32
    %scan3A_5 = arith.constant 1 : i32
    %scan3A_6 = scf.for %scan3A_148 = %scan3A_2 to %scan3A_4 step %scan3A_5 iter_args(%scan3A_149 = %scan3A) -> (i32)  : i32 {
      %swap3A = arith.index_cast %scan3A_148 : i32 to index
      %swap3A_150 = arith.constant 0 : index
      %swap3A_151 = tpu.vector_load %arg9[%swap3A, %swap3A_150] {strides = array<i32>} : memref<32x64xf32, #tpu.memory_space<vmem>>, vector<1x16xf32>,
      %swap3A_152 = vector.shape_cast %swap3A_151 : vector<1x16xf32> to vector<16xf32>
      %swap3A_153 = vector.shape_cast %broadcast_in_dim3A_1 : vector<16xf32> to vector<1x16xf32>
      tpu.vector_store %arg9[%swap3A, %swap3A_150], %swap3A_153 {strides = array<i32>} : memref<32x64xf32, #tpu.memory_space<vmem>>, vector<1x16xf32>,
      %swap3A_154 = arith.index_cast %scan3A_148 : i32 to index
      %swap3A_155 = arith.constant 16 : index
      %swap3A_156 = tpu.vector_load %arg9[%swap3A_154, %swap3A_155] {strides = array<i32>} : memref<32x64xf32, #tpu.memory_space<vmem>>, vector<1x16xf32>,
      %swap3A_157 = vector.shape_cast %swap3A_156 : vector<1x16xf32> to vector<16xf32>
      %swap3A_158 = vector.shape_cast %broadcast_in_dim3A_1 : vector<16xf32> to vector<1x16xf32>
      tpu.vector_store %arg9[%swap3A_154, %swap3A_155], %swap3A_158 {strides = array<i32>} : memref<32x64xf32, #tpu.memory_space<vmem>>, vector<1x16xf32>,
      %swap3A_159 = arith.index_cast %scan3A_148 : i32 to index
      %swap3A_160 = arith.constant 32 : index
      %swap3A_161 = tpu.vector_load %arg9[%swap3A_159, %swap3A_160] {strides = array<i32>} : memref<32x64xf32, #tpu.memory_space<vmem>>, vector<1x16xf32>,
      %swap3A_162 = vector.shape_cast %swap3A_161 : vector<1x16xf32> to vector<16xf32>
      %swap3A_163 = vector.shape_cast %broadcast_in_dim3A_1 : vector<16xf32> to vector<1x16xf32>
      tpu.vector_store %arg9[%swap3A_159, %swap3A_160], %swap3A_163 {strides = array<i32>} : memref<32x64xf32, #tpu.memory_space<vmem>>, vector<1x16xf32>,
      %swap3A_164 = arith.index_cast %scan3A_148 : i32 to index
      %swap3A_165 = arith.constant 48 : index
      %swap3A_166 = tpu.vector_load %arg9[%swap3A_164, %swap3A_165] {strides = array<i32>} : memref<32x64xf32, #tpu.memory_space<vmem>>, vector<1x16xf32>,
      %swap3A_167 = vector.shape_cast %swap3A_166 : vector<1x16xf32> to vector<16xf32>
      %swap3A_168 = vector.shape_cast %broadcast_in_dim3A_1 : vector<16xf32> to vector<1x16xf32>
      tpu.vector_store %arg9[%swap3A_164, %swap3A_165], %swap3A_168 {strides = array<i32>} : memref<32x64xf32, #tpu.memory_space<vmem>>, vector<1x16xf32>,
      %scan3A_169 = arith.constant 0 : i32
      scf.yield %scan3A_169 : i32
    }
    %scan3A_7 = arith.constant 32 : i32
    %scan3A_8 = arith.constant 0 : i32
    %scan3A_9 = arith.constant 0 : i32
    %scan3A_10 = arith.constant 20 : i32
    %scan3A_11 = arith.addi %scan3A_9, %scan3A_10 : i32
    %scan3A_12 = arith.constant 1 : i32
    %scan3A_13 = scf.for %scan3A_148 = %scan3A_9 to %scan3A_11 step %scan3A_12 iter_args(%scan3A_149 = %scan3A_8) -> (i32)  : i32 {
      %mul3A_150 = arith.constant 640 : i32
      %mul3A_151 = arith.muli %arg1, %mul3A_150 : i32
      %mul3A_152 = arith.constant 32 : i32
      %mul3A_153 = arith.muli %scan3A_148, %mul3A_152 : i32
      %add3A_154 = arith.addi %mul3A_151, %mul3A_153 : i32
      "tpu.region"() ({
        %run_scoped3A = tpu.sem_alloc : memref<!tpu.dma_semaphore, #tpu.memory_space<semaphore_mem>>
        %dma_start3A_156 = arith.constant 0 : i32
        %dma_start3A_157 = tpu.memref_slice %arg10[%add3A_154, %dma_start3A_156] : memref<10240x64xf32, #tpu.memory_space<vmem_shared>> -> memref<32x64xf32, #tpu.memory_space<vmem_shared>>
        %dma_start3A_158 = arith.constant 0 : i32
        %dma_start3A_159 = tpu.memref_slice %arg10[%add3A_154, %dma_start3A_158] : memref<10240x64xf32, #tpu.memory_space<vmem_shared>> -> memref<32x64xf32, #tpu.memory_space<vmem_shared>>
        tpu.enqueue_dma source(%arg9 : memref<32x64xf32, #tpu.memory_space<vmem>>) target(%dma_start3A_159 : memref<32x64xf32, #tpu.memory_space<vmem_shared>>) target_semaphore(%run_scoped3A : memref<!tpu.dma_semaphore, #tpu.memory_space<semaphore_mem>>)
        %dma_wait3A = arith.constant 0 : i32
        %dma_wait3A_160 = tpu.memref_slice %arg10[%add3A_154, %dma_wait3A] : memref<10240x64xf32, #tpu.memory_space<vmem_shared>> -> memref<32x64xf32, #tpu.memory_space<vmem_shared>>
        %dma_wait3A_161 = arith.constant 0 : i32
        %dma_wait3A_162 = tpu.memref_slice %arg10[%add3A_154, %dma_wait3A_161] : memref<10240x64xf32, #tpu.memory_space<vmem_shared>> -> memref<32x64xf32, #tpu.memory_space<vmem_shared>>
        tpu.wait_dma2 semaphore(%run_scoped3A : memref<!tpu.dma_semaphore, #tpu.memory_space<semaphore_mem>>) src(%arg9 : memref<32x64xf32, #tpu.memory_space<vmem>>) dst(%dma_wait3A_162 : memref<32x64xf32, #tpu.memory_space<vmem_shared>>)
        tpu.yield
      }) : () -> ()
      %scan3A_155 = arith.constant 0 : i32
      scf.yield %scan3A_155 : i32
    }
    %scan3A_14 = arith.constant 20 : i32
    %mul3A_15 = arith.constant 80 : i32
    %mul3A_16 = arith.muli %add3A, %mul3A_15 : i32
    "tpu.region"() ({
      %run_scoped3A = tpu.sem_alloc : memref<!tpu.dma_semaphore, #tpu.memory_space<semaphore_mem>>
      %dma_start3A_148 = arith.constant 0 : i32
      %dma_start3A_149 = tpu.memref_slice %arg3[%mul3A_16, %dma_start3A_148] : memref<2560x128xi32, #tpu.memory_space<hbm>> -> memref<80x128xi32, #tpu.memory_space<hbm>>
      %dma_start3A_150 = arith.constant 0 : i32
      %dma_start3A_151 = tpu.memref_slice %arg3[%mul3A_16, %dma_start3A_150] : memref<2560x128xi32, #tpu.memory_space<hbm>> -> memref<80x128xi32, #tpu.memory_space<hbm>>
      tpu.enqueue_dma source(%dma_start3A_151 : memref<80x128xi32, #tpu.memory_space<hbm>>) target(%arg6 : memref<80x128xi32, #tpu.memory_space<vmem>>) target_semaphore(%run_scoped3A : memref<!tpu.dma_semaphore, #tpu.memory_space<semaphore_mem>>)
      %dma_wait3A = arith.constant 0 : i32
      %dma_wait3A_152 = tpu.memref_slice %arg3[%mul3A_16, %dma_wait3A] : memref<2560x128xi32, #tpu.memory_space<hbm>> -> memref<80x128xi32, #tpu.memory_space<hbm>>
      %dma_wait3A_153 = arith.constant 0 : i32
      %dma_wait3A_154 = tpu.memref_slice %arg3[%mul3A_16, %dma_wait3A_153] : memref<2560x128xi32, #tpu.memory_space<hbm>> -> memref<80x128xi32, #tpu.memory_space<hbm>>
      tpu.wait_dma2 semaphore(%run_scoped3A : memref<!tpu.dma_semaphore, #tpu.memory_space<semaphore_mem>>) src(%dma_wait3A_154 : memref<80x128xi32, #tpu.memory_space<hbm>>) dst(%arg6 : memref<80x128xi32, #tpu.memory_space<vmem>>)
      tpu.yield
    }) : () -> ()
    "tpu.region"() ({
      %run_scoped3A = tpu.sem_alloc : memref<!tpu.dma_semaphore, #tpu.memory_space<semaphore_mem>>
      %dma_start3A_148 = arith.constant 0 : i32
      %dma_start3A_149 = tpu.memref_slice %arg4[%mul3A_16, %dma_start3A_148] : memref<2560x128xi32, #tpu.memory_space<hbm>> -> memref<80x128xi32, #tpu.memory_space<hbm>>
      %dma_start3A_150 = arith.constant 0 : i32
      %dma_start3A_151 = tpu.memref_slice %arg4[%mul3A_16, %dma_start3A_150] : memref<2560x128xi32, #tpu.memory_space<hbm>> -> memref<80x128xi32, #tpu.memory_space<hbm>>
      tpu.enqueue_dma source(%dma_start3A_151 : memref<80x128xi32, #tpu.memory_space<hbm>>) target(%arg7 : memref<80x128xi32, #tpu.memory_space<vmem>>) target_semaphore(%run_scoped3A : memref<!tpu.dma_semaphore, #tpu.memory_space<semaphore_mem>>)
      %dma_wait3A = arith.constant 0 : i32
      %dma_wait3A_152 = tpu.memref_slice %arg4[%mul3A_16, %dma_wait3A] : memref<2560x128xi32, #tpu.memory_space<hbm>> -> memref<80x128xi32, #tpu.memory_space<hbm>>
      %dma_wait3A_153 = arith.constant 0 : i32
      %dma_wait3A_154 = tpu.memref_slice %arg4[%mul3A_16, %dma_wait3A_153] : memref<2560x128xi32, #tpu.memory_space<hbm>> -> memref<80x128xi32, #tpu.memory_space<hbm>>
      tpu.wait_dma2 semaphore(%run_scoped3A : memref<!tpu.dma_semaphore, #tpu.memory_space<semaphore_mem>>) src(%dma_wait3A_154 : memref<80x128xi32, #tpu.memory_space<hbm>>) dst(%arg7 : memref<80x128xi32, #tpu.memory_space<vmem>>)
      tpu.yield
    }) : () -> ()
    %barrier3A = arith.constant 0 : index
    tpu.barrier barrier_id(%barrier3A)
    %dma_start3A = arith.constant 0 : i32
    %dma_start3A_17 = arith.constant 0 : i32
    %dma_start3A_18 = arith.constant 0 : i32
    %dma_start3A_19 = arith.constant 0 : i32
    %dma_start3A_20 = arith.constant 0 : i32
    %dma_start3A_21 = tpu.memref_slice %arg8[%dma_start3A_17, %dma_start3A_19, %dma_start3A_20] : memref<8x128x64xf32, #tpu.memory_space<vmem>> -> memref<1x128x64xf32, #tpu.memory_space<vmem>>
    %dma_start3A_22 = tpu.memref_squeeze %dma_start3A_21 : memref<1x128x64xf32, #tpu.memory_space<vmem>> -> memref<128x64xf32, #tpu.memory_space<vmem>>
    %dma_start3A_23 = arith.constant 0 : i32
    %dma_start3A_24 = tpu.memref_slice %arg6[%dma_start3A, %dma_start3A_23] : memref<80x128xi32, #tpu.memory_space<vmem>> -> memref<1x128xi32, #tpu.memory_space<vmem>>
    %dma_start3A_25 = tpu.memref_squeeze %dma_start3A_24 : memref<1x128xi32, #tpu.memory_space<vmem>> -> memref<128xi32, #tpu.memory_space<vmem>>
    %dma_start3A_26 = arith.constant 0 : i32
    %dma_start3A_27 = arith.constant 0 : i32
    %dma_start3A_28 = tpu.memref_slice %arg2[%dma_start3A_26, %dma_start3A_27] : memref<10240x64xf32, #tpu.memory_space<hbm>> -> memref<10240x64xf32, #tpu.memory_space<hbm>>
    %dma_start3A_29 = tpu.memref_slice %arg11[%dma_start3A_18] : memref<8x!tpu.dma_semaphore, #tpu.memory_space<semaphore_mem>> -> memref<1x!tpu.dma_semaphore, #tpu.memory_space<semaphore_mem>>
    %dma_start3A_30 = tpu.memref_squeeze %dma_start3A_29 : memref<1x!tpu.dma_semaphore, #tpu.memory_space<semaphore_mem>> -> memref<!tpu.dma_semaphore, #tpu.memory_space<semaphore_mem>>
    tpu.enqueue_indirect_dma source(%dma_start3A_28 : memref<10240x64xf32, #tpu.memory_space<hbm>>) target(%dma_start3A_22 : memref<128x64xf32, #tpu.memory_space<vmem>>) offsets(%dma_start3A_25 : memref<128xi32, #tpu.memory_space<vmem>>) semaphore(%dma_start3A_30 : memref<!tpu.dma_semaphore, #tpu.memory_space<semaphore_mem>>)
    %dma_start3A_31 = arith.constant 1 : i32
    %dma_start3A_32 = arith.constant 1 : i32
    %dma_start3A_33 = arith.constant 1 : i32
    %dma_start3A_34 = arith.constant 0 : i32
    %dma_start3A_35 = arith.constant 0 : i32
    %dma_start3A_36 = tpu.memref_slice %arg8[%dma_start3A_32, %dma_start3A_34, %dma_start3A_35] : memref<8x128x64xf32, #tpu.memory_space<vmem>> -> memref<1x128x64xf32, #tpu.memory_space<vmem>>
    %dma_start3A_37 = tpu.memref_squeeze %dma_start3A_36 : memref<1x128x64xf32, #tpu.memory_space<vmem>> -> memref<128x64xf32, #tpu.memory_space<vmem>>
    %dma_start3A_38 = arith.constant 0 : i32
    %dma_start3A_39 = tpu.memref_slice %arg6[%dma_start3A_31, %dma_start3A_38] : memref<80x128xi32, #tpu.memory_space<vmem>> -> memref<1x128xi32, #tpu.memory_space<vmem>>
    %dma_start3A_40 = tpu.memref_squeeze %dma_start3A_39 : memref<1x128xi32, #tpu.memory_space<vmem>> -> memref<128xi32, #tpu.memory_space<vmem>>
    %dma_start3A_41 = arith.constant 0 : i32
    %dma_start3A_42 = arith.constant 0 : i32
    %dma_start3A_43 = tpu.memref_slice %arg2[%dma_start3A_41, %dma_start3A_42] : memref<10240x64xf32, #tpu.memory_space<hbm>> -> memref<10240x64xf32, #tpu.memory_space<hbm>>
    %dma_start3A_44 = tpu.memref_slice %arg11[%dma_start3A_33] : memref<8x!tpu.dma_semaphore, #tpu.memory_space<semaphore_mem>> -> memref<1x!tpu.dma_semaphore, #tpu.memory_space<semaphore_mem>>
    %dma_start3A_45 = tpu.memref_squeeze %dma_start3A_44 : memref<1x!tpu.dma_semaphore, #tpu.memory_space<semaphore_mem>> -> memref<!tpu.dma_semaphore, #tpu.memory_space<semaphore_mem>>
    tpu.enqueue_indirect_dma source(%dma_start3A_43 : memref<10240x64xf32, #tpu.memory_space<hbm>>) target(%dma_start3A_37 : memref<128x64xf32, #tpu.memory_space<vmem>>) offsets(%dma_start3A_40 : memref<128xi32, #tpu.memory_space<vmem>>) semaphore(%dma_start3A_45 : memref<!tpu.dma_semaphore, #tpu.memory_space<semaphore_mem>>)
    %dma_start3A_46 = arith.constant 2 : i32
    %dma_start3A_47 = arith.constant 2 : i32
    %dma_start3A_48 = arith.constant 2 : i32
    %dma_start3A_49 = arith.constant 0 : i32
    %dma_start3A_50 = arith.constant 0 : i32
    %dma_start3A_51 = tpu.memref_slice %arg8[%dma_start3A_47, %dma_start3A_49, %dma_start3A_50] : memref<8x128x64xf32, #tpu.memory_space<vmem>> -> memref<1x128x64xf32, #tpu.memory_space<vmem>>
    %dma_start3A_52 = tpu.memref_squeeze %dma_start3A_51 : memref<1x128x64xf32, #tpu.memory_space<vmem>> -> memref<128x64xf32, #tpu.memory_space<vmem>>
    %dma_start3A_53 = arith.constant 0 : i32
    %dma_start3A_54 = tpu.memref_slice %arg6[%dma_start3A_46, %dma_start3A_53] : memref<80x128xi32, #tpu.memory_space<vmem>> -> memref<1x128xi32, #tpu.memory_space<vmem>>
    %dma_start3A_55 = tpu.memref_squeeze %dma_start3A_54 : memref<1x128xi32, #tpu.memory_space<vmem>> -> memref<128xi32, #tpu.memory_space<vmem>>
    %dma_start3A_56 = arith.constant 0 : i32
    %dma_start3A_57 = arith.constant 0 : i32
    %dma_start3A_58 = tpu.memref_slice %arg2[%dma_start3A_56, %dma_start3A_57] : memref<10240x64xf32, #tpu.memory_space<hbm>> -> memref<10240x64xf32, #tpu.memory_space<hbm>>
    %dma_start3A_59 = tpu.memref_slice %arg11[%dma_start3A_48] : memref<8x!tpu.dma_semaphore, #tpu.memory_space<semaphore_mem>> -> memref<1x!tpu.dma_semaphore, #tpu.memory_space<semaphore_mem>>
    %dma_start3A_60 = tpu.memref_squeeze %dma_start3A_59 : memref<1x!tpu.dma_semaphore, #tpu.memory_space<semaphore_mem>> -> memref<!tpu.dma_semaphore, #tpu.memory_space<semaphore_mem>>
    tpu.enqueue_indirect_dma source(%dma_start3A_58 : memref<10240x64xf32, #tpu.memory_space<hbm>>) target(%dma_start3A_52 : memref<128x64xf32, #tpu.memory_space<vmem>>) offsets(%dma_start3A_55 : memref<128xi32, #tpu.memory_space<vmem>>) semaphore(%dma_start3A_60 : memref<!tpu.dma_semaphore, #tpu.memory_space<semaphore_mem>>)
    %dma_start3A_61 = arith.constant 3 : i32
    %dma_start3A_62 = arith.constant 3 : i32
    %dma_start3A_63 = arith.constant 3 : i32
    %dma_start3A_64 = arith.constant 0 : i32
    %dma_start3A_65 = arith.constant 0 : i32
    %dma_start3A_66 = tpu.memref_slice %arg8[%dma_start3A_62, %dma_start3A_64, %dma_start3A_65] : memref<8x128x64xf32, #tpu.memory_space<vmem>> -> memref<1x128x64xf32, #tpu.memory_space<vmem>>
    %dma_start3A_67 = tpu.memref_squeeze %dma_start3A_66 : memref<1x128x64xf32, #tpu.memory_space<vmem>> -> memref<128x64xf32, #tpu.memory_space<vmem>>
    %dma_start3A_68 = arith.constant 0 : i32
    %dma_start3A_69 = tpu.memref_slice %arg6[%dma_start3A_61, %dma_start3A_68] : memref<80x128xi32, #tpu.memory_space<vmem>> -> memref<1x128xi32, #tpu.memory_space<vmem>>
    %dma_start3A_70 = tpu.memref_squeeze %dma_start3A_69 : memref<1x128xi32, #tpu.memory_space<vmem>> -> memref<128xi32, #tpu.memory_space<vmem>>
    %dma_start3A_71 = arith.constant 0 : i32
    %dma_start3A_72 = arith.constant 0 : i32
    %dma_start3A_73 = tpu.memref_slice %arg2[%dma_start3A_71, %dma_start3A_72] : memref<10240x64xf32, #tpu.memory_space<hbm>> -> memref<10240x64xf32, #tpu.memory_space<hbm>>
    %dma_start3A_74 = tpu.memref_slice %arg11[%dma_start3A_63] : memref<8x!tpu.dma_semaphore, #tpu.memory_space<semaphore_mem>> -> memref<1x!tpu.dma_semaphore, #tpu.memory_space<semaphore_mem>>
    %dma_start3A_75 = tpu.memref_squeeze %dma_start3A_74 : memref<1x!tpu.dma_semaphore, #tpu.memory_space<semaphore_mem>> -> memref<!tpu.dma_semaphore, #tpu.memory_space<semaphore_mem>>
    tpu.enqueue_indirect_dma source(%dma_start3A_73 : memref<10240x64xf32, #tpu.memory_space<hbm>>) target(%dma_start3A_67 : memref<128x64xf32, #tpu.memory_space<vmem>>) offsets(%dma_start3A_70 : memref<128xi32, #tpu.memory_space<vmem>>) semaphore(%dma_start3A_75 : memref<!tpu.dma_semaphore, #tpu.memory_space<semaphore_mem>>)
    %dma_start3A_76 = arith.constant 4 : i32
    %dma_start3A_77 = arith.constant 4 : i32
    %dma_start3A_78 = arith.constant 4 : i32
    %dma_start3A_79 = arith.constant 0 : i32
    %dma_start3A_80 = arith.constant 0 : i32
    %dma_start3A_81 = tpu.memref_slice %arg8[%dma_start3A_77, %dma_start3A_79, %dma_start3A_80] : memref<8x128x64xf32, #tpu.memory_space<vmem>> -> memref<1x128x64xf32, #tpu.memory_space<vmem>>
    %dma_start3A_82 = tpu.memref_squeeze %dma_start3A_81 : memref<1x128x64xf32, #tpu.memory_space<vmem>> -> memref<128x64xf32, #tpu.memory_space<vmem>>
    %dma_start3A_83 = arith.constant 0 : i32
    %dma_start3A_84 = tpu.memref_slice %arg6[%dma_start3A_76, %dma_start3A_83] : memref<80x128xi32, #tpu.memory_space<vmem>> -> memref<1x128xi32, #tpu.memory_space<vmem>>
    %dma_start3A_85 = tpu.memref_squeeze %dma_start3A_84 : memref<1x128xi32, #tpu.memory_space<vmem>> -> memref<128xi32, #tpu.memory_space<vmem>>
    %dma_start3A_86 = arith.constant 0 : i32
    %dma_start3A_87 = arith.constant 0 : i32
    %dma_start3A_88 = tpu.memref_slice %arg2[%dma_start3A_86, %dma_start3A_87] : memref<10240x64xf32, #tpu.memory_space<hbm>> -> memref<10240x64xf32, #tpu.memory_space<hbm>>
    %dma_start3A_89 = tpu.memref_slice %arg11[%dma_start3A_78] : memref<8x!tpu.dma_semaphore, #tpu.memory_space<semaphore_mem>> -> memref<1x!tpu.dma_semaphore, #tpu.memory_space<semaphore_mem>>
    %dma_start3A_90 = tpu.memref_squeeze %dma_start3A_89 : memref<1x!tpu.dma_semaphore, #tpu.memory_space<semaphore_mem>> -> memref<!tpu.dma_semaphore, #tpu.memory_space<semaphore_mem>>
    tpu.enqueue_indirect_dma source(%dma_start3A_88 : memref<10240x64xf32, #tpu.memory_space<hbm>>) target(%dma_start3A_82 : memref<128x64xf32, #tpu.memory_space<vmem>>) offsets(%dma_start3A_85 : memref<128xi32, #tpu.memory_space<vmem>>) semaphore(%dma_start3A_90 : memref<!tpu.dma_semaphore, #tpu.memory_space<semaphore_mem>>)
    %dma_start3A_91 = arith.constant 5 : i32
    %dma_start3A_92 = arith.constant 5 : i32
    %dma_start3A_93 = arith.constant 5 : i32
    %dma_start3A_94 = arith.constant 0 : i32
    %dma_start3A_95 = arith.constant 0 : i32
    %dma_start3A_96 = tpu.memref_slice %arg8[%dma_start3A_92, %dma_start3A_94, %dma_start3A_95] : memref<8x128x64xf32, #tpu.memory_space<vmem>> -> memref<1x128x64xf32, #tpu.memory_space<vmem>>
    %dma_start3A_97 = tpu.memref_squeeze %dma_start3A_96 : memref<1x128x64xf32, #tpu.memory_space<vmem>> -> memref<128x64xf32, #tpu.memory_space<vmem>>
    %dma_start3A_98 = arith.constant 0 : i32
    %dma_start3A_99 = tpu.memref_slice %arg6[%dma_start3A_91, %dma_start3A_98] : memref<80x128xi32, #tpu.memory_space<vmem>> -> memref<1x128xi32, #tpu.memory_space<vmem>>
    %dma_start3A_100 = tpu.memref_squeeze %dma_start3A_99 : memref<1x128xi32, #tpu.memory_space<vmem>> -> memref<128xi32, #tpu.memory_space<vmem>>
    %dma_start3A_101 = arith.constant 0 : i32
    %dma_start3A_102 = arith.constant 0 : i32
    %dma_start3A_103 = tpu.memref_slice %arg2[%dma_start3A_101, %dma_start3A_102] : memref<10240x64xf32, #tpu.memory_space<hbm>> -> memref<10240x64xf32, #tpu.memory_space<hbm>>
    %dma_start3A_104 = tpu.memref_slice %arg11[%dma_start3A_93] : memref<8x!tpu.dma_semaphore, #tpu.memory_space<semaphore_mem>> -> memref<1x!tpu.dma_semaphore, #tpu.memory_space<semaphore_mem>>
    %dma_start3A_105 = tpu.memref_squeeze %dma_start3A_104 : memref<1x!tpu.dma_semaphore, #tpu.memory_space<semaphore_mem>> -> memref<!tpu.dma_semaphore, #tpu.memory_space<semaphore_mem>>
    tpu.enqueue_indirect_dma source(%dma_start3A_103 : memref<10240x64xf32, #tpu.memory_space<hbm>>) target(%dma_start3A_97 : memref<128x64xf32, #tpu.memory_space<vmem>>) offsets(%dma_start3A_100 : memref<128xi32, #tpu.memory_space<vmem>>) semaphore(%dma_start3A_105 : memref<!tpu.dma_semaphore, #tpu.memory_space<semaphore_mem>>)
    %dma_start3A_106 = arith.constant 6 : i32
    %dma_start3A_107 = arith.constant 6 : i32
    %dma_start3A_108 = arith.constant 6 : i32
    %dma_start3A_109 = arith.constant 0 : i32
    %dma_start3A_110 = arith.constant 0 : i32
    %dma_start3A_111 = tpu.memref_slice %arg8[%dma_start3A_107, %dma_start3A_109, %dma_start3A_110] : memref<8x128x64xf32, #tpu.memory_space<vmem>> -> memref<1x128x64xf32, #tpu.memory_space<vmem>>
    %dma_start3A_112 = tpu.memref_squeeze %dma_start3A_111 : memref<1x128x64xf32, #tpu.memory_space<vmem>> -> memref<128x64xf32, #tpu.memory_space<vmem>>
    %dma_start3A_113 = arith.constant 0 : i32
    %dma_start3A_114 = tpu.memref_slice %arg6[%dma_start3A_106, %dma_start3A_113] : memref<80x128xi32, #tpu.memory_space<vmem>> -> memref<1x128xi32, #tpu.memory_space<vmem>>
    %dma_start3A_115 = tpu.memref_squeeze %dma_start3A_114 : memref<1x128xi32, #tpu.memory_space<vmem>> -> memref<128xi32, #tpu.memory_space<vmem>>
    %dma_start3A_116 = arith.constant 0 : i32
    %dma_start3A_117 = arith.constant 0 : i32
    %dma_start3A_118 = tpu.memref_slice %arg2[%dma_start3A_116, %dma_start3A_117] : memref<10240x64xf32, #tpu.memory_space<hbm>> -> memref<10240x64xf32, #tpu.memory_space<hbm>>
    %dma_start3A_119 = tpu.memref_slice %arg11[%dma_start3A_108] : memref<8x!tpu.dma_semaphore, #tpu.memory_space<semaphore_mem>> -> memref<1x!tpu.dma_semaphore, #tpu.memory_space<semaphore_mem>>
    %dma_start3A_120 = tpu.memref_squeeze %dma_start3A_119 : memref<1x!tpu.dma_semaphore, #tpu.memory_space<semaphore_mem>> -> memref<!tpu.dma_semaphore, #tpu.memory_space<semaphore_mem>>
    tpu.enqueue_indirect_dma source(%dma_start3A_118 : memref<10240x64xf32, #tpu.memory_space<hbm>>) target(%dma_start3A_112 : memref<128x64xf32, #tpu.memory_space<vmem>>) offsets(%dma_start3A_115 : memref<128xi32, #tpu.memory_space<vmem>>) semaphore(%dma_start3A_120 : memref<!tpu.dma_semaphore, #tpu.memory_space<semaphore_mem>>)
    %dma_start3A_121 = arith.constant 7 : i32
    %dma_start3A_122 = arith.constant 7 : i32
    %dma_start3A_123 = arith.constant 7 : i32
    %dma_start3A_124 = arith.constant 0 : i32
    %dma_start3A_125 = arith.constant 0 : i32
    %dma_start3A_126 = tpu.memref_slice %arg8[%dma_start3A_122, %dma_start3A_124, %dma_start3A_125] : memref<8x128x64xf32, #tpu.memory_space<vmem>> -> memref<1x128x64xf32, #tpu.memory_space<vmem>>
    %dma_start3A_127 = tpu.memref_squeeze %dma_start3A_126 : memref<1x128x64xf32, #tpu.memory_space<vmem>> -> memref<128x64xf32, #tpu.memory_space<vmem>>
    %dma_start3A_128 = arith.constant 0 : i32
    %dma_start3A_129 = tpu.memref_slice %arg6[%dma_start3A_121, %dma_start3A_128] : memref<80x128xi32, #tpu.memory_space<vmem>> -> memref<1x128xi32, #tpu.memory_space<vmem>>
    %dma_start3A_130 = tpu.memref_squeeze %dma_start3A_129 : memref<1x128xi32, #tpu.memory_space<vmem>> -> memref<128xi32, #tpu.memory_space<vmem>>
    %dma_start3A_131 = arith.constant 0 : i32
    %dma_start3A_132 = arith.constant 0 : i32
    %dma_start3A_133 = tpu.memref_slice %arg2[%dma_start3A_131, %dma_start3A_132] : memref<10240x64xf32, #tpu.memory_space<hbm>> -> memref<10240x64xf32, #tpu.memory_space<hbm>>
    %dma_start3A_134 = tpu.memref_slice %arg11[%dma_start3A_123] : memref<8x!tpu.dma_semaphore, #tpu.memory_space<semaphore_mem>> -> memref<1x!tpu.dma_semaphore, #tpu.memory_space<semaphore_mem>>
    %dma_start3A_135 = tpu.memref_squeeze %dma_start3A_134 : memref<1x!tpu.dma_semaphore, #tpu.memory_space<semaphore_mem>> -> memref<!tpu.dma_semaphore, #tpu.memory_space<semaphore_mem>>
    tpu.enqueue_indirect_dma source(%dma_start3A_133 : memref<10240x64xf32, #tpu.memory_space<hbm>>) target(%dma_start3A_127 : memref<128x64xf32, #tpu.memory_space<vmem>>) offsets(%dma_start3A_130 : memref<128xi32, #tpu.memory_space<vmem>>) semaphore(%dma_start3A_135 : memref<!tpu.dma_semaphore, #tpu.memory_space<semaphore_mem>>)
    %scan3A_136 = arith.constant 0 : i32
    %scan3A_137 = arith.constant 0 : i32
    %scan3A_138 = arith.constant 10 : i32
    %scan3A_139 = arith.addi %scan3A_137, %scan3A_138 : i32
    %scan3A_140 = arith.constant 1 : i32
    %scan3A_141 = scf.for %scan3A_148 = %scan3A_137 to %scan3A_139 step %scan3A_140 iter_args(%scan3A_149 = %scan3A_136) -> (i32)  : i32 {
      %mul3A_150 = arith.constant 8 : i32
      %mul3A_151 = arith.muli %scan3A_148, %mul3A_150 : i32
      %add3A_152 = arith.constant 0 : i32
      %add3A_153 = arith.addi %mul3A_151, %add3A_152 : i32
      %dma_wait3A = arith.constant 0 : i32
      %dma_wait3A_154 = arith.constant 0 : i32
      %dma_wait3A_155 = arith.constant 0 : i32
      %dma_wait3A_156 = arith.constant 0 : i32
      %dma_wait3A_157 = tpu.memref_slice %arg8[%dma_wait3A, %dma_wait3A_155, %dma_wait3A_156] : memref<8x128x64xf32, #tpu.memory_space<vmem>> -> memref<1x128x64xf32, #tpu.memory_space<vmem>>
      %dma_wait3A_158 = tpu.memref_squeeze %dma_wait3A_157 : memref<1x128x64xf32, #tpu.memory_space<vmem>> -> memref<128x64xf32, #tpu.memory_space<vmem>>
      %dma_wait3A_159 = arith.constant 0 : i32
      %dma_wait3A_160 = tpu.memref_slice %arg6[%add3A_153, %dma_wait3A_159] : memref<80x128xi32, #tpu.memory_space<vmem>> -> memref<1x128xi32, #tpu.memory_space<vmem>>
      %dma_wait3A_161 = tpu.memref_squeeze %dma_wait3A_160 : memref<1x128xi32, #tpu.memory_space<vmem>> -> memref<128xi32, #tpu.memory_space<vmem>>
      %dma_wait3A_162 = arith.constant 0 : i32
      %dma_wait3A_163 = arith.constant 0 : i32
      %dma_wait3A_164 = tpu.memref_slice %arg2[%dma_wait3A_162, %dma_wait3A_163] : memref<10240x64xf32, #tpu.memory_space<hbm>> -> memref<10240x64xf32, #tpu.memory_space<hbm>>
      %dma_wait3A_165 = tpu.memref_slice %arg11[%dma_wait3A_154] : memref<8x!tpu.dma_semaphore, #tpu.memory_space<semaphore_mem>> -> memref<1x!tpu.dma_semaphore, #tpu.memory_space<semaphore_mem>>
      %dma_wait3A_166 = tpu.memref_squeeze %dma_wait3A_165 : memref<1x!tpu.dma_semaphore, #tpu.memory_space<semaphore_mem>> -> memref<!tpu.dma_semaphore, #tpu.memory_space<semaphore_mem>>
      tpu.wait_indirect_dma semaphore(%dma_wait3A_166 : memref<!tpu.dma_semaphore, #tpu.memory_space<semaphore_mem>>) src(%dma_wait3A_164 : memref<10240x64xf32, #tpu.memory_space<hbm>>) dst(%dma_wait3A_158 : memref<128x64xf32, #tpu.memory_space<vmem>>)
      %run_scoped3A = arith.constant 0 : i32
      "tpu.region"() ({
        %run_scoped3A_354 = tpu.sem_alloc : memref<!tpu.dma_semaphore, #tpu.memory_space<semaphore_mem>>
        %dma_start3A_355 = arith.constant 0 : i32
        %dma_start3A_356 = arith.constant 0 : i32
        %dma_start3A_357 = tpu.memref_slice %arg8[%run_scoped3A, %dma_start3A_355, %dma_start3A_356] : memref<8x128x64xf32, #tpu.memory_space<vmem>> -> memref<1x128x64xf32, #tpu.memory_space<vmem>>
        %dma_start3A_358 = tpu.memref_squeeze %dma_start3A_357 : memref<1x128x64xf32, #tpu.memory_space<vmem>> -> memref<128x64xf32, #tpu.memory_space<vmem>>
        %dma_start3A_359 = arith.constant 0 : i32
        %dma_start3A_360 = tpu.memref_slice %arg7[%add3A_153, %dma_start3A_359] : memref<80x128xi32, #tpu.memory_space<vmem>> -> memref<1x128xi32, #tpu.memory_space<vmem>>
        %dma_start3A_361 = tpu.memref_squeeze %dma_start3A_360 : memref<1x128xi32, #tpu.memory_space<vmem>> -> memref<128xi32, #tpu.memory_space<vmem>>
        %dma_start3A_362 = arith.constant 0 : i32
        %dma_start3A_363 = arith.constant 0 : i32
        %dma_start3A_364 = tpu.memref_slice %arg10[%dma_start3A_362, %dma_start3A_363] : memref<10240x64xf32, #tpu.memory_space<vmem_shared>> -> memref<10240x64xf32, #tpu.memory_space<vmem_shared>>
        tpu.enqueue_indirect_dma source(%dma_start3A_358 : memref<128x64xf32, #tpu.memory_space<vmem>>) target(%dma_start3A_364 : memref<10240x64xf32, #tpu.memory_space<vmem_shared>>) offsets(%dma_start3A_361 : memref<128xi32, #tpu.memory_space<vmem>>) semaphore(%run_scoped3A_354 : memref<!tpu.dma_semaphore, #tpu.memory_space<semaphore_mem>>) {add = true}
        %dma_wait3A_365 = arith.constant 0 : i32
        %dma_wait3A_366 = arith.constant 0 : i32
        %dma_wait3A_367 = tpu.memref_slice %arg8[%run_scoped3A, %dma_wait3A_365, %dma_wait3A_366] : memref<8x128x64xf32, #tpu.memory_space<vmem>> -> memref<1x128x64xf32, #tpu.memory_space<vmem>>
        %dma_wait3A_368 = tpu.memref_squeeze %dma_wait3A_367 : memref<1x128x64xf32, #tpu.memory_space<vmem>> -> memref<128x64xf32, #tpu.memory_space<vmem>>
        %dma_wait3A_369 = arith.constant 0 : i32
        %dma_wait3A_370 = tpu.memref_slice %arg7[%add3A_153, %dma_wait3A_369] : memref<80x128xi32, #tpu.memory_space<vmem>> -> memref<1x128xi32, #tpu.memory_space<vmem>>
        %dma_wait3A_371 = tpu.memref_squeeze %dma_wait3A_370 : memref<1x128xi32, #tpu.memory_space<vmem>> -> memref<128xi32, #tpu.memory_space<vmem>>
        %dma_wait3A_372 = arith.constant 0 : i32
        %dma_wait3A_373 = arith.constant 0 : i32
        %dma_wait3A_374 = tpu.memref_slice %arg10[%dma_wait3A_372, %dma_wait3A_373] : memref<10240x64xf32, #tpu.memory_space<vmem_shared>> -> memref<10240x64xf32, #tpu.memory_space<vmem_shared>>
        tpu.wait_indirect_dma semaphore(%run_scoped3A_354 : memref<!tpu.dma_semaphore, #tpu.memory_space<semaphore_mem>>) src(%dma_wait3A_368 : memref<128x64xf32, #tpu.memory_space<vmem>>) dst(%dma_wait3A_374 : memref<10240x64xf32, #tpu.memory_space<vmem_shared>>)
        tpu.yield
      }) : () -> ()
      %add3A_167 = arith.constant 8 : i32
      %add3A_168 = arith.addi %add3A_153, %add3A_167 : i32
      %lt3A = arith.constant 80 : i32
      %lt3A_169 = arith.cmpi slt, %add3A_168, %lt3A : i32
      %convert_element_type3A = arith.extui %lt3A_169 : i1 to i32
      %cond3A = arith.constant 0 : i32
      %cond3A_170 = arith.cmpi ne, %convert_element_type3A, %cond3A : i32
      scf.if %cond3A_170 {
        %add3A_354 = arith.constant 8 : i32
        %add3A_355 = arith.addi %add3A_153, %add3A_354 : i32
        %dma_start3A_356 = arith.constant 0 : i32
        %dma_start3A_357 = arith.constant 0 : i32
        %dma_start3A_358 = arith.constant 0 : i32
        %dma_start3A_359 = arith.constant 0 : i32
        %dma_start3A_360 = tpu.memref_slice %arg8[%dma_start3A_356, %dma_start3A_358, %dma_start3A_359] : memref<8x128x64xf32, #tpu.memory_space<vmem>> -> memref<1x128x64xf32, #tpu.memory_space<vmem>>
        %dma_start3A_361 = tpu.memref_squeeze %dma_start3A_360 : memref<1x128x64xf32, #tpu.memory_space<vmem>> -> memref<128x64xf32, #tpu.memory_space<vmem>>
        %dma_start3A_362 = arith.constant 0 : i32
        %dma_start3A_363 = tpu.memref_slice %arg6[%add3A_355, %dma_start3A_362] : memref<80x128xi32, #tpu.memory_space<vmem>> -> memref<1x128xi32, #tpu.memory_space<vmem>>
        %dma_start3A_364 = tpu.memref_squeeze %dma_start3A_363 : memref<1x128xi32, #tpu.memory_space<vmem>> -> memref<128xi32, #tpu.memory_space<vmem>>
        %dma_start3A_365 = arith.constant 0 : i32
        %dma_start3A_366 = arith.constant 0 : i32
        %dma_start3A_367 = tpu.memref_slice %arg2[%dma_start3A_365, %dma_start3A_366] : memref<10240x64xf32, #tpu.memory_space<hbm>> -> memref<10240x64xf32, #tpu.memory_space<hbm>>
        %dma_start3A_368 = tpu.memref_slice %arg11[%dma_start3A_357] : memref<8x!tpu.dma_semaphore, #tpu.memory_space<semaphore_mem>> -> memref<1x!tpu.dma_semaphore, #tpu.memory_space<semaphore_mem>>
        %dma_start3A_369 = tpu.memref_squeeze %dma_start3A_368 : memref<1x!tpu.dma_semaphore, #tpu.memory_space<semaphore_mem>> -> memref<!tpu.dma_semaphore, #tpu.memory_space<semaphore_mem>>
        tpu.enqueue_indirect_dma source(%dma_start3A_367 : memref<10240x64xf32, #tpu.memory_space<hbm>>) target(%dma_start3A_361 : memref<128x64xf32, #tpu.memory_space<vmem>>) offsets(%dma_start3A_364 : memref<128xi32, #tpu.memory_space<vmem>>) semaphore(%dma_start3A_369 : memref<!tpu.dma_semaphore, #tpu.memory_space<semaphore_mem>>)
      } else {
      }
      %mul3A_171 = arith.constant 8 : i32
      %mul3A_172 = arith.muli %scan3A_148, %mul3A_171 : i32
      %add3A_173 = arith.constant 1 : i32
      %add3A_174 = arith.addi %mul3A_172, %add3A_173 : i32
      %dma_wait3A_175 = arith.constant 1 : i32
      %dma_wait3A_176 = arith.constant 1 : i32
      %dma_wait3A_177 = arith.constant 0 : i32
      %dma_wait3A_178 = arith.constant 0 : i32
      %dma_wait3A_179 = tpu.memref_slice %arg8[%dma_wait3A_175, %dma_wait3A_177, %dma_wait3A_178] : memref<8x128x64xf32, #tpu.memory_space<vmem>> -> memref<1x128x64xf32, #tpu.memory_space<vmem>>
      %dma_wait3A_180 = tpu.memref_squeeze %dma_wait3A_179 : memref<1x128x64xf32, #tpu.memory_space<vmem>> -> memref<128x64xf32, #tpu.memory_space<vmem>>
      %dma_wait3A_181 = arith.constant 0 : i32
      %dma_wait3A_182 = tpu.memref_slice %arg6[%add3A_174, %dma_wait3A_181] : memref<80x128xi32, #tpu.memory_space<vmem>> -> memref<1x128xi32, #tpu.memory_space<vmem>>
      %dma_wait3A_183 = tpu.memref_squeeze %dma_wait3A_182 : memref<1x128xi32, #tpu.memory_space<vmem>> -> memref<128xi32, #tpu.memory_space<vmem>>
      %dma_wait3A_184 = arith.constant 0 : i32
      %dma_wait3A_185 = arith.constant 0 : i32
      %dma_wait3A_186 = tpu.memref_slice %arg2[%dma_wait3A_184, %dma_wait3A_185] : memref<10240x64xf32, #tpu.memory_space<hbm>> -> memref<10240x64xf32, #tpu.memory_space<hbm>>
      %dma_wait3A_187 = tpu.memref_slice %arg11[%dma_wait3A_176] : memref<8x!tpu.dma_semaphore, #tpu.memory_space<semaphore_mem>> -> memref<1x!tpu.dma_semaphore, #tpu.memory_space<semaphore_mem>>
      %dma_wait3A_188 = tpu.memref_squeeze %dma_wait3A_187 : memref<1x!tpu.dma_semaphore, #tpu.memory_space<semaphore_mem>> -> memref<!tpu.dma_semaphore, #tpu.memory_space<semaphore_mem>>
      tpu.wait_indirect_dma semaphore(%dma_wait3A_188 : memref<!tpu.dma_semaphore, #tpu.memory_space<semaphore_mem>>) src(%dma_wait3A_186 : memref<10240x64xf32, #tpu.memory_space<hbm>>) dst(%dma_wait3A_180 : memref<128x64xf32, #tpu.memory_space<vmem>>)
      %run_scoped3A_189 = arith.constant 1 : i32
      "tpu.region"() ({
        %run_scoped3A_354 = tpu.sem_alloc : memref<!tpu.dma_semaphore, #tpu.memory_space<semaphore_mem>>
        %dma_start3A_355 = arith.constant 0 : i32
        %dma_start3A_356 = arith.constant 0 : i32
        %dma_start3A_357 = tpu.memref_slice %arg8[%run_scoped3A_189, %dma_start3A_355, %dma_start3A_356] : memref<8x128x64xf32, #tpu.memory_space<vmem>> -> memref<1x128x64xf32, #tpu.memory_space<vmem>>
        %dma_start3A_358 = tpu.memref_squeeze %dma_start3A_357 : memref<1x128x64xf32, #tpu.memory_space<vmem>> -> memref<128x64xf32, #tpu.memory_space<vmem>>
        %dma_start3A_359 = arith.constant 0 : i32
        %dma_start3A_360 = tpu.memref_slice %arg7[%add3A_174, %dma_start3A_359] : memref<80x128xi32, #tpu.memory_space<vmem>> -> memref<1x128xi32, #tpu.memory_space<vmem>>
        %dma_start3A_361 = tpu.memref_squeeze %dma_start3A_360 : memref<1x128xi32, #tpu.memory_space<vmem>> -> memref<128xi32, #tpu.memory_space<vmem>>
        %dma_start3A_362 = arith.constant 0 : i32
        %dma_start3A_363 = arith.constant 0 : i32
        %dma_start3A_364 = tpu.memref_slice %arg10[%dma_start3A_362, %dma_start3A_363] : memref<10240x64xf32, #tpu.memory_space<vmem_shared>> -> memref<10240x64xf32, #tpu.memory_space<vmem_shared>>
        tpu.enqueue_indirect_dma source(%dma_start3A_358 : memref<128x64xf32, #tpu.memory_space<vmem>>) target(%dma_start3A_364 : memref<10240x64xf32, #tpu.memory_space<vmem_shared>>) offsets(%dma_start3A_361 : memref<128xi32, #tpu.memory_space<vmem>>) semaphore(%run_scoped3A_354 : memref<!tpu.dma_semaphore, #tpu.memory_space<semaphore_mem>>) {add = true}
        %dma_wait3A_365 = arith.constant 0 : i32
        %dma_wait3A_366 = arith.constant 0 : i32
        %dma_wait3A_367 = tpu.memref_slice %arg8[%run_scoped3A_189, %dma_wait3A_365, %dma_wait3A_366] : memref<8x128x64xf32, #tpu.memory_space<vmem>> -> memref<1x128x64xf32, #tpu.memory_space<vmem>>
        %dma_wait3A_368 = tpu.memref_squeeze %dma_wait3A_367 : memref<1x128x64xf32, #tpu.memory_space<vmem>> -> memref<128x64xf32, #tpu.memory_space<vmem>>
        %dma_wait3A_369 = arith.constant 0 : i32
        %dma_wait3A_370 = tpu.memref_slice %arg7[%add3A_174, %dma_wait3A_369] : memref<80x128xi32, #tpu.memory_space<vmem>> -> memref<1x128xi32, #tpu.memory_space<vmem>>
        %dma_wait3A_371 = tpu.memref_squeeze %dma_wait3A_370 : memref<1x128xi32, #tpu.memory_space<vmem>> -> memref<128xi32, #tpu.memory_space<vmem>>
        %dma_wait3A_372 = arith.constant 0 : i32
        %dma_wait3A_373 = arith.constant 0 : i32
        %dma_wait3A_374 = tpu.memref_slice %arg10[%dma_wait3A_372, %dma_wait3A_373] : memref<10240x64xf32, #tpu.memory_space<vmem_shared>> -> memref<10240x64xf32, #tpu.memory_space<vmem_shared>>
        tpu.wait_indirect_dma semaphore(%run_scoped3A_354 : memref<!tpu.dma_semaphore, #tpu.memory_space<semaphore_mem>>) src(%dma_wait3A_368 : memref<128x64xf32, #tpu.memory_space<vmem>>) dst(%dma_wait3A_374 : memref<10240x64xf32, #tpu.memory_space<vmem_shared>>)
        tpu.yield
      }) : () -> ()
      %add3A_190 = arith.constant 8 : i32
      %add3A_191 = arith.addi %add3A_174, %add3A_190 : i32
      %lt3A_192 = arith.constant 80 : i32
      %lt3A_193 = arith.cmpi slt, %add3A_191, %lt3A_192 : i32
      %convert_element_type3A_194 = arith.extui %lt3A_193 : i1 to i32
      %cond3A_195 = arith.constant 0 : i32
      %cond3A_196 = arith.cmpi ne, %convert_element_type3A_194, %cond3A_195 : i32
      scf.if %cond3A_196 {
        %add3A_354 = arith.constant 8 : i32
        %add3A_355 = arith.addi %add3A_174, %add3A_354 : i32
        %dma_start3A_356 = arith.constant 1 : i32
        %dma_start3A_357 = arith.constant 1 : i32
        %dma_start3A_358 = arith.constant 0 : i32
        %dma_start3A_359 = arith.constant 0 : i32
        %dma_start3A_360 = tpu.memref_slice %arg8[%dma_start3A_356, %dma_start3A_358, %dma_start3A_359] : memref<8x128x64xf32, #tpu.memory_space<vmem>> -> memref<1x128x64xf32, #tpu.memory_space<vmem>>
        %dma_start3A_361 = tpu.memref_squeeze %dma_start3A_360 : memref<1x128x64xf32, #tpu.memory_space<vmem>> -> memref<128x64xf32, #tpu.memory_space<vmem>>
        %dma_start3A_362 = arith.constant 0 : i32
        %dma_start3A_363 = tpu.memref_slice %arg6[%add3A_355, %dma_start3A_362] : memref<80x128xi32, #tpu.memory_space<vmem>> -> memref<1x128xi32, #tpu.memory_space<vmem>>
        %dma_start3A_364 = tpu.memref_squeeze %dma_start3A_363 : memref<1x128xi32, #tpu.memory_space<vmem>> -> memref<128xi32, #tpu.memory_space<vmem>>
        %dma_start3A_365 = arith.constant 0 : i32
        %dma_start3A_366 = arith.constant 0 : i32
        %dma_start3A_367 = tpu.memref_slice %arg2[%dma_start3A_365, %dma_start3A_366] : memref<10240x64xf32, #tpu.memory_space<hbm>> -> memref<10240x64xf32, #tpu.memory_space<hbm>>
        %dma_start3A_368 = tpu.memref_slice %arg11[%dma_start3A_357] : memref<8x!tpu.dma_semaphore, #tpu.memory_space<semaphore_mem>> -> memref<1x!tpu.dma_semaphore, #tpu.memory_space<semaphore_mem>>
        %dma_start3A_369 = tpu.memref_squeeze %dma_start3A_368 : memref<1x!tpu.dma_semaphore, #tpu.memory_space<semaphore_mem>> -> memref<!tpu.dma_semaphore, #tpu.memory_space<semaphore_mem>>
        tpu.enqueue_indirect_dma source(%dma_start3A_367 : memref<10240x64xf32, #tpu.memory_space<hbm>>) target(%dma_start3A_361 : memref<128x64xf32, #tpu.memory_space<vmem>>) offsets(%dma_start3A_364 : memref<128xi32, #tpu.memory_space<vmem>>) semaphore(%dma_start3A_369 : memref<!tpu.dma_semaphore, #tpu.memory_space<semaphore_mem>>)
      } else {
      }
      %mul3A_197 = arith.constant 8 : i32
      %mul3A_198 = arith.muli %scan3A_148, %mul3A_197 : i32
      %add3A_199 = arith.constant 2 : i32
      %add3A_200 = arith.addi %mul3A_198, %add3A_199 : i32
      %dma_wait3A_201 = arith.constant 2 : i32
      %dma_wait3A_202 = arith.constant 2 : i32
      %dma_wait3A_203 = arith.constant 0 : i32
      %dma_wait3A_204 = arith.constant 0 : i32
      %dma_wait3A_205 = tpu.memref_slice %arg8[%dma_wait3A_201, %dma_wait3A_203, %dma_wait3A_204] : memref<8x128x64xf32, #tpu.memory_space<vmem>> -> memref<1x128x64xf32, #tpu.memory_space<vmem>>
      %dma_wait3A_206 = tpu.memref_squeeze %dma_wait3A_205 : memref<1x128x64xf32, #tpu.memory_space<vmem>> -> memref<128x64xf32, #tpu.memory_space<vmem>>
      %dma_wait3A_207 = arith.constant 0 : i32
      %dma_wait3A_208 = tpu.memref_slice %arg6[%add3A_200, %dma_wait3A_207] : memref<80x128xi32, #tpu.memory_space<vmem>> -> memref<1x128xi32, #tpu.memory_space<vmem>>
      %dma_wait3A_209 = tpu.memref_squeeze %dma_wait3A_208 : memref<1x128xi32, #tpu.memory_space<vmem>> -> memref<128xi32, #tpu.memory_space<vmem>>
      %dma_wait3A_210 = arith.constant 0 : i32
      %dma_wait3A_211 = arith.constant 0 : i32
      %dma_wait3A_212 = tpu.memref_slice %arg2[%dma_wait3A_210, %dma_wait3A_211] : memref<10240x64xf32, #tpu.memory_space<hbm>> -> memref<10240x64xf32, #tpu.memory_space<hbm>>
      %dma_wait3A_213 = tpu.memref_slice %arg11[%dma_wait3A_202] : memref<8x!tpu.dma_semaphore, #tpu.memory_space<semaphore_mem>> -> memref<1x!tpu.dma_semaphore, #tpu.memory_space<semaphore_mem>>
      %dma_wait3A_214 = tpu.memref_squeeze %dma_wait3A_213 : memref<1x!tpu.dma_semaphore, #tpu.memory_space<semaphore_mem>> -> memref<!tpu.dma_semaphore, #tpu.memory_space<semaphore_mem>>
      tpu.wait_indirect_dma semaphore(%dma_wait3A_214 : memref<!tpu.dma_semaphore, #tpu.memory_space<semaphore_mem>>) src(%dma_wait3A_212 : memref<10240x64xf32, #tpu.memory_space<hbm>>) dst(%dma_wait3A_206 : memref<128x64xf32, #tpu.memory_space<vmem>>)
      %run_scoped3A_215 = arith.constant 2 : i32
      "tpu.region"() ({
        %run_scoped3A_354 = tpu.sem_alloc : memref<!tpu.dma_semaphore, #tpu.memory_space<semaphore_mem>>
        %dma_start3A_355 = arith.constant 0 : i32
        %dma_start3A_356 = arith.constant 0 : i32
        %dma_start3A_357 = tpu.memref_slice %arg8[%run_scoped3A_215, %dma_start3A_355, %dma_start3A_356] : memref<8x128x64xf32, #tpu.memory_space<vmem>> -> memref<1x128x64xf32, #tpu.memory_space<vmem>>
        %dma_start3A_358 = tpu.memref_squeeze %dma_start3A_357 : memref<1x128x64xf32, #tpu.memory_space<vmem>> -> memref<128x64xf32, #tpu.memory_space<vmem>>
        %dma_start3A_359 = arith.constant 0 : i32
        %dma_start3A_360 = tpu.memref_slice %arg7[%add3A_200, %dma_start3A_359] : memref<80x128xi32, #tpu.memory_space<vmem>> -> memref<1x128xi32, #tpu.memory_space<vmem>>
        %dma_start3A_361 = tpu.memref_squeeze %dma_start3A_360 : memref<1x128xi32, #tpu.memory_space<vmem>> -> memref<128xi32, #tpu.memory_space<vmem>>
        %dma_start3A_362 = arith.constant 0 : i32
        %dma_start3A_363 = arith.constant 0 : i32
        %dma_start3A_364 = tpu.memref_slice %arg10[%dma_start3A_362, %dma_start3A_363] : memref<10240x64xf32, #tpu.memory_space<vmem_shared>> -> memref<10240x64xf32, #tpu.memory_space<vmem_shared>>
        tpu.enqueue_indirect_dma source(%dma_start3A_358 : memref<128x64xf32, #tpu.memory_space<vmem>>) target(%dma_start3A_364 : memref<10240x64xf32, #tpu.memory_space<vmem_shared>>) offsets(%dma_start3A_361 : memref<128xi32, #tpu.memory_space<vmem>>) semaphore(%run_scoped3A_354 : memref<!tpu.dma_semaphore, #tpu.memory_space<semaphore_mem>>) {add = true}
        %dma_wait3A_365 = arith.constant 0 : i32
        %dma_wait3A_366 = arith.constant 0 : i32
        %dma_wait3A_367 = tpu.memref_slice %arg8[%run_scoped3A_215, %dma_wait3A_365, %dma_wait3A_366] : memref<8x128x64xf32, #tpu.memory_space<vmem>> -> memref<1x128x64xf32, #tpu.memory_space<vmem>>
        %dma_wait3A_368 = tpu.memref_squeeze %dma_wait3A_367 : memref<1x128x64xf32, #tpu.memory_space<vmem>> -> memref<128x64xf32, #tpu.memory_space<vmem>>
        %dma_wait3A_369 = arith.constant 0 : i32
        %dma_wait3A_370 = tpu.memref_slice %arg7[%add3A_200, %dma_wait3A_369] : memref<80x128xi32, #tpu.memory_space<vmem>> -> memref<1x128xi32, #tpu.memory_space<vmem>>
        %dma_wait3A_371 = tpu.memref_squeeze %dma_wait3A_370 : memref<1x128xi32, #tpu.memory_space<vmem>> -> memref<128xi32, #tpu.memory_space<vmem>>
        %dma_wait3A_372 = arith.constant 0 : i32
        %dma_wait3A_373 = arith.constant 0 : i32
        %dma_wait3A_374 = tpu.memref_slice %arg10[%dma_wait3A_372, %dma_wait3A_373] : memref<10240x64xf32, #tpu.memory_space<vmem_shared>> -> memref<10240x64xf32, #tpu.memory_space<vmem_shared>>
        tpu.wait_indirect_dma semaphore(%run_scoped3A_354 : memref<!tpu.dma_semaphore, #tpu.memory_space<semaphore_mem>>) src(%dma_wait3A_368 : memref<128x64xf32, #tpu.memory_space<vmem>>) dst(%dma_wait3A_374 : memref<10240x64xf32, #tpu.memory_space<vmem_shared>>)
        tpu.yield
      }) : () -> ()
      %add3A_216 = arith.constant 8 : i32
      %add3A_217 = arith.addi %add3A_200, %add3A_216 : i32
      %lt3A_218 = arith.constant 80 : i32
      %lt3A_219 = arith.cmpi slt, %add3A_217, %lt3A_218 : i32
      %convert_element_type3A_220 = arith.extui %lt3A_219 : i1 to i32
      %cond3A_221 = arith.constant 0 : i32
      %cond3A_222 = arith.cmpi ne, %convert_element_type3A_220, %cond3A_221 : i32
      scf.if %cond3A_222 {
        %add3A_354 = arith.constant 8 : i32
        %add3A_355 = arith.addi %add3A_200, %add3A_354 : i32
        %dma_start3A_356 = arith.constant 2 : i32
        %dma_start3A_357 = arith.constant 2 : i32
        %dma_start3A_358 = arith.constant 0 : i32
        %dma_start3A_359 = arith.constant 0 : i32
        %dma_start3A_360 = tpu.memref_slice %arg8[%dma_start3A_356, %dma_start3A_358, %dma_start3A_359] : memref<8x128x64xf32, #tpu.memory_space<vmem>> -> memref<1x128x64xf32, #tpu.memory_space<vmem>>
        %dma_start3A_361 = tpu.memref_squeeze %dma_start3A_360 : memref<1x128x64xf32, #tpu.memory_space<vmem>> -> memref<128x64xf32, #tpu.memory_space<vmem>>
        %dma_start3A_362 = arith.constant 0 : i32
        %dma_start3A_363 = tpu.memref_slice %arg6[%add3A_355, %dma_start3A_362] : memref<80x128xi32, #tpu.memory_space<vmem>> -> memref<1x128xi32, #tpu.memory_space<vmem>>
        %dma_start3A_364 = tpu.memref_squeeze %dma_start3A_363 : memref<1x128xi32, #tpu.memory_space<vmem>> -> memref<128xi32, #tpu.memory_space<vmem>>
        %dma_start3A_365 = arith.constant 0 : i32
        %dma_start3A_366 = arith.constant 0 : i32
        %dma_start3A_367 = tpu.memref_slice %arg2[%dma_start3A_365, %dma_start3A_366] : memref<10240x64xf32, #tpu.memory_space<hbm>> -> memref<10240x64xf32, #tpu.memory_space<hbm>>
        %dma_start3A_368 = tpu.memref_slice %arg11[%dma_start3A_357] : memref<8x!tpu.dma_semaphore, #tpu.memory_space<semaphore_mem>> -> memref<1x!tpu.dma_semaphore, #tpu.memory_space<semaphore_mem>>
        %dma_start3A_369 = tpu.memref_squeeze %dma_start3A_368 : memref<1x!tpu.dma_semaphore, #tpu.memory_space<semaphore_mem>> -> memref<!tpu.dma_semaphore, #tpu.memory_space<semaphore_mem>>
        tpu.enqueue_indirect_dma source(%dma_start3A_367 : memref<10240x64xf32, #tpu.memory_space<hbm>>) target(%dma_start3A_361 : memref<128x64xf32, #tpu.memory_space<vmem>>) offsets(%dma_start3A_364 : memref<128xi32, #tpu.memory_space<vmem>>) semaphore(%dma_start3A_369 : memref<!tpu.dma_semaphore, #tpu.memory_space<semaphore_mem>>)
      } else {
      }
      %mul3A_223 = arith.constant 8 : i32
      %mul3A_224 = arith.muli %scan3A_148, %mul3A_223 : i32
      %add3A_225 = arith.constant 3 : i32
      %add3A_226 = arith.addi %mul3A_224, %add3A_225 : i32
      %dma_wait3A_227 = arith.constant 3 : i32
      %dma_wait3A_228 = arith.constant 3 : i32
      %dma_wait3A_229 = arith.constant 0 : i32
      %dma_wait3A_230 = arith.constant 0 : i32
      %dma_wait3A_231 = tpu.memref_slice %arg8[%dma_wait3A_227, %dma_wait3A_229, %dma_wait3A_230] : memref<8x128x64xf32, #tpu.memory_space<vmem>> -> memref<1x128x64xf32, #tpu.memory_space<vmem>>
      %dma_wait3A_232 = tpu.memref_squeeze %dma_wait3A_231 : memref<1x128x64xf32, #tpu.memory_space<vmem>> -> memref<128x64xf32, #tpu.memory_space<vmem>>
      %dma_wait3A_233 = arith.constant 0 : i32
      %dma_wait3A_234 = tpu.memref_slice %arg6[%add3A_226, %dma_wait3A_233] : memref<80x128xi32, #tpu.memory_space<vmem>> -> memref<1x128xi32, #tpu.memory_space<vmem>>
      %dma_wait3A_235 = tpu.memref_squeeze %dma_wait3A_234 : memref<1x128xi32, #tpu.memory_space<vmem>> -> memref<128xi32, #tpu.memory_space<vmem>>
      %dma_wait3A_236 = arith.constant 0 : i32
      %dma_wait3A_237 = arith.constant 0 : i32
      %dma_wait3A_238 = tpu.memref_slice %arg2[%dma_wait3A_236, %dma_wait3A_237] : memref<10240x64xf32, #tpu.memory_space<hbm>> -> memref<10240x64xf32, #tpu.memory_space<hbm>>
      %dma_wait3A_239 = tpu.memref_slice %arg11[%dma_wait3A_228] : memref<8x!tpu.dma_semaphore, #tpu.memory_space<semaphore_mem>> -> memref<1x!tpu.dma_semaphore, #tpu.memory_space<semaphore_mem>>
      %dma_wait3A_240 = tpu.memref_squeeze %dma_wait3A_239 : memref<1x!tpu.dma_semaphore, #tpu.memory_space<semaphore_mem>> -> memref<!tpu.dma_semaphore, #tpu.memory_space<semaphore_mem>>
      tpu.wait_indirect_dma semaphore(%dma_wait3A_240 : memref<!tpu.dma_semaphore, #tpu.memory_space<semaphore_mem>>) src(%dma_wait3A_238 : memref<10240x64xf32, #tpu.memory_space<hbm>>) dst(%dma_wait3A_232 : memref<128x64xf32, #tpu.memory_space<vmem>>)
      %run_scoped3A_241 = arith.constant 3 : i32
      "tpu.region"() ({
        %run_scoped3A_354 = tpu.sem_alloc : memref<!tpu.dma_semaphore, #tpu.memory_space<semaphore_mem>>
        %dma_start3A_355 = arith.constant 0 : i32
        %dma_start3A_356 = arith.constant 0 : i32
        %dma_start3A_357 = tpu.memref_slice %arg8[%run_scoped3A_241, %dma_start3A_355, %dma_start3A_356] : memref<8x128x64xf32, #tpu.memory_space<vmem>> -> memref<1x128x64xf32, #tpu.memory_space<vmem>>
        %dma_start3A_358 = tpu.memref_squeeze %dma_start3A_357 : memref<1x128x64xf32, #tpu.memory_space<vmem>> -> memref<128x64xf32, #tpu.memory_space<vmem>>
        %dma_start3A_359 = arith.constant 0 : i32
        %dma_start3A_360 = tpu.memref_slice %arg7[%add3A_226, %dma_start3A_359] : memref<80x128xi32, #tpu.memory_space<vmem>> -> memref<1x128xi32, #tpu.memory_space<vmem>>
        %dma_start3A_361 = tpu.memref_squeeze %dma_start3A_360 : memref<1x128xi32, #tpu.memory_space<vmem>> -> memref<128xi32, #tpu.memory_space<vmem>>
        %dma_start3A_362 = arith.constant 0 : i32
        %dma_start3A_363 = arith.constant 0 : i32
        %dma_start3A_364 = tpu.memref_slice %arg10[%dma_start3A_362, %dma_start3A_363] : memref<10240x64xf32, #tpu.memory_space<vmem_shared>> -> memref<10240x64xf32, #tpu.memory_space<vmem_shared>>
        tpu.enqueue_indirect_dma source(%dma_start3A_358 : memref<128x64xf32, #tpu.memory_space<vmem>>) target(%dma_start3A_364 : memref<10240x64xf32, #tpu.memory_space<vmem_shared>>) offsets(%dma_start3A_361 : memref<128xi32, #tpu.memory_space<vmem>>) semaphore(%run_scoped3A_354 : memref<!tpu.dma_semaphore, #tpu.memory_space<semaphore_mem>>) {add = true}
        %dma_wait3A_365 = arith.constant 0 : i32
        %dma_wait3A_366 = arith.constant 0 : i32
        %dma_wait3A_367 = tpu.memref_slice %arg8[%run_scoped3A_241, %dma_wait3A_365, %dma_wait3A_366] : memref<8x128x64xf32, #tpu.memory_space<vmem>> -> memref<1x128x64xf32, #tpu.memory_space<vmem>>
        %dma_wait3A_368 = tpu.memref_squeeze %dma_wait3A_367 : memref<1x128x64xf32, #tpu.memory_space<vmem>> -> memref<128x64xf32, #tpu.memory_space<vmem>>
        %dma_wait3A_369 = arith.constant 0 : i32
        %dma_wait3A_370 = tpu.memref_slice %arg7[%add3A_226, %dma_wait3A_369] : memref<80x128xi32, #tpu.memory_space<vmem>> -> memref<1x128xi32, #tpu.memory_space<vmem>>
        %dma_wait3A_371 = tpu.memref_squeeze %dma_wait3A_370 : memref<1x128xi32, #tpu.memory_space<vmem>> -> memref<128xi32, #tpu.memory_space<vmem>>
        %dma_wait3A_372 = arith.constant 0 : i32
        %dma_wait3A_373 = arith.constant 0 : i32
        %dma_wait3A_374 = tpu.memref_slice %arg10[%dma_wait3A_372, %dma_wait3A_373] : memref<10240x64xf32, #tpu.memory_space<vmem_shared>> -> memref<10240x64xf32, #tpu.memory_space<vmem_shared>>
        tpu.wait_indirect_dma semaphore(%run_scoped3A_354 : memref<!tpu.dma_semaphore, #tpu.memory_space<semaphore_mem>>) src(%dma_wait3A_368 : memref<128x64xf32, #tpu.memory_space<vmem>>) dst(%dma_wait3A_374 : memref<10240x64xf32, #tpu.memory_space<vmem_shared>>)
        tpu.yield
      }) : () -> ()
      %add3A_242 = arith.constant 8 : i32
      %add3A_243 = arith.addi %add3A_226, %add3A_242 : i32
      %lt3A_244 = arith.constant 80 : i32
      %lt3A_245 = arith.cmpi slt, %add3A_243, %lt3A_244 : i32
      %convert_element_type3A_246 = arith.extui %lt3A_245 : i1 to i32
      %cond3A_247 = arith.constant 0 : i32
      %cond3A_248 = arith.cmpi ne, %convert_element_type3A_246, %cond3A_247 : i32
      scf.if %cond3A_248 {
        %add3A_354 = arith.constant 8 : i32
        %add3A_355 = arith.addi %add3A_226, %add3A_354 : i32
        %dma_start3A_356 = arith.constant 3 : i32
        %dma_start3A_357 = arith.constant 3 : i32
        %dma_start3A_358 = arith.constant 0 : i32
        %dma_start3A_359 = arith.constant 0 : i32
        %dma_start3A_360 = tpu.memref_slice %arg8[%dma_start3A_356, %dma_start3A_358, %dma_start3A_359] : memref<8x128x64xf32, #tpu.memory_space<vmem>> -> memref<1x128x64xf32, #tpu.memory_space<vmem>>
        %dma_start3A_361 = tpu.memref_squeeze %dma_start3A_360 : memref<1x128x64xf32, #tpu.memory_space<vmem>> -> memref<128x64xf32, #tpu.memory_space<vmem>>
        %dma_start3A_362 = arith.constant 0 : i32
        %dma_start3A_363 = tpu.memref_slice %arg6[%add3A_355, %dma_start3A_362] : memref<80x128xi32, #tpu.memory_space<vmem>> -> memref<1x128xi32, #tpu.memory_space<vmem>>
        %dma_start3A_364 = tpu.memref_squeeze %dma_start3A_363 : memref<1x128xi32, #tpu.memory_space<vmem>> -> memref<128xi32, #tpu.memory_space<vmem>>
        %dma_start3A_365 = arith.constant 0 : i32
        %dma_start3A_366 = arith.constant 0 : i32
        %dma_start3A_367 = tpu.memref_slice %arg2[%dma_start3A_365, %dma_start3A_366] : memref<10240x64xf32, #tpu.memory_space<hbm>> -> memref<10240x64xf32, #tpu.memory_space<hbm>>
        %dma_start3A_368 = tpu.memref_slice %arg11[%dma_start3A_357] : memref<8x!tpu.dma_semaphore, #tpu.memory_space<semaphore_mem>> -> memref<1x!tpu.dma_semaphore, #tpu.memory_space<semaphore_mem>>
        %dma_start3A_369 = tpu.memref_squeeze %dma_start3A_368 : memref<1x!tpu.dma_semaphore, #tpu.memory_space<semaphore_mem>> -> memref<!tpu.dma_semaphore, #tpu.memory_space<semaphore_mem>>
        tpu.enqueue_indirect_dma source(%dma_start3A_367 : memref<10240x64xf32, #tpu.memory_space<hbm>>) target(%dma_start3A_361 : memref<128x64xf32, #tpu.memory_space<vmem>>) offsets(%dma_start3A_364 : memref<128xi32, #tpu.memory_space<vmem>>) semaphore(%dma_start3A_369 : memref<!tpu.dma_semaphore, #tpu.memory_space<semaphore_mem>>)
      } else {
      }
      %mul3A_249 = arith.constant 8 : i32
      %mul3A_250 = arith.muli %scan3A_148, %mul3A_249 : i32
      %add3A_251 = arith.constant 4 : i32
      %add3A_252 = arith.addi %mul3A_250, %add3A_251 : i32
      %dma_wait3A_253 = arith.constant 4 : i32
      %dma_wait3A_254 = arith.constant 4 : i32
      %dma_wait3A_255 = arith.constant 0 : i32
      %dma_wait3A_256 = arith.constant 0 : i32
      %dma_wait3A_257 = tpu.memref_slice %arg8[%dma_wait3A_253, %dma_wait3A_255, %dma_wait3A_256] : memref<8x128x64xf32, #tpu.memory_space<vmem>> -> memref<1x128x64xf32, #tpu.memory_space<vmem>>
      %dma_wait3A_258 = tpu.memref_squeeze %dma_wait3A_257 : memref<1x128x64xf32, #tpu.memory_space<vmem>> -> memref<128x64xf32, #tpu.memory_space<vmem>>
      %dma_wait3A_259 = arith.constant 0 : i32
      %dma_wait3A_260 = tpu.memref_slice %arg6[%add3A_252, %dma_wait3A_259] : memref<80x128xi32, #tpu.memory_space<vmem>> -> memref<1x128xi32, #tpu.memory_space<vmem>>
      %dma_wait3A_261 = tpu.memref_squeeze %dma_wait3A_260 : memref<1x128xi32, #tpu.memory_space<vmem>> -> memref<128xi32, #tpu.memory_space<vmem>>
      %dma_wait3A_262 = arith.constant 0 : i32
      %dma_wait3A_263 = arith.constant 0 : i32
      %dma_wait3A_264 = tpu.memref_slice %arg2[%dma_wait3A_262, %dma_wait3A_263] : memref<10240x64xf32, #tpu.memory_space<hbm>> -> memref<10240x64xf32, #tpu.memory_space<hbm>>
      %dma_wait3A_265 = tpu.memref_slice %arg11[%dma_wait3A_254] : memref<8x!tpu.dma_semaphore, #tpu.memory_space<semaphore_mem>> -> memref<1x!tpu.dma_semaphore, #tpu.memory_space<semaphore_mem>>
      %dma_wait3A_266 = tpu.memref_squeeze %dma_wait3A_265 : memref<1x!tpu.dma_semaphore, #tpu.memory_space<semaphore_mem>> -> memref<!tpu.dma_semaphore, #tpu.memory_space<semaphore_mem>>
      tpu.wait_indirect_dma semaphore(%dma_wait3A_266 : memref<!tpu.dma_semaphore, #tpu.memory_space<semaphore_mem>>) src(%dma_wait3A_264 : memref<10240x64xf32, #tpu.memory_space<hbm>>) dst(%dma_wait3A_258 : memref<128x64xf32, #tpu.memory_space<vmem>>)
      %run_scoped3A_267 = arith.constant 4 : i32
      "tpu.region"() ({
        %run_scoped3A_354 = tpu.sem_alloc : memref<!tpu.dma_semaphore, #tpu.memory_space<semaphore_mem>>
        %dma_start3A_355 = arith.constant 0 : i32
        %dma_start3A_356 = arith.constant 0 : i32
        %dma_start3A_357 = tpu.memref_slice %arg8[%run_scoped3A_267, %dma_start3A_355, %dma_start3A_356] : memref<8x128x64xf32, #tpu.memory_space<vmem>> -> memref<1x128x64xf32, #tpu.memory_space<vmem>>
        %dma_start3A_358 = tpu.memref_squeeze %dma_start3A_357 : memref<1x128x64xf32, #tpu.memory_space<vmem>> -> memref<128x64xf32, #tpu.memory_space<vmem>>
        %dma_start3A_359 = arith.constant 0 : i32
        %dma_start3A_360 = tpu.memref_slice %arg7[%add3A_252, %dma_start3A_359] : memref<80x128xi32, #tpu.memory_space<vmem>> -> memref<1x128xi32, #tpu.memory_space<vmem>>
        %dma_start3A_361 = tpu.memref_squeeze %dma_start3A_360 : memref<1x128xi32, #tpu.memory_space<vmem>> -> memref<128xi32, #tpu.memory_space<vmem>>
        %dma_start3A_362 = arith.constant 0 : i32
        %dma_start3A_363 = arith.constant 0 : i32
        %dma_start3A_364 = tpu.memref_slice %arg10[%dma_start3A_362, %dma_start3A_363] : memref<10240x64xf32, #tpu.memory_space<vmem_shared>> -> memref<10240x64xf32, #tpu.memory_space<vmem_shared>>
        tpu.enqueue_indirect_dma source(%dma_start3A_358 : memref<128x64xf32, #tpu.memory_space<vmem>>) target(%dma_start3A_364 : memref<10240x64xf32, #tpu.memory_space<vmem_shared>>) offsets(%dma_start3A_361 : memref<128xi32, #tpu.memory_space<vmem>>) semaphore(%run_scoped3A_354 : memref<!tpu.dma_semaphore, #tpu.memory_space<semaphore_mem>>) {add = true}
        %dma_wait3A_365 = arith.constant 0 : i32
        %dma_wait3A_366 = arith.constant 0 : i32
        %dma_wait3A_367 = tpu.memref_slice %arg8[%run_scoped3A_267, %dma_wait3A_365, %dma_wait3A_366] : memref<8x128x64xf32, #tpu.memory_space<vmem>> -> memref<1x128x64xf32, #tpu.memory_space<vmem>>
        %dma_wait3A_368 = tpu.memref_squeeze %dma_wait3A_367 : memref<1x128x64xf32, #tpu.memory_space<vmem>> -> memref<128x64xf32, #tpu.memory_space<vmem>>
        %dma_wait3A_369 = arith.constant 0 : i32
        %dma_wait3A_370 = tpu.memref_slice %arg7[%add3A_252, %dma_wait3A_369] : memref<80x128xi32, #tpu.memory_space<vmem>> -> memref<1x128xi32, #tpu.memory_space<vmem>>
        %dma_wait3A_371 = tpu.memref_squeeze %dma_wait3A_370 : memref<1x128xi32, #tpu.memory_space<vmem>> -> memref<128xi32, #tpu.memory_space<vmem>>
        %dma_wait3A_372 = arith.constant 0 : i32
        %dma_wait3A_373 = arith.constant 0 : i32
        %dma_wait3A_374 = tpu.memref_slice %arg10[%dma_wait3A_372, %dma_wait3A_373] : memref<10240x64xf32, #tpu.memory_space<vmem_shared>> -> memref<10240x64xf32, #tpu.memory_space<vmem_shared>>
        tpu.wait_indirect_dma semaphore(%run_scoped3A_354 : memref<!tpu.dma_semaphore, #tpu.memory_space<semaphore_mem>>) src(%dma_wait3A_368 : memref<128x64xf32, #tpu.memory_space<vmem>>) dst(%dma_wait3A_374 : memref<10240x64xf32, #tpu.memory_space<vmem_shared>>)
        tpu.yield
      }) : () -> ()
      %add3A_268 = arith.constant 8 : i32
      %add3A_269 = arith.addi %add3A_252, %add3A_268 : i32
      %lt3A_270 = arith.constant 80 : i32
      %lt3A_271 = arith.cmpi slt, %add3A_269, %lt3A_270 : i32
      %convert_element_type3A_272 = arith.extui %lt3A_271 : i1 to i32
      %cond3A_273 = arith.constant 0 : i32
      %cond3A_274 = arith.cmpi ne, %convert_element_type3A_272, %cond3A_273 : i32
      scf.if %cond3A_274 {
        %add3A_354 = arith.constant 8 : i32
        %add3A_355 = arith.addi %add3A_252, %add3A_354 : i32
        %dma_start3A_356 = arith.constant 4 : i32
        %dma_start3A_357 = arith.constant 4 : i32
        %dma_start3A_358 = arith.constant 0 : i32
        %dma_start3A_359 = arith.constant 0 : i32
        %dma_start3A_360 = tpu.memref_slice %arg8[%dma_start3A_356, %dma_start3A_358, %dma_start3A_359] : memref<8x128x64xf32, #tpu.memory_space<vmem>> -> memref<1x128x64xf32, #tpu.memory_space<vmem>>
        %dma_start3A_361 = tpu.memref_squeeze %dma_start3A_360 : memref<1x128x64xf32, #tpu.memory_space<vmem>> -> memref<128x64xf32, #tpu.memory_space<vmem>>
        %dma_start3A_362 = arith.constant 0 : i32
        %dma_start3A_363 = tpu.memref_slice %arg6[%add3A_355, %dma_start3A_362] : memref<80x128xi32, #tpu.memory_space<vmem>> -> memref<1x128xi32, #tpu.memory_space<vmem>>
        %dma_start3A_364 = tpu.memref_squeeze %dma_start3A_363 : memref<1x128xi32, #tpu.memory_space<vmem>> -> memref<128xi32, #tpu.memory_space<vmem>>
        %dma_start3A_365 = arith.constant 0 : i32
        %dma_start3A_366 = arith.constant 0 : i32
        %dma_start3A_367 = tpu.memref_slice %arg2[%dma_start3A_365, %dma_start3A_366] : memref<10240x64xf32, #tpu.memory_space<hbm>> -> memref<10240x64xf32, #tpu.memory_space<hbm>>
        %dma_start3A_368 = tpu.memref_slice %arg11[%dma_start3A_357] : memref<8x!tpu.dma_semaphore, #tpu.memory_space<semaphore_mem>> -> memref<1x!tpu.dma_semaphore, #tpu.memory_space<semaphore_mem>>
        %dma_start3A_369 = tpu.memref_squeeze %dma_start3A_368 : memref<1x!tpu.dma_semaphore, #tpu.memory_space<semaphore_mem>> -> memref<!tpu.dma_semaphore, #tpu.memory_space<semaphore_mem>>
        tpu.enqueue_indirect_dma source(%dma_start3A_367 : memref<10240x64xf32, #tpu.memory_space<hbm>>) target(%dma_start3A_361 : memref<128x64xf32, #tpu.memory_space<vmem>>) offsets(%dma_start3A_364 : memref<128xi32, #tpu.memory_space<vmem>>) semaphore(%dma_start3A_369 : memref<!tpu.dma_semaphore, #tpu.memory_space<semaphore_mem>>)
      } else {
      }
      %mul3A_275 = arith.constant 8 : i32
      %mul3A_276 = arith.muli %scan3A_148, %mul3A_275 : i32
      %add3A_277 = arith.constant 5 : i32
      %add3A_278 = arith.addi %mul3A_276, %add3A_277 : i32
      %dma_wait3A_279 = arith.constant 5 : i32
      %dma_wait3A_280 = arith.constant 5 : i32
      %dma_wait3A_281 = arith.constant 0 : i32
      %dma_wait3A_282 = arith.constant 0 : i32
      %dma_wait3A_283 = tpu.memref_slice %arg8[%dma_wait3A_279, %dma_wait3A_281, %dma_wait3A_282] : memref<8x128x64xf32, #tpu.memory_space<vmem>> -> memref<1x128x64xf32, #tpu.memory_space<vmem>>
      %dma_wait3A_284 = tpu.memref_squeeze %dma_wait3A_283 : memref<1x128x64xf32, #tpu.memory_space<vmem>> -> memref<128x64xf32, #tpu.memory_space<vmem>>
      %dma_wait3A_285 = arith.constant 0 : i32
      %dma_wait3A_286 = tpu.memref_slice %arg6[%add3A_278, %dma_wait3A_285] : memref<80x128xi32, #tpu.memory_space<vmem>> -> memref<1x128xi32, #tpu.memory_space<vmem>>
      %dma_wait3A_287 = tpu.memref_squeeze %dma_wait3A_286 : memref<1x128xi32, #tpu.memory_space<vmem>> -> memref<128xi32, #tpu.memory_space<vmem>>
      %dma_wait3A_288 = arith.constant 0 : i32
      %dma_wait3A_289 = arith.constant 0 : i32
      %dma_wait3A_290 = tpu.memref_slice %arg2[%dma_wait3A_288, %dma_wait3A_289] : memref<10240x64xf32, #tpu.memory_space<hbm>> -> memref<10240x64xf32, #tpu.memory_space<hbm>>
      %dma_wait3A_291 = tpu.memref_slice %arg11[%dma_wait3A_280] : memref<8x!tpu.dma_semaphore, #tpu.memory_space<semaphore_mem>> -> memref<1x!tpu.dma_semaphore, #tpu.memory_space<semaphore_mem>>
      %dma_wait3A_292 = tpu.memref_squeeze %dma_wait3A_291 : memref<1x!tpu.dma_semaphore, #tpu.memory_space<semaphore_mem>> -> memref<!tpu.dma_semaphore, #tpu.memory_space<semaphore_mem>>
      tpu.wait_indirect_dma semaphore(%dma_wait3A_292 : memref<!tpu.dma_semaphore, #tpu.memory_space<semaphore_mem>>) src(%dma_wait3A_290 : memref<10240x64xf32, #tpu.memory_space<hbm>>) dst(%dma_wait3A_284 : memref<128x64xf32, #tpu.memory_space<vmem>>)
      %run_scoped3A_293 = arith.constant 5 : i32
      "tpu.region"() ({
        %run_scoped3A_354 = tpu.sem_alloc : memref<!tpu.dma_semaphore, #tpu.memory_space<semaphore_mem>>
        %dma_start3A_355 = arith.constant 0 : i32
        %dma_start3A_356 = arith.constant 0 : i32
        %dma_start3A_357 = tpu.memref_slice %arg8[%run_scoped3A_293, %dma_start3A_355, %dma_start3A_356] : memref<8x128x64xf32, #tpu.memory_space<vmem>> -> memref<1x128x64xf32, #tpu.memory_space<vmem>>
        %dma_start3A_358 = tpu.memref_squeeze %dma_start3A_357 : memref<1x128x64xf32, #tpu.memory_space<vmem>> -> memref<128x64xf32, #tpu.memory_space<vmem>>
        %dma_start3A_359 = arith.constant 0 : i32
        %dma_start3A_360 = tpu.memref_slice %arg7[%add3A_278, %dma_start3A_359] : memref<80x128xi32, #tpu.memory_space<vmem>> -> memref<1x128xi32, #tpu.memory_space<vmem>>
        %dma_start3A_361 = tpu.memref_squeeze %dma_start3A_360 : memref<1x128xi32, #tpu.memory_space<vmem>> -> memref<128xi32, #tpu.memory_space<vmem>>
        %dma_start3A_362 = arith.constant 0 : i32
        %dma_start3A_363 = arith.constant 0 : i32
        %dma_start3A_364 = tpu.memref_slice %arg10[%dma_start3A_362, %dma_start3A_363] : memref<10240x64xf32, #tpu.memory_space<vmem_shared>> -> memref<10240x64xf32, #tpu.memory_space<vmem_shared>>
        tpu.enqueue_indirect_dma source(%dma_start3A_358 : memref<128x64xf32, #tpu.memory_space<vmem>>) target(%dma_start3A_364 : memref<10240x64xf32, #tpu.memory_space<vmem_shared>>) offsets(%dma_start3A_361 : memref<128xi32, #tpu.memory_space<vmem>>) semaphore(%run_scoped3A_354 : memref<!tpu.dma_semaphore, #tpu.memory_space<semaphore_mem>>) {add = true}
        %dma_wait3A_365 = arith.constant 0 : i32
        %dma_wait3A_366 = arith.constant 0 : i32
        %dma_wait3A_367 = tpu.memref_slice %arg8[%run_scoped3A_293, %dma_wait3A_365, %dma_wait3A_366] : memref<8x128x64xf32, #tpu.memory_space<vmem>> -> memref<1x128x64xf32, #tpu.memory_space<vmem>>
        %dma_wait3A_368 = tpu.memref_squeeze %dma_wait3A_367 : memref<1x128x64xf32, #tpu.memory_space<vmem>> -> memref<128x64xf32, #tpu.memory_space<vmem>>
        %dma_wait3A_369 = arith.constant 0 : i32
        %dma_wait3A_370 = tpu.memref_slice %arg7[%add3A_278, %dma_wait3A_369] : memref<80x128xi32, #tpu.memory_space<vmem>> -> memref<1x128xi32, #tpu.memory_space<vmem>>
        %dma_wait3A_371 = tpu.memref_squeeze %dma_wait3A_370 : memref<1x128xi32, #tpu.memory_space<vmem>> -> memref<128xi32, #tpu.memory_space<vmem>>
        %dma_wait3A_372 = arith.constant 0 : i32
        %dma_wait3A_373 = arith.constant 0 : i32
        %dma_wait3A_374 = tpu.memref_slice %arg10[%dma_wait3A_372, %dma_wait3A_373] : memref<10240x64xf32, #tpu.memory_space<vmem_shared>> -> memref<10240x64xf32, #tpu.memory_space<vmem_shared>>
        tpu.wait_indirect_dma semaphore(%run_scoped3A_354 : memref<!tpu.dma_semaphore, #tpu.memory_space<semaphore_mem>>) src(%dma_wait3A_368 : memref<128x64xf32, #tpu.memory_space<vmem>>) dst(%dma_wait3A_374 : memref<10240x64xf32, #tpu.memory_space<vmem_shared>>)
        tpu.yield
      }) : () -> ()
      %add3A_294 = arith.constant 8 : i32
      %add3A_295 = arith.addi %add3A_278, %add3A_294 : i32
      %lt3A_296 = arith.constant 80 : i32
      %lt3A_297 = arith.cmpi slt, %add3A_295, %lt3A_296 : i32
      %convert_element_type3A_298 = arith.extui %lt3A_297 : i1 to i32
      %cond3A_299 = arith.constant 0 : i32
      %cond3A_300 = arith.cmpi ne, %convert_element_type3A_298, %cond3A_299 : i32
      scf.if %cond3A_300 {
        %add3A_354 = arith.constant 8 : i32
        %add3A_355 = arith.addi %add3A_278, %add3A_354 : i32
        %dma_start3A_356 = arith.constant 5 : i32
        %dma_start3A_357 = arith.constant 5 : i32
        %dma_start3A_358 = arith.constant 0 : i32
        %dma_start3A_359 = arith.constant 0 : i32
        %dma_start3A_360 = tpu.memref_slice %arg8[%dma_start3A_356, %dma_start3A_358, %dma_start3A_359] : memref<8x128x64xf32, #tpu.memory_space<vmem>> -> memref<1x128x64xf32, #tpu.memory_space<vmem>>
        %dma_start3A_361 = tpu.memref_squeeze %dma_start3A_360 : memref<1x128x64xf32, #tpu.memory_space<vmem>> -> memref<128x64xf32, #tpu.memory_space<vmem>>
        %dma_start3A_362 = arith.constant 0 : i32
        %dma_start3A_363 = tpu.memref_slice %arg6[%add3A_355, %dma_start3A_362] : memref<80x128xi32, #tpu.memory_space<vmem>> -> memref<1x128xi32, #tpu.memory_space<vmem>>
        %dma_start3A_364 = tpu.memref_squeeze %dma_start3A_363 : memref<1x128xi32, #tpu.memory_space<vmem>> -> memref<128xi32, #tpu.memory_space<vmem>>
        %dma_start3A_365 = arith.constant 0 : i32
        %dma_start3A_366 = arith.constant 0 : i32
        %dma_start3A_367 = tpu.memref_slice %arg2[%dma_start3A_365, %dma_start3A_366] : memref<10240x64xf32, #tpu.memory_space<hbm>> -> memref<10240x64xf32, #tpu.memory_space<hbm>>
        %dma_start3A_368 = tpu.memref_slice %arg11[%dma_start3A_357] : memref<8x!tpu.dma_semaphore, #tpu.memory_space<semaphore_mem>> -> memref<1x!tpu.dma_semaphore, #tpu.memory_space<semaphore_mem>>
        %dma_start3A_369 = tpu.memref_squeeze %dma_start3A_368 : memref<1x!tpu.dma_semaphore, #tpu.memory_space<semaphore_mem>> -> memref<!tpu.dma_semaphore, #tpu.memory_space<semaphore_mem>>
        tpu.enqueue_indirect_dma source(%dma_start3A_367 : memref<10240x64xf32, #tpu.memory_space<hbm>>) target(%dma_start3A_361 : memref<128x64xf32, #tpu.memory_space<vmem>>) offsets(%dma_start3A_364 : memref<128xi32, #tpu.memory_space<vmem>>) semaphore(%dma_start3A_369 : memref<!tpu.dma_semaphore, #tpu.memory_space<semaphore_mem>>)
      } else {
      }
      %mul3A_301 = arith.constant 8 : i32
      %mul3A_302 = arith.muli %scan3A_148, %mul3A_301 : i32
      %add3A_303 = arith.constant 6 : i32
      %add3A_304 = arith.addi %mul3A_302, %add3A_303 : i32
      %dma_wait3A_305 = arith.constant 6 : i32
      %dma_wait3A_306 = arith.constant 6 : i32
      %dma_wait3A_307 = arith.constant 0 : i32
      %dma_wait3A_308 = arith.constant 0 : i32
      %dma_wait3A_309 = tpu.memref_slice %arg8[%dma_wait3A_305, %dma_wait3A_307, %dma_wait3A_308] : memref<8x128x64xf32, #tpu.memory_space<vmem>> -> memref<1x128x64xf32, #tpu.memory_space<vmem>>
      %dma_wait3A_310 = tpu.memref_squeeze %dma_wait3A_309 : memref<1x128x64xf32, #tpu.memory_space<vmem>> -> memref<128x64xf32, #tpu.memory_space<vmem>>
      %dma_wait3A_311 = arith.constant 0 : i32
      %dma_wait3A_312 = tpu.memref_slice %arg6[%add3A_304, %dma_wait3A_311] : memref<80x128xi32, #tpu.memory_space<vmem>> -> memref<1x128xi32, #tpu.memory_space<vmem>>
      %dma_wait3A_313 = tpu.memref_squeeze %dma_wait3A_312 : memref<1x128xi32, #tpu.memory_space<vmem>> -> memref<128xi32, #tpu.memory_space<vmem>>
      %dma_wait3A_314 = arith.constant 0 : i32
      %dma_wait3A_315 = arith.constant 0 : i32
      %dma_wait3A_316 = tpu.memref_slice %arg2[%dma_wait3A_314, %dma_wait3A_315] : memref<10240x64xf32, #tpu.memory_space<hbm>> -> memref<10240x64xf32, #tpu.memory_space<hbm>>
      %dma_wait3A_317 = tpu.memref_slice %arg11[%dma_wait3A_306] : memref<8x!tpu.dma_semaphore, #tpu.memory_space<semaphore_mem>> -> memref<1x!tpu.dma_semaphore, #tpu.memory_space<semaphore_mem>>
      %dma_wait3A_318 = tpu.memref_squeeze %dma_wait3A_317 : memref<1x!tpu.dma_semaphore, #tpu.memory_space<semaphore_mem>> -> memref<!tpu.dma_semaphore, #tpu.memory_space<semaphore_mem>>
      tpu.wait_indirect_dma semaphore(%dma_wait3A_318 : memref<!tpu.dma_semaphore, #tpu.memory_space<semaphore_mem>>) src(%dma_wait3A_316 : memref<10240x64xf32, #tpu.memory_space<hbm>>) dst(%dma_wait3A_310 : memref<128x64xf32, #tpu.memory_space<vmem>>)
      %run_scoped3A_319 = arith.constant 6 : i32
      "tpu.region"() ({
        %run_scoped3A_354 = tpu.sem_alloc : memref<!tpu.dma_semaphore, #tpu.memory_space<semaphore_mem>>
        %dma_start3A_355 = arith.constant 0 : i32
        %dma_start3A_356 = arith.constant 0 : i32
        %dma_start3A_357 = tpu.memref_slice %arg8[%run_scoped3A_319, %dma_start3A_355, %dma_start3A_356] : memref<8x128x64xf32, #tpu.memory_space<vmem>> -> memref<1x128x64xf32, #tpu.memory_space<vmem>>
        %dma_start3A_358 = tpu.memref_squeeze %dma_start3A_357 : memref<1x128x64xf32, #tpu.memory_space<vmem>> -> memref<128x64xf32, #tpu.memory_space<vmem>>
        %dma_start3A_359 = arith.constant 0 : i32
        %dma_start3A_360 = tpu.memref_slice %arg7[%add3A_304, %dma_start3A_359] : memref<80x128xi32, #tpu.memory_space<vmem>> -> memref<1x128xi32, #tpu.memory_space<vmem>>
        %dma_start3A_361 = tpu.memref_squeeze %dma_start3A_360 : memref<1x128xi32, #tpu.memory_space<vmem>> -> memref<128xi32, #tpu.memory_space<vmem>>
        %dma_start3A_362 = arith.constant 0 : i32
        %dma_start3A_363 = arith.constant 0 : i32
        %dma_start3A_364 = tpu.memref_slice %arg10[%dma_start3A_362, %dma_start3A_363] : memref<10240x64xf32, #tpu.memory_space<vmem_shared>> -> memref<10240x64xf32, #tpu.memory_space<vmem_shared>>
        tpu.enqueue_indirect_dma source(%dma_start3A_358 : memref<128x64xf32, #tpu.memory_space<vmem>>) target(%dma_start3A_364 : memref<10240x64xf32, #tpu.memory_space<vmem_shared>>) offsets(%dma_start3A_361 : memref<128xi32, #tpu.memory_space<vmem>>) semaphore(%run_scoped3A_354 : memref<!tpu.dma_semaphore, #tpu.memory_space<semaphore_mem>>) {add = true}
        %dma_wait3A_365 = arith.constant 0 : i32
        %dma_wait3A_366 = arith.constant 0 : i32
        %dma_wait3A_367 = tpu.memref_slice %arg8[%run_scoped3A_319, %dma_wait3A_365, %dma_wait3A_366] : memref<8x128x64xf32, #tpu.memory_space<vmem>> -> memref<1x128x64xf32, #tpu.memory_space<vmem>>
        %dma_wait3A_368 = tpu.memref_squeeze %dma_wait3A_367 : memref<1x128x64xf32, #tpu.memory_space<vmem>> -> memref<128x64xf32, #tpu.memory_space<vmem>>
        %dma_wait3A_369 = arith.constant 0 : i32
        %dma_wait3A_370 = tpu.memref_slice %arg7[%add3A_304, %dma_wait3A_369] : memref<80x128xi32, #tpu.memory_space<vmem>> -> memref<1x128xi32, #tpu.memory_space<vmem>>
        %dma_wait3A_371 = tpu.memref_squeeze %dma_wait3A_370 : memref<1x128xi32, #tpu.memory_space<vmem>> -> memref<128xi32, #tpu.memory_space<vmem>>
        %dma_wait3A_372 = arith.constant 0 : i32
        %dma_wait3A_373 = arith.constant 0 : i32
        %dma_wait3A_374 = tpu.memref_slice %arg10[%dma_wait3A_372, %dma_wait3A_373] : memref<10240x64xf32, #tpu.memory_space<vmem_shared>> -> memref<10240x64xf32, #tpu.memory_space<vmem_shared>>
        tpu.wait_indirect_dma semaphore(%run_scoped3A_354 : memref<!tpu.dma_semaphore, #tpu.memory_space<semaphore_mem>>) src(%dma_wait3A_368 : memref<128x64xf32, #tpu.memory_space<vmem>>) dst(%dma_wait3A_374 : memref<10240x64xf32, #tpu.memory_space<vmem_shared>>)
        tpu.yield
      }) : () -> ()
      %add3A_320 = arith.constant 8 : i32
      %add3A_321 = arith.addi %add3A_304, %add3A_320 : i32
      %lt3A_322 = arith.constant 80 : i32
      %lt3A_323 = arith.cmpi slt, %add3A_321, %lt3A_322 : i32
      %convert_element_type3A_324 = arith.extui %lt3A_323 : i1 to i32
      %cond3A_325 = arith.constant 0 : i32
      %cond3A_326 = arith.cmpi ne, %convert_element_type3A_324, %cond3A_325 : i32
      scf.if %cond3A_326 {
        %add3A_354 = arith.constant 8 : i32
        %add3A_355 = arith.addi %add3A_304, %add3A_354 : i32
        %dma_start3A_356 = arith.constant 6 : i32
        %dma_start3A_357 = arith.constant 6 : i32
        %dma_start3A_358 = arith.constant 0 : i32
        %dma_start3A_359 = arith.constant 0 : i32
        %dma_start3A_360 = tpu.memref_slice %arg8[%dma_start3A_356, %dma_start3A_358, %dma_start3A_359] : memref<8x128x64xf32, #tpu.memory_space<vmem>> -> memref<1x128x64xf32, #tpu.memory_space<vmem>>
        %dma_start3A_361 = tpu.memref_squeeze %dma_start3A_360 : memref<1x128x64xf32, #tpu.memory_space<vmem>> -> memref<128x64xf32, #tpu.memory_space<vmem>>
        %dma_start3A_362 = arith.constant 0 : i32
        %dma_start3A_363 = tpu.memref_slice %arg6[%add3A_355, %dma_start3A_362] : memref<80x128xi32, #tpu.memory_space<vmem>> -> memref<1x128xi32, #tpu.memory_space<vmem>>
        %dma_start3A_364 = tpu.memref_squeeze %dma_start3A_363 : memref<1x128xi32, #tpu.memory_space<vmem>> -> memref<128xi32, #tpu.memory_space<vmem>>
        %dma_start3A_365 = arith.constant 0 : i32
        %dma_start3A_366 = arith.constant 0 : i32
        %dma_start3A_367 = tpu.memref_slice %arg2[%dma_start3A_365, %dma_start3A_366] : memref<10240x64xf32, #tpu.memory_space<hbm>> -> memref<10240x64xf32, #tpu.memory_space<hbm>>
        %dma_start3A_368 = tpu.memref_slice %arg11[%dma_start3A_357] : memref<8x!tpu.dma_semaphore, #tpu.memory_space<semaphore_mem>> -> memref<1x!tpu.dma_semaphore, #tpu.memory_space<semaphore_mem>>
        %dma_start3A_369 = tpu.memref_squeeze %dma_start3A_368 : memref<1x!tpu.dma_semaphore, #tpu.memory_space<semaphore_mem>> -> memref<!tpu.dma_semaphore, #tpu.memory_space<semaphore_mem>>
        tpu.enqueue_indirect_dma source(%dma_start3A_367 : memref<10240x64xf32, #tpu.memory_space<hbm>>) target(%dma_start3A_361 : memref<128x64xf32, #tpu.memory_space<vmem>>) offsets(%dma_start3A_364 : memref<128xi32, #tpu.memory_space<vmem>>) semaphore(%dma_start3A_369 : memref<!tpu.dma_semaphore, #tpu.memory_space<semaphore_mem>>)
      } else {
      }
      %mul3A_327 = arith.constant 8 : i32
      %mul3A_328 = arith.muli %scan3A_148, %mul3A_327 : i32
      %add3A_329 = arith.constant 7 : i32
      %add3A_330 = arith.addi %mul3A_328, %add3A_329 : i32
      %dma_wait3A_331 = arith.constant 7 : i32
      %dma_wait3A_332 = arith.constant 7 : i32
      %dma_wait3A_333 = arith.constant 0 : i32
      %dma_wait3A_334 = arith.constant 0 : i32
      %dma_wait3A_335 = tpu.memref_slice %arg8[%dma_wait3A_331, %dma_wait3A_333, %dma_wait3A_334] : memref<8x128x64xf32, #tpu.memory_space<vmem>> -> memref<1x128x64xf32, #tpu.memory_space<vmem>>
      %dma_wait3A_336 = tpu.memref_squeeze %dma_wait3A_335 : memref<1x128x64xf32, #tpu.memory_space<vmem>> -> memref<128x64xf32, #tpu.memory_space<vmem>>
      %dma_wait3A_337 = arith.constant 0 : i32
      %dma_wait3A_338 = tpu.memref_slice %arg6[%add3A_330, %dma_wait3A_337] : memref<80x128xi32, #tpu.memory_space<vmem>> -> memref<1x128xi32, #tpu.memory_space<vmem>>
      %dma_wait3A_339 = tpu.memref_squeeze %dma_wait3A_338 : memref<1x128xi32, #tpu.memory_space<vmem>> -> memref<128xi32, #tpu.memory_space<vmem>>
      %dma_wait3A_340 = arith.constant 0 : i32
      %dma_wait3A_341 = arith.constant 0 : i32
      %dma_wait3A_342 = tpu.memref_slice %arg2[%dma_wait3A_340, %dma_wait3A_341] : memref<10240x64xf32, #tpu.memory_space<hbm>> -> memref<10240x64xf32, #tpu.memory_space<hbm>>
      %dma_wait3A_343 = tpu.memref_slice %arg11[%dma_wait3A_332] : memref<8x!tpu.dma_semaphore, #tpu.memory_space<semaphore_mem>> -> memref<1x!tpu.dma_semaphore, #tpu.memory_space<semaphore_mem>>
      %dma_wait3A_344 = tpu.memref_squeeze %dma_wait3A_343 : memref<1x!tpu.dma_semaphore, #tpu.memory_space<semaphore_mem>> -> memref<!tpu.dma_semaphore, #tpu.memory_space<semaphore_mem>>
      tpu.wait_indirect_dma semaphore(%dma_wait3A_344 : memref<!tpu.dma_semaphore, #tpu.memory_space<semaphore_mem>>) src(%dma_wait3A_342 : memref<10240x64xf32, #tpu.memory_space<hbm>>) dst(%dma_wait3A_336 : memref<128x64xf32, #tpu.memory_space<vmem>>)
      %run_scoped3A_345 = arith.constant 7 : i32
      "tpu.region"() ({
        %run_scoped3A_354 = tpu.sem_alloc : memref<!tpu.dma_semaphore, #tpu.memory_space<semaphore_mem>>
        %dma_start3A_355 = arith.constant 0 : i32
        %dma_start3A_356 = arith.constant 0 : i32
        %dma_start3A_357 = tpu.memref_slice %arg8[%run_scoped3A_345, %dma_start3A_355, %dma_start3A_356] : memref<8x128x64xf32, #tpu.memory_space<vmem>> -> memref<1x128x64xf32, #tpu.memory_space<vmem>>
        %dma_start3A_358 = tpu.memref_squeeze %dma_start3A_357 : memref<1x128x64xf32, #tpu.memory_space<vmem>> -> memref<128x64xf32, #tpu.memory_space<vmem>>
        %dma_start3A_359 = arith.constant 0 : i32
        %dma_start3A_360 = tpu.memref_slice %arg7[%add3A_330, %dma_start3A_359] : memref<80x128xi32, #tpu.memory_space<vmem>> -> memref<1x128xi32, #tpu.memory_space<vmem>>
        %dma_start3A_361 = tpu.memref_squeeze %dma_start3A_360 : memref<1x128xi32, #tpu.memory_space<vmem>> -> memref<128xi32, #tpu.memory_space<vmem>>
        %dma_start3A_362 = arith.constant 0 : i32
        %dma_start3A_363 = arith.constant 0 : i32
        %dma_start3A_364 = tpu.memref_slice %arg10[%dma_start3A_362, %dma_start3A_363] : memref<10240x64xf32, #tpu.memory_space<vmem_shared>> -> memref<10240x64xf32, #tpu.memory_space<vmem_shared>>
        tpu.enqueue_indirect_dma source(%dma_start3A_358 : memref<128x64xf32, #tpu.memory_space<vmem>>) target(%dma_start3A_364 : memref<10240x64xf32, #tpu.memory_space<vmem_shared>>) offsets(%dma_start3A_361 : memref<128xi32, #tpu.memory_space<vmem>>) semaphore(%run_scoped3A_354 : memref<!tpu.dma_semaphore, #tpu.memory_space<semaphore_mem>>) {add = true}
        %dma_wait3A_365 = arith.constant 0 : i32
        %dma_wait3A_366 = arith.constant 0 : i32
        %dma_wait3A_367 = tpu.memref_slice %arg8[%run_scoped3A_345, %dma_wait3A_365, %dma_wait3A_366] : memref<8x128x64xf32, #tpu.memory_space<vmem>> -> memref<1x128x64xf32, #tpu.memory_space<vmem>>
        %dma_wait3A_368 = tpu.memref_squeeze %dma_wait3A_367 : memref<1x128x64xf32, #tpu.memory_space<vmem>> -> memref<128x64xf32, #tpu.memory_space<vmem>>
        %dma_wait3A_369 = arith.constant 0 : i32
        %dma_wait3A_370 = tpu.memref_slice %arg7[%add3A_330, %dma_wait3A_369] : memref<80x128xi32, #tpu.memory_space<vmem>> -> memref<1x128xi32, #tpu.memory_space<vmem>>
        %dma_wait3A_371 = tpu.memref_squeeze %dma_wait3A_370 : memref<1x128xi32, #tpu.memory_space<vmem>> -> memref<128xi32, #tpu.memory_space<vmem>>
        %dma_wait3A_372 = arith.constant 0 : i32
        %dma_wait3A_373 = arith.constant 0 : i32
        %dma_wait3A_374 = tpu.memref_slice %arg10[%dma_wait3A_372, %dma_wait3A_373] : memref<10240x64xf32, #tpu.memory_space<vmem_shared>> -> memref<10240x64xf32, #tpu.memory_space<vmem_shared>>
        tpu.wait_indirect_dma semaphore(%run_scoped3A_354 : memref<!tpu.dma_semaphore, #tpu.memory_space<semaphore_mem>>) src(%dma_wait3A_368 : memref<128x64xf32, #tpu.memory_space<vmem>>) dst(%dma_wait3A_374 : memref<10240x64xf32, #tpu.memory_space<vmem_shared>>)
        tpu.yield
      }) : () -> ()
      %add3A_346 = arith.constant 8 : i32
      %add3A_347 = arith.addi %add3A_330, %add3A_346 : i32
      %lt3A_348 = arith.constant 80 : i32
      %lt3A_349 = arith.cmpi slt, %add3A_347, %lt3A_348 : i32
      %convert_element_type3A_350 = arith.extui %lt3A_349 : i1 to i32
      %cond3A_351 = arith.constant 0 : i32
      %cond3A_352 = arith.cmpi ne, %convert_element_type3A_350, %cond3A_351 : i32
      scf.if %cond3A_352 {
        %add3A_354 = arith.constant 8 : i32
        %add3A_355 = arith.addi %add3A_330, %add3A_354 : i32
        %dma_start3A_356 = arith.constant 7 : i32
        %dma_start3A_357 = arith.constant 7 : i32
        %dma_start3A_358 = arith.constant 0 : i32
        %dma_start3A_359 = arith.constant 0 : i32
        %dma_start3A_360 = tpu.memref_slice %arg8[%dma_start3A_356, %dma_start3A_358, %dma_start3A_359] : memref<8x128x64xf32, #tpu.memory_space<vmem>> -> memref<1x128x64xf32, #tpu.memory_space<vmem>>
        %dma_start3A_361 = tpu.memref_squeeze %dma_start3A_360 : memref<1x128x64xf32, #tpu.memory_space<vmem>> -> memref<128x64xf32, #tpu.memory_space<vmem>>
        %dma_start3A_362 = arith.constant 0 : i32
        %dma_start3A_363 = tpu.memref_slice %arg6[%add3A_355, %dma_start3A_362] : memref<80x128xi32, #tpu.memory_space<vmem>> -> memref<1x128xi32, #tpu.memory_space<vmem>>
        %dma_start3A_364 = tpu.memref_squeeze %dma_start3A_363 : memref<1x128xi32, #tpu.memory_space<vmem>> -> memref<128xi32, #tpu.memory_space<vmem>>
        %dma_start3A_365 = arith.constant 0 : i32
        %dma_start3A_366 = arith.constant 0 : i32
        %dma_start3A_367 = tpu.memref_slice %arg2[%dma_start3A_365, %dma_start3A_366] : memref<10240x64xf32, #tpu.memory_space<hbm>> -> memref<10240x64xf32, #tpu.memory_space<hbm>>
        %dma_start3A_368 = tpu.memref_slice %arg11[%dma_start3A_357] : memref<8x!tpu.dma_semaphore, #tpu.memory_space<semaphore_mem>> -> memref<1x!tpu.dma_semaphore, #tpu.memory_space<semaphore_mem>>
        %dma_start3A_369 = tpu.memref_squeeze %dma_start3A_368 : memref<1x!tpu.dma_semaphore, #tpu.memory_space<semaphore_mem>> -> memref<!tpu.dma_semaphore, #tpu.memory_space<semaphore_mem>>
        tpu.enqueue_indirect_dma source(%dma_start3A_367 : memref<10240x64xf32, #tpu.memory_space<hbm>>) target(%dma_start3A_361 : memref<128x64xf32, #tpu.memory_space<vmem>>) offsets(%dma_start3A_364 : memref<128xi32, #tpu.memory_space<vmem>>) semaphore(%dma_start3A_369 : memref<!tpu.dma_semaphore, #tpu.memory_space<semaphore_mem>>)
      } else {
      }
      %scan3A_353 = arith.constant 0 : i32
      scf.yield %scan3A_353 : i32
    }
    %scan3A_142 = arith.constant 10 : i32
    %barrier3A_143 = arith.constant 0 : index
    tpu.barrier barrier_id(%barrier3A_143)
    %mul3A_144 = arith.constant 640 : i32
    %mul3A_145 = arith.muli %arg1, %mul3A_144 : i32
    %mul3A_146 = arith.constant 640 : i32
    %mul3A_147 = arith.muli %arg1, %mul3A_146 : i32
    "tpu.region"() ({
      %run_scoped3A = tpu.sem_alloc : memref<!tpu.dma_semaphore, #tpu.memory_space<semaphore_mem>>
      %dma_start3A_148 = arith.constant 0 : i32
      %dma_start3A_149 = tpu.memref_slice %arg5[%arg0, %mul3A_147, %dma_start3A_148] : memref<2x10240x64xf32, #tpu.memory_space<hbm>> -> memref<1x640x64xf32, #tpu.memory_space<hbm>>
      %dma_start3A_150 = tpu.memref_squeeze %dma_start3A_149 : memref<1x640x64xf32, #tpu.memory_space<hbm>> -> memref<640x64xf32, #tpu.memory_space<hbm>>
      %dma_start3A_151 = arith.constant 0 : i32
      %dma_start3A_152 = tpu.memref_slice %arg10[%mul3A_145, %dma_start3A_151] : memref<10240x64xf32, #tpu.memory_space<vmem_shared>> -> memref<640x64xf32, #tpu.memory_space<vmem_shared>>
      tpu.enqueue_dma source(%dma_start3A_152 : memref<640x64xf32, #tpu.memory_space<vmem_shared>>) target(%dma_start3A_150 : memref<640x64xf32, #tpu.memory_space<hbm>>) target_semaphore(%run_scoped3A : memref<!tpu.dma_semaphore, #tpu.memory_space<semaphore_mem>>)
      %dma_wait3A = arith.constant 0 : i32
      %dma_wait3A_153 = tpu.memref_slice %arg5[%arg0, %mul3A_147, %dma_wait3A] : memref<2x10240x64xf32, #tpu.memory_space<hbm>> -> memref<1x640x64xf32, #tpu.memory_space<hbm>>
      %dma_wait3A_154 = tpu.memref_squeeze %dma_wait3A_153 : memref<1x640x64xf32, #tpu.memory_space<hbm>> -> memref<640x64xf32, #tpu.memory_space<hbm>>
      %dma_wait3A_155 = arith.constant 0 : i32
      %dma_wait3A_156 = tpu.memref_slice %arg10[%mul3A_145, %dma_wait3A_155] : memref<10240x64xf32, #tpu.memory_space<vmem_shared>> -> memref<640x64xf32, #tpu.memory_space<vmem_shared>>
      tpu.wait_dma2 semaphore(%run_scoped3A : memref<!tpu.dma_semaphore, #tpu.memory_space<semaphore_mem>>) src(%dma_wait3A_156 : memref<640x64xf32, #tpu.memory_space<vmem_shared>>) dst(%dma_wait3A_154 : memref<640x64xf32, #tpu.memory_space<hbm>>)
      tpu.yield
    }) : () -> ()
    return
  }
}

#map = affine_map<(d0, d1) -> (0, 0)>
#map1 = affine_map<(d0, d1) -> (0, 0, 0)>
module attributes {stable_mosaic.version = 14 : i64} {
  func.func @_deg_body(%arg0: i32, %arg1: i32, %arg2: memref<2560x128xi32, #tpu.memory_space<hbm>>, %arg3: memref<2x10240x16xf32, #tpu.memory_space<hbm>>, %arg4: memref<80x128xi32, #tpu.memory_space<vmem>>, %arg5: memref<128x16xf32, #tpu.memory_space<vmem>>, %arg6: memref<64x16xf32, #tpu.memory_space<vmem>>, %arg7: memref<10240x16xf32, #tpu.memory_space<vmem_shared>>, %arg8: memref<!tpu.dma_semaphore, #tpu.memory_space<semaphore_mem>>) attributes {dimension_semantics = [#tpu.dimension_semantics<core_parallel>, #tpu.dimension_semantics<subcore_parallel>], iteration_bounds = array<i64: 2, 16>, scalar_prefetch = 0 : i64, scratch_operands = 5 : i64, tpu.core_type = #tpu.core_type<sc_vector_subcore>, window_params = [{transform_indices = #map}, {transform_indices = #map1}]} {
    %mul3A = arith.constant 16 : i32
    %mul3A_0 = arith.muli %arg0, %mul3A : i32
    %add3A = arith.addi %mul3A_0, %arg1 : i32
    %broadcast_in_dim3A = arith.constant 0.000000e+00 : f32
    %broadcast_in_dim3A_1 = vector.broadcast %broadcast_in_dim3A : f32 to vector<16xf32>
    %scan3A = arith.constant 0 : i32
    %scan3A_2 = arith.constant 0 : i32
    %scan3A_3 = arith.constant 64 : i32
    %scan3A_4 = arith.addi %scan3A_2, %scan3A_3 : i32
    %scan3A_5 = arith.constant 1 : i32
    %scan3A_6 = scf.for %scan3A_65 = %scan3A_2 to %scan3A_4 step %scan3A_5 iter_args(%scan3A_66 = %scan3A) -> (i32)  : i32 {
      %swap3A = arith.index_cast %scan3A_65 : i32 to index
      %swap3A_67 = arith.constant 0 : index
      %swap3A_68 = tpu.vector_load %arg6[%swap3A, %swap3A_67] {strides = array<i32>} : memref<64x16xf32, #tpu.memory_space<vmem>>, vector<1x16xf32>,
      %swap3A_69 = vector.shape_cast %swap3A_68 : vector<1x16xf32> to vector<16xf32>
      %swap3A_70 = vector.shape_cast %broadcast_in_dim3A_1 : vector<16xf32> to vector<1x16xf32>
      tpu.vector_store %arg6[%swap3A, %swap3A_67], %swap3A_70 {strides = array<i32>} : memref<64x16xf32, #tpu.memory_space<vmem>>, vector<1x16xf32>,
      %scan3A_71 = arith.constant 0 : i32
      scf.yield %scan3A_71 : i32
    }
    %scan3A_7 = arith.constant 64 : i32
    %broadcast_in_dim3A_8 = arith.constant 1.000000e+00 : f32
    %broadcast_in_dim3A_9 = vector.broadcast %broadcast_in_dim3A_8 : f32 to vector<16xf32>
    %scan3A_10 = arith.constant 0 : i32
    %scan3A_11 = arith.constant 0 : i32
    %scan3A_12 = arith.constant 128 : i32
    %scan3A_13 = arith.addi %scan3A_11, %scan3A_12 : i32
    %scan3A_14 = arith.constant 1 : i32
    %scan3A_15 = scf.for %scan3A_65 = %scan3A_11 to %scan3A_13 step %scan3A_14 iter_args(%scan3A_66 = %scan3A_10) -> (i32)  : i32 {
      %swap3A = arith.index_cast %scan3A_65 : i32 to index
      %swap3A_67 = arith.constant 0 : index
      %swap3A_68 = tpu.vector_load %arg5[%swap3A, %swap3A_67] {strides = array<i32>} : memref<128x16xf32, #tpu.memory_space<vmem>>, vector<1x16xf32>,
      %swap3A_69 = vector.shape_cast %swap3A_68 : vector<1x16xf32> to vector<16xf32>
      %swap3A_70 = vector.shape_cast %broadcast_in_dim3A_9 : vector<16xf32> to vector<1x16xf32>
      tpu.vector_store %arg5[%swap3A, %swap3A_67], %swap3A_70 {strides = array<i32>} : memref<128x16xf32, #tpu.memory_space<vmem>>, vector<1x16xf32>,
      %scan3A_71 = arith.constant 0 : i32
      scf.yield %scan3A_71 : i32
    }
    %scan3A_16 = arith.constant 128 : i32
    %mul3A_17 = arith.constant 80 : i32
    %mul3A_18 = arith.muli %add3A, %mul3A_17 : i32
    "tpu.region"() ({
      %run_scoped3A = tpu.sem_alloc : memref<!tpu.dma_semaphore, #tpu.memory_space<semaphore_mem>>
      %dma_start3A_65 = arith.constant 0 : i32
      %dma_start3A_66 = tpu.memref_slice %arg2[%mul3A_18, %dma_start3A_65] : memref<2560x128xi32, #tpu.memory_space<hbm>> -> memref<80x128xi32, #tpu.memory_space<hbm>>
      %dma_start3A_67 = arith.constant 0 : i32
      %dma_start3A_68 = tpu.memref_slice %arg2[%mul3A_18, %dma_start3A_67] : memref<2560x128xi32, #tpu.memory_space<hbm>> -> memref<80x128xi32, #tpu.memory_space<hbm>>
      tpu.enqueue_dma source(%dma_start3A_68 : memref<80x128xi32, #tpu.memory_space<hbm>>) target(%arg4 : memref<80x128xi32, #tpu.memory_space<vmem>>) target_semaphore(%run_scoped3A : memref<!tpu.dma_semaphore, #tpu.memory_space<semaphore_mem>>)
      %dma_wait3A = arith.constant 0 : i32
      %dma_wait3A_69 = tpu.memref_slice %arg2[%mul3A_18, %dma_wait3A] : memref<2560x128xi32, #tpu.memory_space<hbm>> -> memref<80x128xi32, #tpu.memory_space<hbm>>
      %dma_wait3A_70 = arith.constant 0 : i32
      %dma_wait3A_71 = tpu.memref_slice %arg2[%mul3A_18, %dma_wait3A_70] : memref<2560x128xi32, #tpu.memory_space<hbm>> -> memref<80x128xi32, #tpu.memory_space<hbm>>
      tpu.wait_dma2 semaphore(%run_scoped3A : memref<!tpu.dma_semaphore, #tpu.memory_space<semaphore_mem>>) src(%dma_wait3A_71 : memref<80x128xi32, #tpu.memory_space<hbm>>) dst(%arg4 : memref<80x128xi32, #tpu.memory_space<vmem>>)
      tpu.yield
    }) : () -> ()
    %scan3A_19 = arith.constant 0 : i32
    %scan3A_20 = arith.constant 0 : i32
    %scan3A_21 = arith.constant 10 : i32
    %scan3A_22 = arith.addi %scan3A_20, %scan3A_21 : i32
    %scan3A_23 = arith.constant 1 : i32
    %scan3A_24 = scf.for %scan3A_65 = %scan3A_20 to %scan3A_22 step %scan3A_23 iter_args(%scan3A_66 = %scan3A_19) -> (i32)  : i32 {
      %mul3A_67 = arith.constant 640 : i32
      %mul3A_68 = arith.muli %arg1, %mul3A_67 : i32
      %mul3A_69 = arith.constant 64 : i32
      %mul3A_70 = arith.muli %scan3A_65, %mul3A_69 : i32
      %add3A_71 = arith.addi %mul3A_68, %mul3A_70 : i32
      "tpu.region"() ({
        %run_scoped3A = tpu.sem_alloc : memref<!tpu.dma_semaphore, #tpu.memory_space<semaphore_mem>>
        %dma_start3A_73 = arith.constant 0 : i32
        %dma_start3A_74 = tpu.memref_slice %arg7[%add3A_71, %dma_start3A_73] : memref<10240x16xf32, #tpu.memory_space<vmem_shared>> -> memref<64x16xf32, #tpu.memory_space<vmem_shared>>
        %dma_start3A_75 = arith.constant 0 : i32
        %dma_start3A_76 = tpu.memref_slice %arg7[%add3A_71, %dma_start3A_75] : memref<10240x16xf32, #tpu.memory_space<vmem_shared>> -> memref<64x16xf32, #tpu.memory_space<vmem_shared>>
        tpu.enqueue_dma source(%arg6 : memref<64x16xf32, #tpu.memory_space<vmem>>) target(%dma_start3A_76 : memref<64x16xf32, #tpu.memory_space<vmem_shared>>) target_semaphore(%run_scoped3A : memref<!tpu.dma_semaphore, #tpu.memory_space<semaphore_mem>>)
        %dma_wait3A = arith.constant 0 : i32
        %dma_wait3A_77 = tpu.memref_slice %arg7[%add3A_71, %dma_wait3A] : memref<10240x16xf32, #tpu.memory_space<vmem_shared>> -> memref<64x16xf32, #tpu.memory_space<vmem_shared>>
        %dma_wait3A_78 = arith.constant 0 : i32
        %dma_wait3A_79 = tpu.memref_slice %arg7[%add3A_71, %dma_wait3A_78] : memref<10240x16xf32, #tpu.memory_space<vmem_shared>> -> memref<64x16xf32, #tpu.memory_space<vmem_shared>>
        tpu.wait_dma2 semaphore(%run_scoped3A : memref<!tpu.dma_semaphore, #tpu.memory_space<semaphore_mem>>) src(%arg6 : memref<64x16xf32, #tpu.memory_space<vmem>>) dst(%dma_wait3A_79 : memref<64x16xf32, #tpu.memory_space<vmem_shared>>)
        tpu.yield
      }) : () -> ()
      %scan3A_72 = arith.constant 0 : i32
      scf.yield %scan3A_72 : i32
    }
    %scan3A_25 = arith.constant 10 : i32
    %barrier3A = arith.constant 0 : index
    tpu.barrier barrier_id(%barrier3A)
    %dma_start3A = arith.constant 0 : i32
    %dma_start3A_26 = arith.constant 0 : i32
    %dma_start3A_27 = tpu.memref_slice %arg4[%dma_start3A, %dma_start3A_26] : memref<80x128xi32, #tpu.memory_space<vmem>> -> memref<1x128xi32, #tpu.memory_space<vmem>>
    %dma_start3A_28 = tpu.memref_squeeze %dma_start3A_27 : memref<1x128xi32, #tpu.memory_space<vmem>> -> memref<128xi32, #tpu.memory_space<vmem>>
    %dma_start3A_29 = arith.constant 0 : i32
    %dma_start3A_30 = arith.constant 0 : i32
    %dma_start3A_31 = tpu.memref_slice %arg7[%dma_start3A_29, %dma_start3A_30] : memref<10240x16xf32, #tpu.memory_space<vmem_shared>> -> memref<10240x16xf32, #tpu.memory_space<vmem_shared>>
    tpu.enqueue_indirect_dma source(%arg5 : memref<128x16xf32, #tpu.memory_space<vmem>>) target(%dma_start3A_31 : memref<10240x16xf32, #tpu.memory_space<vmem_shared>>) offsets(%dma_start3A_28 : memref<128xi32, #tpu.memory_space<vmem>>) semaphore(%arg8 : memref<!tpu.dma_semaphore, #tpu.memory_space<semaphore_mem>>) {add = true}
    %dma_start3A_32 = arith.constant 1 : i32
    %dma_start3A_33 = arith.constant 0 : i32
    %dma_start3A_34 = tpu.memref_slice %arg4[%dma_start3A_32, %dma_start3A_33] : memref<80x128xi32, #tpu.memory_space<vmem>> -> memref<1x128xi32, #tpu.memory_space<vmem>>
    %dma_start3A_35 = tpu.memref_squeeze %dma_start3A_34 : memref<1x128xi32, #tpu.memory_space<vmem>> -> memref<128xi32, #tpu.memory_space<vmem>>
    %dma_start3A_36 = arith.constant 0 : i32
    %dma_start3A_37 = arith.constant 0 : i32
    %dma_start3A_38 = tpu.memref_slice %arg7[%dma_start3A_36, %dma_start3A_37] : memref<10240x16xf32, #tpu.memory_space<vmem_shared>> -> memref<10240x16xf32, #tpu.memory_space<vmem_shared>>
    tpu.enqueue_indirect_dma source(%arg5 : memref<128x16xf32, #tpu.memory_space<vmem>>) target(%dma_start3A_38 : memref<10240x16xf32, #tpu.memory_space<vmem_shared>>) offsets(%dma_start3A_35 : memref<128xi32, #tpu.memory_space<vmem>>) semaphore(%arg8 : memref<!tpu.dma_semaphore, #tpu.memory_space<semaphore_mem>>) {add = true}
    %dma_start3A_39 = arith.constant 2 : i32
    %dma_start3A_40 = arith.constant 0 : i32
    %dma_start3A_41 = tpu.memref_slice %arg4[%dma_start3A_39, %dma_start3A_40] : memref<80x128xi32, #tpu.memory_space<vmem>> -> memref<1x128xi32, #tpu.memory_space<vmem>>
    %dma_start3A_42 = tpu.memref_squeeze %dma_start3A_41 : memref<1x128xi32, #tpu.memory_space<vmem>> -> memref<128xi32, #tpu.memory_space<vmem>>
    %dma_start3A_43 = arith.constant 0 : i32
    %dma_start3A_44 = arith.constant 0 : i32
    %dma_start3A_45 = tpu.memref_slice %arg7[%dma_start3A_43, %dma_start3A_44] : memref<10240x16xf32, #tpu.memory_space<vmem_shared>> -> memref<10240x16xf32, #tpu.memory_space<vmem_shared>>
    tpu.enqueue_indirect_dma source(%arg5 : memref<128x16xf32, #tpu.memory_space<vmem>>) target(%dma_start3A_45 : memref<10240x16xf32, #tpu.memory_space<vmem_shared>>) offsets(%dma_start3A_42 : memref<128xi32, #tpu.memory_space<vmem>>) semaphore(%arg8 : memref<!tpu.dma_semaphore, #tpu.memory_space<semaphore_mem>>) {add = true}
    %dma_start3A_46 = arith.constant 3 : i32
    %dma_start3A_47 = arith.constant 0 : i32
    %dma_start3A_48 = tpu.memref_slice %arg4[%dma_start3A_46, %dma_start3A_47] : memref<80x128xi32, #tpu.memory_space<vmem>> -> memref<1x128xi32, #tpu.memory_space<vmem>>
    %dma_start3A_49 = tpu.memref_squeeze %dma_start3A_48 : memref<1x128xi32, #tpu.memory_space<vmem>> -> memref<128xi32, #tpu.memory_space<vmem>>
    %dma_start3A_50 = arith.constant 0 : i32
    %dma_start3A_51 = arith.constant 0 : i32
    %dma_start3A_52 = tpu.memref_slice %arg7[%dma_start3A_50, %dma_start3A_51] : memref<10240x16xf32, #tpu.memory_space<vmem_shared>> -> memref<10240x16xf32, #tpu.memory_space<vmem_shared>>
    tpu.enqueue_indirect_dma source(%arg5 : memref<128x16xf32, #tpu.memory_space<vmem>>) target(%dma_start3A_52 : memref<10240x16xf32, #tpu.memory_space<vmem_shared>>) offsets(%dma_start3A_49 : memref<128xi32, #tpu.memory_space<vmem>>) semaphore(%arg8 : memref<!tpu.dma_semaphore, #tpu.memory_space<semaphore_mem>>) {add = true}
    %scan3A_53 = arith.constant 0 : i32
    %scan3A_54 = arith.constant 0 : i32
    %scan3A_55 = arith.constant 80 : i32
    %scan3A_56 = arith.addi %scan3A_54, %scan3A_55 : i32
    %scan3A_57 = arith.constant 1 : i32
    %scan3A_58 = scf.for %scan3A_65 = %scan3A_54 to %scan3A_56 step %scan3A_57 iter_args(%scan3A_66 = %scan3A_53) -> (i32)  : i32 {
      %dma_wait3A = arith.constant 0 : i32
      %dma_wait3A_67 = tpu.memref_slice %arg4[%scan3A_65, %dma_wait3A] : memref<80x128xi32, #tpu.memory_space<vmem>> -> memref<1x128xi32, #tpu.memory_space<vmem>>
      %dma_wait3A_68 = tpu.memref_squeeze %dma_wait3A_67 : memref<1x128xi32, #tpu.memory_space<vmem>> -> memref<128xi32, #tpu.memory_space<vmem>>
      %dma_wait3A_69 = arith.constant 0 : i32
      %dma_wait3A_70 = arith.constant 0 : i32
      %dma_wait3A_71 = tpu.memref_slice %arg7[%dma_wait3A_69, %dma_wait3A_70] : memref<10240x16xf32, #tpu.memory_space<vmem_shared>> -> memref<10240x16xf32, #tpu.memory_space<vmem_shared>>
      tpu.wait_indirect_dma semaphore(%arg8 : memref<!tpu.dma_semaphore, #tpu.memory_space<semaphore_mem>>) src(%arg5 : memref<128x16xf32, #tpu.memory_space<vmem>>) dst(%dma_wait3A_71 : memref<10240x16xf32, #tpu.memory_space<vmem_shared>>)
      %add3A_72 = arith.constant 4 : i32
      %add3A_73 = arith.addi %scan3A_65, %add3A_72 : i32
      %lt3A = arith.constant 80 : i32
      %lt3A_74 = arith.cmpi slt, %add3A_73, %lt3A : i32
      %convert_element_type3A = arith.extui %lt3A_74 : i1 to i32
      %cond3A = arith.constant 0 : i32
      %cond3A_75 = arith.cmpi ne, %convert_element_type3A, %cond3A : i32
      scf.if %cond3A_75 {
        %add3A_77 = arith.constant 4 : i32
        %add3A_78 = arith.addi %scan3A_65, %add3A_77 : i32
        %dma_start3A_79 = arith.constant 0 : i32
        %dma_start3A_80 = tpu.memref_slice %arg4[%add3A_78, %dma_start3A_79] : memref<80x128xi32, #tpu.memory_space<vmem>> -> memref<1x128xi32, #tpu.memory_space<vmem>>
        %dma_start3A_81 = tpu.memref_squeeze %dma_start3A_80 : memref<1x128xi32, #tpu.memory_space<vmem>> -> memref<128xi32, #tpu.memory_space<vmem>>
        %dma_start3A_82 = arith.constant 0 : i32
        %dma_start3A_83 = arith.constant 0 : i32
        %dma_start3A_84 = tpu.memref_slice %arg7[%dma_start3A_82, %dma_start3A_83] : memref<10240x16xf32, #tpu.memory_space<vmem_shared>> -> memref<10240x16xf32, #tpu.memory_space<vmem_shared>>
        tpu.enqueue_indirect_dma source(%arg5 : memref<128x16xf32, #tpu.memory_space<vmem>>) target(%dma_start3A_84 : memref<10240x16xf32, #tpu.memory_space<vmem_shared>>) offsets(%dma_start3A_81 : memref<128xi32, #tpu.memory_space<vmem>>) semaphore(%arg8 : memref<!tpu.dma_semaphore, #tpu.memory_space<semaphore_mem>>) {add = true}
      } else {
      }
      %scan3A_76 = arith.constant 0 : i32
      scf.yield %scan3A_76 : i32
    }
    %scan3A_59 = arith.constant 80 : i32
    %barrier3A_60 = arith.constant 0 : index
    tpu.barrier barrier_id(%barrier3A_60)
    %mul3A_61 = arith.constant 640 : i32
    %mul3A_62 = arith.muli %arg1, %mul3A_61 : i32
    %mul3A_63 = arith.constant 640 : i32
    %mul3A_64 = arith.muli %arg1, %mul3A_63 : i32
    "tpu.region"() ({
      %run_scoped3A = tpu.sem_alloc : memref<!tpu.dma_semaphore, #tpu.memory_space<semaphore_mem>>
      %dma_start3A_65 = arith.constant 0 : i32
      %dma_start3A_66 = tpu.memref_slice %arg3[%arg0, %mul3A_64, %dma_start3A_65] : memref<2x10240x16xf32, #tpu.memory_space<hbm>> -> memref<1x640x16xf32, #tpu.memory_space<hbm>>
      %dma_start3A_67 = tpu.memref_squeeze %dma_start3A_66 : memref<1x640x16xf32, #tpu.memory_space<hbm>> -> memref<640x16xf32, #tpu.memory_space<hbm>>
      %dma_start3A_68 = arith.constant 0 : i32
      %dma_start3A_69 = tpu.memref_slice %arg7[%mul3A_62, %dma_start3A_68] : memref<10240x16xf32, #tpu.memory_space<vmem_shared>> -> memref<640x16xf32, #tpu.memory_space<vmem_shared>>
      tpu.enqueue_dma source(%dma_start3A_69 : memref<640x16xf32, #tpu.memory_space<vmem_shared>>) target(%dma_start3A_67 : memref<640x16xf32, #tpu.memory_space<hbm>>) target_semaphore(%run_scoped3A : memref<!tpu.dma_semaphore, #tpu.memory_space<semaphore_mem>>)
      %dma_wait3A = arith.constant 0 : i32
      %dma_wait3A_70 = tpu.memref_slice %arg3[%arg0, %mul3A_64, %dma_wait3A] : memref<2x10240x16xf32, #tpu.memory_space<hbm>> -> memref<1x640x16xf32, #tpu.memory_space<hbm>>
      %dma_wait3A_71 = tpu.memref_squeeze %dma_wait3A_70 : memref<1x640x16xf32, #tpu.memory_space<hbm>> -> memref<640x16xf32, #tpu.memory_space<hbm>>
      %dma_wait3A_72 = arith.constant 0 : i32
      %dma_wait3A_73 = tpu.memref_slice %arg7[%mul3A_62, %dma_wait3A_72] : memref<10240x16xf32, #tpu.memory_space<vmem_shared>> -> memref<640x16xf32, #tpu.memory_space<vmem_shared>>
      tpu.wait_dma2 semaphore(%run_scoped3A : memref<!tpu.dma_semaphore, #tpu.memory_space<semaphore_mem>>) src(%dma_wait3A_73 : memref<640x16xf32, #tpu.memory_space<vmem_shared>>) dst(%dma_wait3A_71 : memref<640x16xf32, #tpu.memory_space<hbm>>)
      tpu.yield
    }) : () -> ()
    return
  }
}

module attributes {stable_mosaic.version = 14 : i64} {
  func.func @_mm1_body(%arg0: memref<10240x128xf32, #tpu.memory_space<vmem>>, %arg1: memref<128x64xf32, #tpu.memory_space<vmem>>, %arg2: memref<2x10240x16xf32, #tpu.memory_space<vmem>>, %arg3: memref<10240x64xf32, #tpu.memory_space<vmem>>) attributes {dimension_semantics = [], scalar_prefetch = 0 : i64, scratch_operands = 0 : i64, tpu.core_type = #tpu.core_type<tc>} {
    %get3A = arith.constant 0 : index
    %get3A_0 = arith.constant 0 : index
    %get3A_1 = arith.constant 0 : index
    %get3A_2 = vector.load %arg2[%get3A, %get3A_0, %get3A_1] : memref<2x10240x16xf32, #tpu.memory_space<vmem>>, vector<1x10240x1xf32>
    %get3A_3 = vector.shape_cast %get3A_2 : vector<1x10240x1xf32> to vector<10240x1xf32>
    %get3A_4 = arith.constant 1 : index
    %get3A_5 = arith.constant 0 : index
    %get3A_6 = arith.constant 0 : index
    %get3A_7 = vector.load %arg2[%get3A_4, %get3A_5, %get3A_6] : memref<2x10240x16xf32, #tpu.memory_space<vmem>>, vector<1x10240x1xf32>
    %get3A_8 = vector.shape_cast %get3A_7 : vector<1x10240x1xf32> to vector<10240x1xf32>
    %add3A = arith.addf %get3A_3, %get3A_8 : vector<10240x1xf32>
    %add3A_9 = arith.constant 1.000000e+00 : f32
    %add3A_10 = vector.broadcast %add3A_9 : f32 to vector<10240x1xf32>
    %add3A_11 = arith.addf %add3A, %add3A_10 : vector<10240x1xf32>
    %rsqrt3A = math.rsqrt %add3A_11 : vector<10240x1xf32>
    %get3A_12 = arith.constant 0 : index
    %get3A_13 = arith.constant 0 : index
    %get3A_14 = vector.load %arg0[%get3A_12, %get3A_13] : memref<10240x128xf32, #tpu.memory_space<vmem>>, vector<10240x128xf32>
    %get3A_15 = arith.constant 0 : index
    %get3A_16 = arith.constant 0 : index
    %get3A_17 = vector.load %arg1[%get3A_15, %get3A_16] : memref<128x64xf32, #tpu.memory_space<vmem>>, vector<128x64xf32>
    %dot_general3A = arith.constant dense<0.000000e+00> : vector<10240x64xf32>
    %dot_general3A_18 = tpu.matmul %get3A_14, %get3A_17, %dot_general3A {dimension_numbers = #tpu.dot_dimension_numbers<[1], [0], [0], [1], [0, 0, 1, 1], [], []>, transpose_lhs_hint = false} : vector<10240x128xf32>, vector<128x64xf32>, vector<10240x64xf32> -> vector<10240x64xf32>
    %mul3A = vector.broadcast %rsqrt3A : vector<10240x1xf32> to vector<10240x64xf32>
    %mul3A_19 = arith.mulf %dot_general3A_18, %mul3A : vector<10240x64xf32>
    %swap3A = arith.constant 0 : index
    %swap3A_20 = arith.constant 0 : index
    %swap3A_21 = vector.load %arg3[%swap3A, %swap3A_20] : memref<10240x64xf32, #tpu.memory_space<vmem>>, vector<10240x64xf32>
    tpu.vector_store %arg3[%swap3A, %swap3A_20], %mul3A_19 {strides = array<i32>} : memref<10240x64xf32, #tpu.memory_space<vmem>>, vector<10240x64xf32>,
    return
  }
}

module attributes {stable_mosaic.version = 14 : i64} {
  func.func @_mm2_body(%arg0: memref<2x10240x64xf32, #tpu.memory_space<vmem>>, %arg1: memref<10240x64xf32, #tpu.memory_space<vmem>>, %arg2: memref<2x10240x16xf32, #tpu.memory_space<vmem>>, %arg3: memref<1x64xf32, #tpu.memory_space<vmem>>, %arg4: memref<64x64xf32, #tpu.memory_space<vmem>>, %arg5: memref<10240x64xf32, #tpu.memory_space<vmem>>) attributes {dimension_semantics = [], scalar_prefetch = 0 : i64, scratch_operands = 0 : i64, tpu.core_type = #tpu.core_type<tc>} {
    %get3A = arith.constant 0 : index
    %get3A_0 = arith.constant 0 : index
    %get3A_1 = arith.constant 0 : index
    %get3A_2 = vector.load %arg2[%get3A, %get3A_0, %get3A_1] : memref<2x10240x16xf32, #tpu.memory_space<vmem>>, vector<1x10240x1xf32>
    %get3A_3 = vector.shape_cast %get3A_2 : vector<1x10240x1xf32> to vector<10240x1xf32>
    %get3A_4 = arith.constant 1 : index
    %get3A_5 = arith.constant 0 : index
    %get3A_6 = arith.constant 0 : index
    %get3A_7 = vector.load %arg2[%get3A_4, %get3A_5, %get3A_6] : memref<2x10240x16xf32, #tpu.memory_space<vmem>>, vector<1x10240x1xf32>
    %get3A_8 = vector.shape_cast %get3A_7 : vector<1x10240x1xf32> to vector<10240x1xf32>
    %add3A = arith.addf %get3A_3, %get3A_8 : vector<10240x1xf32>
    %add3A_9 = arith.constant 1.000000e+00 : f32
    %add3A_10 = vector.broadcast %add3A_9 : f32 to vector<10240x1xf32>
    %add3A_11 = arith.addf %add3A, %add3A_10 : vector<10240x1xf32>
    %rsqrt3A = math.rsqrt %add3A_11 : vector<10240x1xf32>
    %get3A_12 = arith.constant 0 : index
    %get3A_13 = arith.constant 0 : index
    %get3A_14 = arith.constant 0 : index
    %get3A_15 = vector.load %arg0[%get3A_12, %get3A_13, %get3A_14] : memref<2x10240x64xf32, #tpu.memory_space<vmem>>, vector<1x10240x64xf32>
    %get3A_16 = vector.shape_cast %get3A_15 : vector<1x10240x64xf32> to vector<10240x64xf32>
    %get3A_17 = arith.constant 1 : index
    %get3A_18 = arith.constant 0 : index
    %get3A_19 = arith.constant 0 : index
    %get3A_20 = vector.load %arg0[%get3A_17, %get3A_18, %get3A_19] : memref<2x10240x64xf32, #tpu.memory_space<vmem>>, vector<1x10240x64xf32>
    %get3A_21 = vector.shape_cast %get3A_20 : vector<1x10240x64xf32> to vector<10240x64xf32>
    %add3A_22 = arith.addf %get3A_16, %get3A_21 : vector<10240x64xf32>
    %get3A_23 = arith.constant 0 : index
    %get3A_24 = arith.constant 0 : index
    %get3A_25 = vector.load %arg1[%get3A_23, %get3A_24] : memref<10240x64xf32, #tpu.memory_space<vmem>>, vector<10240x64xf32>
    %add3A_26 = arith.addf %add3A_22, %get3A_25 : vector<10240x64xf32>
    %mul3A = vector.broadcast %rsqrt3A : vector<10240x1xf32> to vector<10240x64xf32>
    %mul3A_27 = arith.mulf %add3A_26, %mul3A : vector<10240x64xf32>
    %get3A_28 = arith.constant 0 : index
    %get3A_29 = arith.constant 0 : index
    %get3A_30 = vector.load %arg3[%get3A_28, %get3A_29] : memref<1x64xf32, #tpu.memory_space<vmem>>, vector<1x64xf32>
    %add3A_31 = vector.broadcast %get3A_30 : vector<1x64xf32> to vector<10240x64xf32>
    %add3A_32 = arith.addf %mul3A_27, %add3A_31 : vector<10240x64xf32>
    %max3A = arith.constant 0.000000e+00 : f32
    %max3A_33 = vector.broadcast %max3A : f32 to vector<10240x64xf32>
    %max3A_34 = arith.maximumf %add3A_32, %max3A_33 : vector<10240x64xf32>
    %get3A_35 = arith.constant 0 : index
    %get3A_36 = arith.constant 0 : index
    %get3A_37 = vector.load %arg4[%get3A_35, %get3A_36] : memref<64x64xf32, #tpu.memory_space<vmem>>, vector<64x64xf32>
    %dot_general3A = arith.constant dense<0.000000e+00> : vector<10240x64xf32>
    %dot_general3A_38 = tpu.matmul %max3A_34, %get3A_37, %dot_general3A {dimension_numbers = #tpu.dot_dimension_numbers<[1], [0], [0], [1], [0, 0, 1, 1], [], []>, transpose_lhs_hint = false} : vector<10240x64xf32>, vector<64x64xf32>, vector<10240x64xf32> -> vector<10240x64xf32>
    %mul3A_39 = vector.broadcast %rsqrt3A : vector<10240x1xf32> to vector<10240x64xf32>
    %mul3A_40 = arith.mulf %dot_general3A_38, %mul3A_39 : vector<10240x64xf32>
    %swap3A = arith.constant 0 : index
    %swap3A_41 = arith.constant 0 : index
    %swap3A_42 = vector.load %arg5[%swap3A, %swap3A_41] : memref<10240x64xf32, #tpu.memory_space<vmem>>, vector<10240x64xf32>
    tpu.vector_store %arg5[%swap3A, %swap3A_41], %mul3A_40 {strides = array<i32>} : memref<10240x64xf32, #tpu.memory_space<vmem>>, vector<10240x64xf32>,
    return
  }
}

module attributes {stable_mosaic.version = 14 : i64} {
  func.func @_head_body(%arg0: memref<2x10240x64xf32, #tpu.memory_space<vmem>>, %arg1: memref<10240x64xf32, #tpu.memory_space<vmem>>, %arg2: memref<2x10240x16xf32, #tpu.memory_space<vmem>>, %arg3: memref<1x64xf32, #tpu.memory_space<vmem>>, %arg4: memref<1x10240xi32, #tpu.memory_space<vmem>>, %arg5: memref<64x1xf32, #tpu.memory_space<vmem>>, %arg6: memref<1x1xf32, #tpu.memory_space<vmem>>, %arg7: memref<64x1xf32, #tpu.memory_space<vmem>>) attributes {dimension_semantics = [], scalar_prefetch = 0 : i64, scratch_operands = 0 : i64, tpu.core_type = #tpu.core_type<tc>} {
    %get3A = arith.constant 0 : index
    %get3A_0 = arith.constant 0 : index
    %get3A_1 = arith.constant 0 : index
    %get3A_2 = vector.load %arg2[%get3A, %get3A_0, %get3A_1] : memref<2x10240x16xf32, #tpu.memory_space<vmem>>, vector<1x10240x1xf32>
    %get3A_3 = vector.shape_cast %get3A_2 : vector<1x10240x1xf32> to vector<10240x1xf32>
    %get3A_4 = arith.constant 1 : index
    %get3A_5 = arith.constant 0 : index
    %get3A_6 = arith.constant 0 : index
    %get3A_7 = vector.load %arg2[%get3A_4, %get3A_5, %get3A_6] : memref<2x10240x16xf32, #tpu.memory_space<vmem>>, vector<1x10240x1xf32>
    %get3A_8 = vector.shape_cast %get3A_7 : vector<1x10240x1xf32> to vector<10240x1xf32>
    %add3A = arith.addf %get3A_3, %get3A_8 : vector<10240x1xf32>
    %add3A_9 = arith.constant 1.000000e+00 : f32
    %add3A_10 = vector.broadcast %add3A_9 : f32 to vector<10240x1xf32>
    %add3A_11 = arith.addf %add3A, %add3A_10 : vector<10240x1xf32>
    %rsqrt3A = math.rsqrt %add3A_11 : vector<10240x1xf32>
    %get3A_12 = arith.constant 0 : index
    %get3A_13 = arith.constant 0 : index
    %get3A_14 = arith.constant 0 : index
    %get3A_15 = vector.load %arg0[%get3A_12, %get3A_13, %get3A_14] : memref<2x10240x64xf32, #tpu.memory_space<vmem>>, vector<1x10240x64xf32>
    %get3A_16 = vector.shape_cast %get3A_15 : vector<1x10240x64xf32> to vector<10240x64xf32>
    %get3A_17 = arith.constant 1 : index
    %get3A_18 = arith.constant 0 : index
    %get3A_19 = arith.constant 0 : index
    %get3A_20 = vector.load %arg0[%get3A_17, %get3A_18, %get3A_19] : memref<2x10240x64xf32, #tpu.memory_space<vmem>>, vector<1x10240x64xf32>
    %get3A_21 = vector.shape_cast %get3A_20 : vector<1x10240x64xf32> to vector<10240x64xf32>
    %add3A_22 = arith.addf %get3A_16, %get3A_21 : vector<10240x64xf32>
    %get3A_23 = arith.constant 0 : index
    %get3A_24 = arith.constant 0 : index
    %get3A_25 = vector.load %arg1[%get3A_23, %get3A_24] : memref<10240x64xf32, #tpu.memory_space<vmem>>, vector<10240x64xf32>
    %add3A_26 = arith.addf %add3A_22, %get3A_25 : vector<10240x64xf32>
    %mul3A = vector.broadcast %rsqrt3A : vector<10240x1xf32> to vector<10240x64xf32>
    %mul3A_27 = arith.mulf %add3A_26, %mul3A : vector<10240x64xf32>
    %get3A_28 = arith.constant 0 : index
    %get3A_29 = arith.constant 0 : index
    %get3A_30 = vector.load %arg3[%get3A_28, %get3A_29] : memref<1x64xf32, #tpu.memory_space<vmem>>, vector<1x64xf32>
    %add3A_31 = vector.broadcast %get3A_30 : vector<1x64xf32> to vector<10240x64xf32>
    %add3A_32 = arith.addf %mul3A_27, %add3A_31 : vector<10240x64xf32>
    %max3A = arith.constant 0.000000e+00 : f32
    %max3A_33 = vector.broadcast %max3A : f32 to vector<10240x64xf32>
    %max3A_34 = arith.maximumf %add3A_32, %max3A_33 : vector<10240x64xf32>
    %get3A_35 = arith.constant 0 : index
    %get3A_36 = arith.constant 0 : index
    %get3A_37 = vector.load %arg4[%get3A_35, %get3A_36] : memref<1x10240xi32, #tpu.memory_space<vmem>>, vector<1x10240xi32>
    %iota3A = tpu.iota {dimensions = array<i32: 0>} : vector<64x10240xi32>
    %eq3A = vector.broadcast %get3A_37 : vector<1x10240xi32> to vector<64x10240xi32>
    %eq3A_38 = arith.cmpi eq, %eq3A, %iota3A : vector<64x10240xi32>
    %convert_element_type3A = arith.extui %eq3A_38 : vector<64x10240xi1> to vector<64x10240xi32>
    %convert_element_type3A_39 = arith.sitofp %convert_element_type3A : vector<64x10240xi32> to vector<64x10240xf32>
    %dot_general3A = arith.constant dense<0.000000e+00> : vector<64x64xf32>
    %dot_general3A_40 = tpu.matmul %convert_element_type3A_39, %max3A_34, %dot_general3A {dimension_numbers = #tpu.dot_dimension_numbers<[1], [0], [0], [1], [0, 0, 1, 1], [], []>, transpose_lhs_hint = false} : vector<64x10240xf32>, vector<10240x64xf32>, vector<64x64xf32> -> vector<64x64xf32>
    %broadcast_in_dim3A = arith.constant 1.000000e+00 : f32
    %broadcast_in_dim3A_41 = vector.broadcast %broadcast_in_dim3A : f32 to vector<10240x1xf32>
    %dot_general3A_42 = arith.constant dense<0.000000e+00> : vector<64x1xf32>
    %dot_general3A_43 = tpu.matmul %convert_element_type3A_39, %broadcast_in_dim3A_41, %dot_general3A_42 {dimension_numbers = #tpu.dot_dimension_numbers<[1], [0], [0], [1], [0, 0, 1, 1], [], []>, transpose_lhs_hint = false} : vector<64x10240xf32>, vector<10240x1xf32>, vector<64x1xf32> -> vector<64x1xf32>
    %max3A_44 = arith.constant 1.000000e+00 : f32
    %max3A_45 = vector.broadcast %max3A_44 : f32 to vector<64x1xf32>
    %max3A_46 = arith.maximumf %dot_general3A_43, %max3A_45 : vector<64x1xf32>
    %div3A = vector.broadcast %max3A_46 : vector<64x1xf32> to vector<64x64xf32>
    %div3A_47 = arith.divf %dot_general3A_40, %div3A : vector<64x64xf32>
    %get3A_48 = arith.constant 0 : index
    %get3A_49 = arith.constant 0 : index
    %get3A_50 = vector.load %arg5[%get3A_48, %get3A_49] : memref<64x1xf32, #tpu.memory_space<vmem>>, vector<64x1xf32>
    %dot_general3A_51 = arith.constant dense<0.000000e+00> : vector<64x1xf32>
    %dot_general3A_52 = tpu.matmul %div3A_47, %get3A_50, %dot_general3A_51 {dimension_numbers = #tpu.dot_dimension_numbers<[1], [0], [0], [1], [0, 0, 1, 1], [], []>, transpose_lhs_hint = false} : vector<64x64xf32>, vector<64x1xf32>, vector<64x1xf32> -> vector<64x1xf32>
    %get3A_53 = arith.constant 0 : index
    %get3A_54 = arith.constant 0 : index
    %get3A_55 = vector.load %arg6[%get3A_53, %get3A_54] : memref<1x1xf32, #tpu.memory_space<vmem>>, vector<1x1xf32>
    %add3A_56 = vector.broadcast %get3A_55 : vector<1x1xf32> to vector<64x1xf32>
    %add3A_57 = arith.addf %dot_general3A_52, %add3A_56 : vector<64x1xf32>
    %neg3A = arith.constant 0.000000e+00 : f32
    %neg3A_58 = vector.broadcast %neg3A : f32 to vector<64x1xf32>
    %neg3A_59 = arith.subf %neg3A_58, %add3A_57 : vector<64x1xf32>
    %exp3A = math.exp %neg3A_59 : vector<64x1xf32>
    %add3A_60 = arith.constant 1.000000e+00 : f32
    %add3A_61 = vector.broadcast %add3A_60 : f32 to vector<64x1xf32>
    %add3A_62 = arith.addf %add3A_61, %exp3A : vector<64x1xf32>
    %div3A_63 = arith.constant 1.000000e+00 : f32
    %div3A_64 = vector.broadcast %div3A_63 : f32 to vector<64x1xf32>
    %div3A_65 = arith.divf %div3A_64, %add3A_62 : vector<64x1xf32>
    %swap3A = arith.constant 0 : index
    %swap3A_66 = arith.constant 0 : index
    %swap3A_67 = vector.load %arg7[%swap3A, %swap3A_66] : memref<64x1xf32, #tpu.memory_space<vmem>>, vector<64x1xf32>
    tpu.vector_store %arg7[%swap3A, %swap3A_66], %div3A_65 {strides = array<i32>} : memref<64x1xf32, #tpu.memory_space<vmem>>, vector<64x1xf32>,
    return
  }
}

</mosaic_0001>

<sc_bundles>
// kernel: kernel.11.cloned.1.call-start
scs
__scs_entry_jumppad:
0x0: {  	(pc) =	sbr.rel $0x88, $3  }
0x1: {  	(tag) =	ssettag $0x0;
	lr =	simm.s32 $0x1  }
0x2: {  	[smem:$0x3F98] =	sst lr;
	_ =	strace $0xD0000000  }
0x3: {  	_ = 	snop  }
0x4: {  	_ = 	snop  }
0x5: {  	_ = 	snop  }
0x6: {  	_ = 	snop  }
0x7: {  	_ = 	snop  }
__scs_overlays_trampoline_lowered:
0x8: {  	[smem:$0x3FA7] =	sst s0  }
0x9: {  	[smem:$0x3FA8] =	sst s1  }
0xa: {  	[smem:$0x3FA9] =	sst s2  }
0xb: {  	[smem:$0x3FAA] =	sst s3  }
0xc: {  	[smem:$0x3FAB] =	sst s4  }
0xd: {  	[smem:$0x3FAC] =	sst s5  }
0xe: {  	[smem:$0x3FAD] =	sst s6  }
0xf: {  	[smem:$0x3FAE] =	sst s7  }
0x10: {  	[smem:$0x3FAF] =	sst s8  }
0x11: {  	[smem:$0x3FB0] =	sst s9;
	s0 =	simm.s32 @!p0 $0x0  }
0x12: {  	s1 =	sld [smem:$0x3F96];
	s0 =	simm.s32 @p0 $0x1  }
0x13: {  	[smem:$0x3FB1] =	sst s0;
	s0 =	simm.s32 @!p1 $0x0  }
0x14: {  	s2 =	sld [smem:$0x3F95];
	s0 =	simm.s32 @p1 $0x1  }
0x15: {  	[smem:$0x3FB2] =	sst s0;
	s0 =	simm.s32 @!p2 $0x0  }
0x16: {  	s3 =	sld [smem:$0x3FDB];
	s0 =	simm.s32 @p2 $0x1  }
0x17: {  	s4 =	simm.s32 $0x1BF5;
	[smem:$0x3FB4] =	sst s0  }
0x18: {  	s0 =	sld [smem:$0x3F97];
	_ =	swait.ge [sflag:s4], $0x0  }
0x19: {  	s7 =	sld [smem:$0x3F98]  }
0x1a: {  	s8 =	sadd.s32 $0xFFFFE003, lr  }
0x1b: {  	s9 =	sadd.s32 $0xFFFFFEF7, lr;
	s5 =	simm.s32 $0xFFFFFFFF;
	p2 =	slt.u32 s8, $0xFFFFF086  }
0x1c: {  	p1 =	slt.u32 s9, $0xF7A;
	s5 =	simm.s32 @!p2 $0x0  }
0x1d: {  	s5 =	simm.s32 @p1 $0x1;
	p0 =	seq.s32 s7, s2  }
0x1e: {  	s7 =	smul.u32 @!p0 $0xF7A, s2;
	p2 =	seq.s32 @!p0 s5, $0x0  }
0x1f: {  	s9 =	smul.u32 $0xF7A, s1;
	s8 =	simm.s32 @!p0 $0x1BF5;
	p2 =	por !p2, p0  }
0x20: {  	[sflag:s8] =	ssyncset.s32 @!p0 $0xFFFFF086;
	s6 =	sadd.s32 @!p0 s3, s7;
	s7 =	simm.s32 @!p0 $0x108  }
0x21: {  	s3 =	sadd.s32 s3, s9;
	s6 =	sadd.s32 @!p0 $0x88, s6;
	s7 =	simm.s32 @p2 $0x1082  }
0x22: {  	[simem:s7], [sflag:s8] =	dma.local @!p0 [hbm:s6], $0xF7A  }
0x23: {  	s9 =	sor.u32 $0xD0000000, s2;
	s6 =	simm.s32 $0x108;
	_ =	swait.ge @!p0 [sflag:s8], $0x0  }
0x24: {  	s3 =	sadd.s32 $0x88, s3;
	s6 =	simm.s32 @!p1 $0x1082;
	[sflag:s4] =	ssyncset.s32 $0xFFFFF086  }
0x25: {  	[simem:s6], [sflag:s4] =	dma.local [hbm:s3], $0xF7A  }
0x26: {  	[smem:$0x3F98] =	sst s1;
	(tag) =	ssettag s2;
	_ =	strace s9  }
0x27: {  	s1 =	sld [smem:$0x3FA8]  }
0x28: {  	s2 =	sld [smem:$0x3FA9]  }
0x29: {  	s4 =	sld [smem:$0x3FAB]  }
0x2a: {  	p0 =	seq.s32 s5, $0x0;
	s5 =	sld [smem:$0x3FAC]  }
0x2b: {  	s6 =	sld [smem:$0x3FAD]  }
0x2c: {  	s7 =	sld [smem:$0x3FAE]  }
0x2d: {  	s3 =	simm.s32 $0x108;
	s8 =	sld [smem:$0x3FAF]  }
0x2e: {  	s3 =	simm.s32 @!p0 $0x1082;
	s9 =	sld [smem:$0x3FB0]  }
0x2f: {  	lr =	sadd.s32 s0, s3;
	s0 =	sld [smem:$0x3FA7]  }
0x30: {  	s3 =	sld [smem:$0x3FAA]  }
0x31: {  	[smem:$0x3FB3] =	sst s10  }
0x32: {  	s10 =	sld [smem:$0x3FB1];
	_ =	sdelay $0x3  }
0x33: {  	p0 =	seq.s32 s10, $0x1;
	s10 =	sld [smem:$0x3FB3];
	_ =	sdelay $0x3  }
0x34: {  	[smem:$0x3FB3] =	sst s10  }
0x35: {  	s10 =	sld [smem:$0x3FB2];
	_ =	sdelay $0x3  }
0x36: {  	p1 =	seq.s32 s10, $0x1;
	s10 =	sld [smem:$0x3FB3];
	_ =	sdelay $0x3  }
0x37: {  	[smem:$0x3FB3] =	sst s10  }
0x38: {  	s10 =	sld [smem:$0x3FB4]  }
0x39: {  	_ = 	snop;
	(pc) =	sbr.ind lr, $3  }
0x3a: {  	_ = 	snop  }
0x3b: {  	_ = 	snop  }
0x3c: {  	p2 =	seq.s32 s10, $0x1;
	s10 =	sld [smem:$0x3FB3]  }
0x3d: {  	_ =	shalt  }
0x3e: {  	_ =	shalt  }
0x3f: {  	_ =	shalt  }
0x40: {  	_ =	shalt  }
0x41: {  	_ =	shalt  }
0x42: {  	_ =	shalt  }
0x43: {  	_ =	shalt  }
0x44: {  	_ =	shalt  }
0x45: {  	_ =	shalt  }
0x46: {  	_ =	shalt  }
0x47: {  	_ =	shalt  }
0x48: {  	_ =	shalt  }
0x49: {  	_ =	shalt  }
0x4a: {  	_ =	shalt  }
0x4b: {  	_ =	shalt  }
0x4c: {  	_ =	shalt  }
0x4d: {  	_ =	shalt  }
0x4e: {  	_ =	shalt  }
0x4f: {  	_ =	shalt  }
0x50: {  	_ =	shalt  }
0x51: {  	_ =	shalt  }
0x52: {  	_ =	shalt  }
0x53: {  	_ =	shalt  }
0x54: {  	_ =	shalt  }
0x55: {  	_ =	shalt  }
0x56: {  	_ =	shalt  }
0x57: {  	_ =	shalt  }
0x58: {  	_ =	shalt  }
0x59: {  	_ =	shalt  }
0x5a: {  	_ =	shalt  }
0x5b: {  	_ =	shalt  }
0x5c: {  	_ =	shalt  }
0x5d: {  	_ =	shalt  }
0x5e: {  	_ =	shalt  }
0x5f: {  	_ =	shalt  }
0x60: {  	_ =	shalt  }
0x61: {  	_ =	shalt  }
0x62: {  	_ =	shalt  }
0x63: {  	_ =	shalt  }
0x64: {  	_ =	shalt  }
0x65: {  	_ =	shalt  }
0x66: {  	_ =	shalt  }
0x67: {  	_ =	shalt  }
0x68: {  	_ =	shalt  }
0x69: {  	_ =	shalt  }
0x6a: {  	_ =	shalt  }
0x6b: {  	_ =	shalt  }
0x6c: {  	_ =	shalt  }
0x6d: {  	_ =	shalt  }
0x6e: {  	_ =	shalt  }
0x6f: {  	_ =	shalt  }
0x70: {  	_ =	shalt  }
0x71: {  	_ =	shalt  }
0x72: {  	_ =	shalt  }
0x73: {  	_ =	shalt  }
0x74: {  	_ =	shalt  }
0x75: {  	_ =	shalt  }
0x76: {  	_ =	shalt  }
0x77: {  	_ =	shalt  }
0x78: {  	_ =	shalt  }
0x79: {  	_ =	shalt  }
0x7a: {  	_ =	shalt  }
0x7b: {  	_ =	shalt  }
0x7c: {  	_ =	shalt  }
0x7d: {  	_ =	shalt  }
0x7e: {  	_ =	shalt  }
0x7f: {  	_ =	shalt  }
0x80: {  	_ =	shalt  }
0x81: {  	_ =	shalt  }
0x82: {  	_ =	shalt  }
0x83: {  	_ =	shalt  }
0x84: {  	_ =	shalt  }
0x85: {  	_ =	shalt  }
0x86: {  	_ =	shalt  }
0x87: {  	_ =	shalt  }
.Lfunc_end0:
.L_simem_size_0:
called_computation.1_lowered:
.L_overlay_start_0:
0x88: {  	s2 =	sld [smem:$0x3FD9]  }
0x89: {  	s3 =	sld [smem:$0x3FFE];
	_ =	sdelay $0x1  }
0x8a: {  	s1 =	srdreg.scid  }
0x8b: {  	s0 =	sand.u32 $0x1, s1  }
0x8c: {  	s16 =	sshll.u32 s0, $0xA;
	s2 =	sadd.s32 s3, s2  }
0x8d: {  	s2 =	sadd.s32 s2, s16  }
0x8e: {  	[smem:$0x3FBF] =	sst s2  }
0x8f: {  	_ = 	snop  }
0x90: {  	(tm) =	ssettm $0x1  }
0x91: {  	s17 =	sld [smem:$0x3FFB];
	_ =	sdelay $0x3  }
0x92: {  	_ =	strace s17  }
0x93: {  	s2 =	sld [smem:$0x3FFC];
	_ =	sdelay $0x3  }
0x94: {  	_ =	strace s2  }
0x95: {  	s2 =	sld [smem:$0x3FFD];
	_ =	sdelay $0x3  }
0x96: {  	_ =	strace s2  }
0x97: {  	_ =	strace $0x8FFFFFFF  }
0x98: {  	s18 =	sld [smem:$0x3FDB];
	_ =	sdelay $0x1  }
0x99: {  	s19 =	simm.s32 $_scs_section_size  }
0x9a: {  	s4 =	simm.s32 $_size__tile_overlayer_lowered;
	s5 =	simm.s32 $_tile_overlayer_lowered  }
0x9b: {  	s22 =	simm.s32 $0x1BFF;
	s21 =	sshll.u32 s5, $0x1;
	s2 =	sadd.s32 s19, s18  }
0x9c: {  	s6 =	simm.s32 $0x0;
	s20 =	sshll.u32 s4, $0x1;
	s4 =	sadd.s32 s21, s2  }
0x9d: {  	[timem:s6], [sflag:s22] =	dma.local [hbm:s4], s20  }
0x9e: {  	_ =	swait.ge [sflag:s22], s20  }
0x9f: {  	s3 =	ssub.s32 $0x0, s20;
	[sflag:s22] =	ssyncset.done $0x0  }
0xa0: {  	[sflag:s22] =	ssyncadd.s32 s3;
	_ =	sdelay $0x1  }
0xa1: {  	s23 =	simm.s32 $0x1B8B  }
0xa2: {  	_ =	swait.ge [sflag:s23], $0x1  }
0xa3: {  	[sflag:s23] =	ssyncset.done $0x0  }
0xa4: {  	s25 =	simm.s32 $0x1B8E;
	s24 =	sld [smem:$0x3FFE];
	[sflag:s23] =	ssyncadd.s32 $0xFFFFFFFF  }
0xa5: {  	s26 =	simm.s32 $execute0_lowered;
	[smem:$0x3FD2] =	sst s25  }
0xa6: {  	s4 =	sshll.u32 s26, $0x1;
	_ =	strace $0x80000049;
	[dreg:$0x1] =	wrdreg $0xFFFFFFFF  }
0xa7: {  	s28 =	simm.s32 $_size_execute0_lowered;
	s2 =	sadd.s32 s2, s4;
	[dreg:$0x0] =	wrdreg $0x0  }
0xa8: {  	s4 =	sshll.u32 s28, $0x1;
	[dreg:$0x2] =	wrdreg s2  }
0xa9: {  	[dreg:$0x3] =	wrdreg s4  }
0xaa: {  	[dreg:$0x4] =	wrdreg $0xC0  }
0xab: {  	_ =	task [dreg:s6], $0x5FFFF  }
0xac: {  	[dreg:$0x1] =	wrdreg $0xFFFFFFFF  }
0xad: {  	[dreg:$0x0] =	wrdreg $0x60  }
0xae: {  	[dreg:$0x2] =	wrdreg s24  }
0xaf: {  	[dreg:$0x3] =	wrdreg $0x158000  }
0xb0: {  	[dreg:$0x4] =	wrdreg $0x9  }
0xb1: {  	_ =	task.clear_ibuf [dreg:s6], $0x5FFFF;
	_ =	strace $0x90000049  }
0xb2: {  	s29 =	simm.s32 $0x9;
	_ =	strace $0x8000004B  }
0xb3: {  	_ =	swait.ge [sflag:s29], $0x1  }
0xb4: {  	[sflag:s29] =	ssyncadd.s32 $0xFFFFFFFF  }
0xb5: {  	_ =	strace $0x9000004B  }
0xb6: {  	_ =	sfence  }
0xb7: {  	s30 =	sld [smem:$0x0];
	_ =	sdelay $0x2  }
0xb8: {  	s31 =	sshll.u32 s1, $0xD;
	s1 =	sshrl.u32 s1, $0x2  }
0xb9: {  	s3 =	sand.u32 $0x4000, s31;
	s1 =	sadd.s32 s1, s30  }
0xba: {  	s0 =	sor.u32 s3, s0;
	s1 =	sshll.u32 s1, $0x11  }
0xbb: {  	s0 =	sor.u32 s1, s0  }
0xbc: {  	s0 =	sadd.s32 $0x8F2B, s0  }
0xbd: {  	[sflag:s0] =	ssyncadd.remote.s32 $0x1  }
0xbe: {  	_ =	sfence.sel $0xFFFF  }
0xbf: {  	[dreg:$0x0] =	wrdreg $0xFFFFFFFF;
	(pc) =	sbr.abs _section_cstart, $3  }
0xc0: {  	[dreg:$0x1] =	wrdreg $0xFFFFFFFF  }
0xc1: {  	_ =	task.clear_ibuf [dreg:s6], $0x2FFFF;
	_ =	strace $0x9FFFFFFF  }
0xc2: {  	(tm) =	ssettm $0x7FFFFFFF  }
0xc3: {  	_ =	shalt  }
tec
execute0_lowered:
.L_overlay_start_1:
0x0: {  	(tag) =	ssettag $0x1  }
0x1: {  	s5 =	rddreg [dreg:$0x0]  }
0x2: {  	s0 =	srdreg.scid;
	s2 =	rddreg [dreg:$0x1];
	s3 =	simm.s32 $0x0  }
0x3: {  	s8 =	stileid.u32;
	s0 =	sand.u32 $0x1, s0;
	[smem:$0x7FF] =	sst s3  }
0x4: {  	s7 =	smul.u32 $0xA000, s8;
	s4 =	sadd.s32 $0x8DA00, s5;
	s1 =	sshll.u32 s0, $0x4  }
0x5: {  	s6 =	smul.u32 $0xA0000, s0;
	s0 =	ssub.s32 $0x2, s0;
	s1 =	sor.u32 s8, s1  }
0x6: {  	_ =	strace $0x8000004A;
	s9 =	sshrl.u32 s0, $0x1;
	s1 =	smul.u32 $0x500, s1  }
0x7: {  	s8 =	smul.u32 $0x28000, s8;
	s6 =	sadd.s32 s7, s6;
	s0 =	ssub.s32 s0, s9  }
0x8: {  	s6 =	sshrl.u32 s6, $0x3;
	s0 =	smax.u32 s0, $0x1;
	s1 =	sadd.s32 s1, s5  }
0x9: {  	s8 =	sshrl.u32 s8, $0x2;
	[dreg:$0x6] =	wrdreg s0;
	s26 =	sadd.s32 $0x1A00, s1  }
0xa: {  	s6 =	sadd.s32 s6, s5;
	s1 =	sadd.s32 $0xBA00, s1;
	[dreg:$0x3] =	wrdreg s26  }
0xb: {  	s5 =	sadd.s32 s8, s2;
	s9 =	sadd.s32 $0xA1A00, s6;
	[dreg:$0x4] =	wrdreg s1  }
0xc: {  	s11 =	sadd.s32 $0x800, s5;
	[dreg:$0x5] =	wrdreg s9  }
0xd: {  	s12 =	sadd.s32 $0x1000, s5;
	[dreg:$0x7] =	wrdreg s11  }
0xe: {  	s13 =	sadd.s32 $0x1800, s5;
	[dreg:$0x8] =	wrdreg s12  }
0xf: {  	s14 =	sadd.s32 $0x2000, s5;
	[dreg:$0x9] =	wrdreg s13  }
0x10: {  	s15 =	sadd.s32 $0x2800, s5;
	[dreg:$0xa] =	wrdreg s14  }
0x11: {  	s31 =	simm.s32 $0x15000;
	s16 =	sadd.s32 $0x3000, s5;
	[dreg:$0xb] =	wrdreg s15  }
0x12: {  	s10 =	sadd.s32 s7, s2;
	s17 =	sadd.s32 $0x3800, s5;
	[dreg:$0xc] =	wrdreg s16  }
0x13: {  	s7 =	simm.s32 $0x9000;
	s18 =	sadd.s32 $0x4000, s5;
	[dreg:$0xd] =	wrdreg s17  }
0x14: {  	s0 =	simm.s32 $0x80;
	s19 =	sadd.s32 $0x4800, s5;
	[dreg:$0xe] =	wrdreg s18  }
0x15: {  	s8 =	simm.s32 $0xD000;
	s20 =	sadd.s32 $0x5000, s5;
	[dreg:$0xf] =	wrdreg s19  }
0x16: {  	s21 =	sadd.s32 $0x5800, s5;
	s22 =	sadd.s32 $0x6000, s5;
	[dreg:$0x10] =	wrdreg s20  }
0x17: {  	s23 =	sadd.s32 $0x6800, s5;
	s24 =	sadd.s32 $0x7000, s5;
	[dreg:$0x11] =	wrdreg s21  }
0x18: {  	s25 =	sadd.s32 $0x7800, s5;
	s28 =	sadd.s32 $0x8800, s5;
	[dreg:$0x12] =	wrdreg s22  }
0x19: {  	s29 =	sadd.s32 $0x9000, s5;
	s30 =	sadd.s32 $0x9800, s5;
	[dreg:$0x13] =	wrdreg s23  }
.Ltmp0:
0x1a: {  	s6 =	simm.s32 $0x5000;
	[dreg:$0x14] =	wrdreg s24;
	(pc) =	sbr.rel .LBB2_1-.Ltmp0, $4  }
0x1b: {  	[dreg:$0x15] =	wrdreg s25;
	s26 =	sshrl.u32 s10, $0x3;
	s1 =	simm.s32 $0x9  }
0x1c: {  	s9 =	simm.s32 $0x11000;
	s10 =	simm.s32 $0x13000;
	s11 =	simm.s32 $0x1  }
0x1d: {  	s12 =	simm.s32 $0x3;
	s13 =	simm.s32 $0x5;
	s14 =	simm.s32 $0x7  }
0x1e: {  	v0 =	vimm.f32 $0.0e+00;
	s15 =	simm.s32 $0x8;
	[dreg:$0x16] =	wrdreg s26;
	s26 =	sadd.s32 $0x8000, s5  }
.LBB2_6:
0x1f: {  	_ =	swait.ge [sflag:s15], $0x2000  }
0x20: {  	[sflag:s15] =	ssyncset.done $0x0  }
0x21: {  	[sflag:s15] =	ssyncadd.s32 $0xFFFFE000  }
0x22: {  	[spmem:s2] =	stream.indirect.scatter.add.f32 [tilespmem:s10], [sflag:$0x9], $0x40, s18, s0, $0xb8;
	[tilespmem:$0x1F800] =	vst v63  }
0x23: {  	_ =	swait.ge [sflag:s1], $0x2000  }
0x24: {  	[sflag:s1] =	ssyncset.done $0x0  }
0x25: {  	[sflag:s1] =	ssyncadd.s32 $0xFFFFE000  }
0x26: {  	s16 =	stileid.u32;
	[bflag:$0x0] =	sbarrier.arrive $0xFFFF  }
0x27: {  	s16 =	sshll.u32 s16, $0x6;
	s17 =	rddreg [dreg:$0x5]  }
0x28: {  	s16 =	sor.u32 $0x1C09, s16;
	s24 =	rddreg [dreg:$0x16]  }
0x29: {  	[hbm:s17], [sflag:s16] =	dma.local [spmem:s24], $0x1400  }
0x2a: {  	_ =	swait.ge [sflag:s1], $0x1400  }
0x2b: {  	s3 =	sadd.s32 $0x1, s3;
	s25 =	rddreg [dreg:$0x6]  }
0x2c: {  	p0 =	sne.s32 s3, s25  }
.Ltmp1:
0x2d: {  	_ = 	snop;
	(pc) =	sbr.rel @!p0 .LBB2_7-.Ltmp1, $3  }
0x2e: {  	_ =	sdelay $0x1  }
0x2f: {  	[sflag:s1] =	ssyncset.done $0x0  }
0x30: {  	[sflag:s1] =	ssyncadd.s32 $0xFFFFEC00  }
.LBB2_1:
0x31: {  	s17 =	simm.s32 $0x100;
	s16 =	simm.s32 $0x0  }
.LBB2_2:
0x32: {  	p0 =	sne.s32 s17, $0x1F00;
	[tilespmem:s16+$0x15030] =	vst v0;
	s18 =	smov.u32 s17;
	s17 =	sadd.s32 $0x100, s17  }
.Ltmp2:
0x33: {  	[tilespmem:s16+$0x15020] =	vst v0;
	(pc) =	sbr.rel @p0 .LBB2_2-.Ltmp2, $3  }
0x34: {  	[tilespmem:s16+$0x15000] =	vst v0  }
0x35: {  	[tilespmem:s16+$0x15010] =	vst v0;
	_ =	sdelay $0x1  }
0x36: {  	s16 =	sshra.s32 s18, $0x2  }
0x37: {  	[tilespmem:s16+$0x15030] =	vst v0  }
0x38: {  	[tilespmem:s16+$0x15020] =	vst v0  }
0x39: {  	[tilespmem:s16+$0x15000] =	vst v0  }
0x3a: {  	[tilespmem:s16+$0x15010] =	vst v0  }
0x3b: {  	[spmem:s5] =	stream.linear.scatter [tilespmem:s31], [sflag:$0x9], $0x800, $0x38;
	[tilespmem:$0x1F800] =	vst v63  }
0x3c: {  	_ =	swait.ge [sflag:s1], $0x800  }
0x3d: {  	[sflag:s1] =	ssyncset.done $0x0  }
0x3e: {  	s18 =	rddreg [dreg:$0x7];
	[sflag:s1] =	ssyncadd.s32 $0xFFFFF800  }
0x3f: {  	[spmem:s18] =	stream.linear.scatter [tilespmem:s31], [sflag:$0x9], $0x800, $0x38;
	[tilespmem:$0x1F800] =	vst v63  }
0x40: {  	_ =	swait.ge [sflag:s1], $0x800  }
0x41: {  	[sflag:s1] =	ssyncset.done $0x0  }
0x42: {  	s19 =	rddreg [dreg:$0x8];
	[sflag:s1] =	ssyncadd.s32 $0xFFFFF800  }
0x43: {  	[spmem:s19] =	stream.linear.scatter [tilespmem:s31], [sflag:$0x9], $0x800, $0x38;
	[tilespmem:$0x1F800] =	vst v63  }
0x44: {  	_ =	swait.ge [sflag:s1], $0x800  }
0x45: {  	[sflag:s1] =	ssyncset.done $0x0  }
0x46: {  	s20 =	rddreg [dreg:$0x9];
	[sflag:s1] =	ssyncadd.s32 $0xFFFFF800  }
0x47: {  	[spmem:s20] =	stream.linear.scatter [tilespmem:s31], [sflag:$0x9], $0x800, $0x38;
	[tilespmem:$0x1F800] =	vst v63  }
0x48: {  	_ =	swait.ge [sflag:s1], $0x800  }
0x49: {  	[sflag:s1] =	ssyncset.done $0x0  }
0x4a: {  	s21 =	rddreg [dreg:$0xa];
	[sflag:s1] =	ssyncadd.s32 $0xFFFFF800  }
0x4b: {  	[spmem:s21] =	stream.linear.scatter [tilespmem:s31], [sflag:$0x9], $0x800, $0x38;
	[tilespmem:$0x1F800] =	vst v63  }
0x4c: {  	_ =	swait.ge [sflag:s1], $0x800  }
0x4d: {  	[sflag:s1] =	ssyncset.done $0x0  }
0x4e: {  	s22 =	rddreg [dreg:$0xb];
	[sflag:s1] =	ssyncadd.s32 $0xFFFFF800  }
0x4f: {  	[spmem:s22] =	stream.linear.scatter [tilespmem:s31], [sflag:$0x9], $0x800, $0x38;
	[tilespmem:$0x1F800] =	vst v63  }
0x50: {  	_ =	swait.ge [sflag:s1], $0x800  }
0x51: {  	[sflag:s1] =	ssyncset.done $0x0  }
0x52: {  	s23 =	rddreg [dreg:$0xc];
	[sflag:s1] =	ssyncadd.s32 $0xFFFFF800  }
0x53: {  	[spmem:s23] =	stream.linear.scatter [tilespmem:s31], [sflag:$0x9], $0x800, $0x38;
	[tilespmem:$0x1F800] =	vst v63  }
0x54: {  	_ =	swait.ge [sflag:s1], $0x800  }
0x55: {  	[sflag:s1] =	ssyncset.done $0x0  }
0x56: {  	s24 =	rddreg [dreg:$0xd];
	[sflag:s1] =	ssyncadd.s32 $0xFFFFF800  }
0x57: {  	[spmem:s24] =	stream.linear.scatter [tilespmem:s31], [sflag:$0x9], $0x800, $0x38;
	[tilespmem:$0x1F800] =	vst v63  }
0x58: {  	_ =	swait.ge [sflag:s1], $0x800  }
0x59: {  	[sflag:s1] =	ssyncset.done $0x0  }
0x5a: {  	s25 =	rddreg [dreg:$0xe];
	[sflag:s1] =	ssyncadd.s32 $0xFFFFF800  }
0x5b: {  	[spmem:s25] =	stream.linear.scatter [tilespmem:s31], [sflag:$0x9], $0x800, $0x38;
	[tilespmem:$0x1F800] =	vst v63  }
0x5c: {  	_ =	swait.ge [sflag:s1], $0x800  }
0x5d: {  	[sflag:s1] =	ssyncset.done $0x0  }
0x5e: {  	s17 =	rddreg [dreg:$0xf];
	[sflag:s1] =	ssyncadd.s32 $0xFFFFF800  }
0x5f: {  	[spmem:s17] =	stream.linear.scatter [tilespmem:s31], [sflag:$0x9], $0x800, $0x38;
	[tilespmem:$0x1F800] =	vst v63  }
0x60: {  	_ =	swait.ge [sflag:s1], $0x800  }
0x61: {  	[sflag:s1] =	ssyncset.done $0x0  }
0x62: {  	s18 =	rddreg [dreg:$0x10];
	[sflag:s1] =	ssyncadd.s32 $0xFFFFF800  }
0x63: {  	[spmem:s18] =	stream.linear.scatter [tilespmem:s31], [sflag:$0x9], $0x800, $0x38;
	[tilespmem:$0x1F800] =	vst v63  }
0x64: {  	_ =	swait.ge [sflag:s1], $0x800  }
0x65: {  	[sflag:s1] =	ssyncset.done $0x0  }
0x66: {  	s19 =	rddreg [dreg:$0x11];
	[sflag:s1] =	ssyncadd.s32 $0xFFFFF800  }
0x67: {  	[spmem:s19] =	stream.linear.scatter [tilespmem:s31], [sflag:$0x9], $0x800, $0x38;
	[tilespmem:$0x1F800] =	vst v63  }
0x68: {  	_ =	swait.ge [sflag:s1], $0x800  }
0x69: {  	[sflag:s1] =	ssyncset.done $0x0  }
0x6a: {  	s20 =	rddreg [dreg:$0x12];
	[sflag:s1] =	ssyncadd.s32 $0xFFFFF800  }
0x6b: {  	[spmem:s20] =	stream.linear.scatter [tilespmem:s31], [sflag:$0x9], $0x800, $0x38;
	[tilespmem:$0x1F800] =	vst v63  }
0x6c: {  	_ =	swait.ge [sflag:s1], $0x800  }
0x6d: {  	[sflag:s1] =	ssyncset.done $0x0  }
0x6e: {  	s21 =	rddreg [dreg:$0x13];
	[sflag:s1] =	ssyncadd.s32 $0xFFFFF800  }
0x6f: {  	[spmem:s21] =	stream.linear.scatter [tilespmem:s31], [sflag:$0x9], $0x800, $0x38;
	[tilespmem:$0x1F800] =	vst v63  }
0x70: {  	_ =	swait.ge [sflag:s1], $0x800  }
0x71: {  	[sflag:s1] =	ssyncset.done $0x0  }
0x72: {  	s22 =	rddreg [dreg:$0x14];
	[sflag:s1] =	ssyncadd.s32 $0xFFFFF800  }
0x73: {  	[spmem:s22] =	stream.linear.scatter [tilespmem:s31], [sflag:$0x9], $0x800, $0x38;
	[tilespmem:$0x1F800] =	vst v63  }
0x74: {  	_ =	swait.ge [sflag:s1], $0x800  }
0x75: {  	[sflag:s1] =	ssyncset.done $0x0  }
0x76: {  	s23 =	rddreg [dreg:$0x15];
	[sflag:s1] =	ssyncadd.s32 $0xFFFFF800  }
0x77: {  	[spmem:s23] =	stream.linear.scatter [tilespmem:s31], [sflag:$0x9], $0x800, $0x38;
	[tilespmem:$0x1F800] =	vst v63  }
0x78: {  	_ =	swait.ge [sflag:s1], $0x800  }
0x79: {  	[sflag:s1] =	ssyncset.done $0x0  }
0x7a: {  	[sflag:s1] =	ssyncadd.s32 $0xFFFFF800  }
0x7b: {  	[spmem:s26] =	stream.linear.scatter [tilespmem:s31], [sflag:$0x9], $0x800, $0x38;
	[tilespmem:$0x1F800] =	vst v63  }
0x7c: {  	_ =	swait.ge [sflag:s1], $0x800  }
0x7d: {  	[sflag:s1] =	ssyncset.done $0x0  }
0x7e: {  	[sflag:s1] =	ssyncadd.s32 $0xFFFFF800  }
0x7f: {  	[spmem:s28] =	stream.linear.scatter [tilespmem:s31], [sflag:$0x9], $0x800, $0x38;
	[tilespmem:$0x1F800] =	vst v63  }
0x80: {  	_ =	swait.ge [sflag:s1], $0x800  }
0x81: {  	[sflag:s1] =	ssyncset.done $0x0  }
0x82: {  	[sflag:s1] =	ssyncadd.s32 $0xFFFFF800  }
0x83: {  	[spmem:s29] =	stream.linear.scatter [tilespmem:s31], [sflag:$0x9], $0x800, $0x38;
	[tilespmem:$0x1F800] =	vst v63  }
0x84: {  	_ =	swait.ge [sflag:s1], $0x800  }
0x85: {  	[sflag:s1] =	ssyncset.done $0x0  }
0x86: {  	[sflag:s1] =	ssyncadd.s32 $0xFFFFF800  }
0x87: {  	[spmem:s30] =	stream.linear.scatter [tilespmem:s31], [sflag:$0x9], $0x800, $0x38;
	[tilespmem:$0x1F800] =	vst v63  }
0x88: {  	_ =	swait.ge [sflag:s1], $0x800  }
0x89: {  	[sflag:s1] =	ssyncset.done $0x0  }
0x8a: {  	s16 =	simm.s32 $0x0;
	s17 =	rddreg [dreg:$0x3];
	[sflag:s1] =	ssyncadd.s32 $0xFFFFF800  }
0x8b: {  	[tilespmem:s16], [sflag:$0x9] =	stream.linear.gather [hbm4b:s17+s16], $0x2800, $0x38;
	[tilespmem:$0x1F800] =	vst v63  }
0x8c: {  	_ =	swait.ge [sflag:s1], $0x2800  }
0x8d: {  	[sflag:s1] =	ssyncset.done $0x0  }
0x8e: {  	s18 =	simm.s32 $0x2800;
	s24 =	rddreg [dreg:$0x4];
	[sflag:s1] =	ssyncadd.s32 $0xFFFFD800  }
0x8f: {  	[tilespmem:s18], [sflag:$0x9] =	stream.linear.gather [hbm4b:s24+s16], $0x2800, $0x38;
	[tilespmem:$0x1F800] =	vst v63  }
0x90: {  	_ =	swait.ge [sflag:s1], $0x2800  }
0x91: {  	[sflag:s1] =	ssyncset.done $0x0  }
0x92: {  	[sflag:s1] =	ssyncadd.s32 $0xFFFFD800  }
0x93: {  	[bflag:$0x0] =	sbarrier.arrive $0xFFFF  }
0x94: {  	[tilespmem:s6], [sflag:$0x1] =	stream.indirect.gather [hbm4b:s4+s0], $0x40, s16, s0, $0xb8;
	[tilespmem:$0x1F800] =	vst v63  }
0x95: {  	s25 =	simm.s32 $0x7000  }
0x96: {  	[tilespmem:s25], [sflag:$0x2] =	stream.indirect.gather [hbm4b:s4+s0], $0x40, s0, s0, $0xb8;
	[tilespmem:$0x1F800] =	vst v63  }
0x97: {  	s18 =	simm.s32 $0x100  }
0x98: {  	[tilespmem:s7], [sflag:$0x3] =	stream.indirect.gather [hbm4b:s4+s0], $0x40, s18, s0, $0xb8;
	[tilespmem:$0x1F800] =	vst v63  }
0x99: {  	s19 =	simm.s32 $0x180;
	s20 =	simm.s32 $0xB000  }
0x9a: {  	[tilespmem:s20], [sflag:$0x4] =	stream.indirect.gather [hbm4b:s4+s0], $0x40, s19, s0, $0xb8;
	[tilespmem:$0x1F800] =	vst v63  }
0x9b: {  	s21 =	simm.s32 $0x200  }
0x9c: {  	[tilespmem:s8], [sflag:$0x5] =	stream.indirect.gather [hbm4b:s4+s0], $0x40, s21, s0, $0xb8;
	[tilespmem:$0x1F800] =	vst v63  }
0x9d: {  	s22 =	simm.s32 $0x280;
	s23 =	simm.s32 $0xF000  }
0x9e: {  	[tilespmem:s23], [sflag:$0x6] =	stream.indirect.gather [hbm4b:s4+s0], $0x40, s22, s0, $0xb8;
	[tilespmem:$0x1F800] =	vst v63  }
0x9f: {  	s24 =	simm.s32 $0x300  }
0xa0: {  	[tilespmem:s9], [sflag:$0x7] =	stream.indirect.gather [hbm4b:s4+s0], $0x40, s24, s0, $0xb8;
	[tilespmem:$0x1F800] =	vst v63  }
0xa1: {  	s25 =	simm.s32 $0x380  }
0xa2: {  	[tilespmem:s10], [sflag:$0x8] =	stream.indirect.gather [hbm4b:s4+s0], $0x40, s25, s0, $0xb8;
	[tilespmem:$0x1F800] =	vst v63  }
.LBB2_4:
0xa3: {  	_ =	swait.ge [sflag:s11], $0x2000  }
0xa4: {  	s17 =	sshra.s32 s16, $0x2;
	[sflag:s11] =	ssyncset.done $0x0  }
0xa5: {  	s18 =	sadd.s32 $0x2800, s17;
	[sflag:s11] =	ssyncadd.s32 $0xFFFFE000  }
0xa6: {  	[spmem:s2] =	stream.indirect.scatter.add.f32 [tilespmem:s6], [sflag:$0x9], $0x40, s18, s0, $0xb8;
	[tilespmem:$0x1F800] =	vst v63  }
0xa7: {  	_ =	swait.ge [sflag:s1], $0x2000  }
0xa8: {  	p0 =	seq.s32 s16, $0x9000;
	[sflag:s1] =	ssyncset.done $0x0  }
0xa9: {  	s18 =	simm.s32 @p0 $0x2;
	[sflag:s1] =	ssyncadd.s32 $0xFFFFE000  }
0xaa: {  	s20 =	sshra.s32 @p0 s16, $0x2;
	_ =	swait.ge @p0 [sflag:s18], $0x2000  }
0xab: {  	s21 =	simm.s32 @p0 $0x80;
	s19 =	simm.s32 @p0 $0x7000;
	[sflag:s18] =	ssyncset.done @p0 $0x0  }
0xac: {  	s22 =	simm.s32 @p0 $0x9;
	[sflag:s18] =	ssyncadd.s32 @p0 $0xFFFFE000;
	s18 =	sadd.s32 @p0 $0x2880, s20  }
0xad: {  	[spmem:s2] =	stream.indirect.scatter.add.f32 @p0 [tilespmem:s19], [sflag:$0x9], $0x40, s18, s21, $0xb8;
	[tilespmem:$0x1F800] =	vst v63  }
0xae: {  	_ =	swait.ge @p0 [sflag:s22], $0x2000  }
0xaf: {  	s24 =	simm.s32 @!p0 $0x5000;
	s18 =	sshra.s32 @!p0 s16, $0x2;
	[sflag:s22] =	ssyncset.done @p0 $0x0  }
0xb0: {  	s19 =	simm.s32 @!p0 $0x80;
	s23 =	sadd.s32 @!p0 $0x400, s18;
	[sflag:s22] =	ssyncadd.s32 @p0 $0xFFFFE000  }
0xb1: {  	[tilespmem:s24], [sflag:$0x1] =	stream.indirect.gather @!p0 [hbm4b:s4+s19], $0x40, s23, s19, $0xb8;
	[tilespmem:$0x1F800] =	vst v63  }
0xb2: {  	s23 =	simm.s32 @!p0 $0x2  }
0xb3: {  	_ =	swait.ge @!p0 [sflag:s23], $0x2000  }
0xb4: {  	[sflag:s23] =	ssyncset.done @!p0 $0x0  }
0xb5: {  	s24 =	simm.s32 @!p0 $0x7000;
	[sflag:s23] =	ssyncadd.s32 @!p0 $0xFFFFE000;
	s23 =	sadd.s32 @!p0 $0x2880, s18  }
0xb6: {  	[spmem:s2] =	stream.indirect.scatter.add.f32 @!p0 [tilespmem:s24], [sflag:$0x9], $0x40, s23, s19, $0xb8;
	[tilespmem:$0x1F800] =	vst v63  }
0xb7: {  	s23 =	simm.s32 @!p0 $0x9  }
0xb8: {  	_ =	swait.ge @!p0 [sflag:s23], $0x2000  }
0xb9: {  	[sflag:s23] =	ssyncset.done @!p0 $0x0  }
0xba: {  	s25 =	sadd.s32 @!p0 $0x480, s18;
	[sflag:s23] =	ssyncadd.s32 @!p0 $0xFFFFE000  }
0xbb: {  	[tilespmem:s24], [sflag:$0x2] =	stream.indirect.gather @!p0 [hbm4b:s4+s19], $0x40, s25, s19, $0xb8;
	[tilespmem:$0x1F800] =	vst v63  }
0xbc: {  	_ =	swait.ge [sflag:s12], $0x2000  }
0xbd: {  	[sflag:s12] =	ssyncset.done $0x0  }
0xbe: {  	s25 =	sadd.s32 $0x2900, s17;
	[sflag:s12] =	ssyncadd.s32 $0xFFFFE000  }
0xbf: {  	[spmem:s2] =	stream.indirect.scatter.add.f32 [tilespmem:s7], [sflag:$0x9], $0x40, s25, s0, $0xb8;
	[tilespmem:$0x1F800] =	vst v63  }
0xc0: {  	_ =	swait.ge [sflag:s1], $0x2000  }
0xc1: {  	[sflag:s1] =	ssyncset.done $0x0  }
0xc2: {  	s24 =	simm.s32 @p0 $0x4;
	[sflag:s1] =	ssyncadd.s32 $0xFFFFE000  }
0xc3: {  	_ =	swait.ge @p0 [sflag:s24], $0x2000  }
0xc4: {  	[sflag:s24] =	ssyncset.done @p0 $0x0  }
0xc5: {  	s25 =	simm.s32 @p0 $0xB000;
	[sflag:s24] =	ssyncadd.s32 @p0 $0xFFFFE000;
	s24 =	sadd.s32 @p0 $0x2980, s20  }
0xc6: {  	[spmem:s2] =	stream.indirect.scatter.add.f32 @p0 [tilespmem:s25], [sflag:$0x9], $0x40, s24, s21, $0xb8;
	[tilespmem:$0x1F800] =	vst v63  }
0xc7: {  	_ =	swait.ge @p0 [sflag:s22], $0x2000  }
0xc8: {  	[sflag:s22] =	ssyncset.done @p0 $0x0  }
0xc9: {  	s24 =	sadd.s32 @!p0 $0x500, s18;
	s25 =	simm.s32 @!p0 $0x9000;
	[sflag:s22] =	ssyncadd.s32 @p0 $0xFFFFE000  }
0xca: {  	[tilespmem:s25], [sflag:$0x3] =	stream.indirect.gather @!p0 [hbm4b:s4+s19], $0x40, s24, s19, $0xb8;
	[tilespmem:$0x1F800] =	vst v63  }
0xcb: {  	s24 =	simm.s32 @!p0 $0x4  }
0xcc: {  	_ =	swait.ge @!p0 [sflag:s24], $0x2000  }
0xcd: {  	[sflag:s24] =	ssyncset.done @!p0 $0x0  }
0xce: {  	s25 =	simm.s32 @!p0 $0xB000;
	[sflag:s24] =	ssyncadd.s32 @!p0 $0xFFFFE000;
	s24 =	sadd.s32 @!p0 $0x2980, s18  }
0xcf: {  	[spmem:s2] =	stream.indirect.scatter.add.f32 @!p0 [tilespmem:s25], [sflag:$0x9], $0x40, s24, s19, $0xb8;
	[tilespmem:$0x1F800] =	vst v63  }
0xd0: {  	_ =	swait.ge @!p0 [sflag:s23], $0x2000  }
0xd1: {  	[sflag:s23] =	ssyncset.done @!p0 $0x0  }
0xd2: {  	s24 =	sadd.s32 @!p0 $0x580, s18;
	[sflag:s23] =	ssyncadd.s32 @!p0 $0xFFFFE000  }
0xd3: {  	[tilespmem:s25], [sflag:$0x4] =	stream.indirect.gather @!p0 [hbm4b:s4+s19], $0x40, s24, s19, $0xb8;
	[tilespmem:$0x1F800] =	vst v63  }
0xd4: {  	_ =	swait.ge [sflag:s13], $0x2000  }
0xd5: {  	[sflag:s13] =	ssyncset.done $0x0  }
0xd6: {  	s25 =	sadd.s32 $0x2A00, s17;
	[sflag:s13] =	ssyncadd.s32 $0xFFFFE000  }
0xd7: {  	[spmem:s2] =	stream.indirect.scatter.add.f32 [tilespmem:s8], [sflag:$0x9], $0x40, s25, s0, $0xb8;
	[tilespmem:$0x1F800] =	vst v63  }
0xd8: {  	_ =	swait.ge [sflag:s1], $0x2000  }
0xd9: {  	[sflag:s1] =	ssyncset.done $0x0  }
0xda: {  	s24 =	simm.s32 @p0 $0x6;
	[sflag:s1] =	ssyncadd.s32 $0xFFFFE000  }
0xdb: {  	_ =	swait.ge @p0 [sflag:s24], $0x2000  }
0xdc: {  	[sflag:s24] =	ssyncset.done @p0 $0x0  }
0xdd: {  	s20 =	sadd.s32 @p0 $0x2A80, s20;
	[sflag:s24] =	ssyncadd.s32 @p0 $0xFFFFE000;
	s24 =	simm.s32 @p0 $0xF000  }
0xde: {  	[spmem:s2] =	stream.indirect.scatter.add.f32 @p0 [tilespmem:s24], [sflag:$0x9], $0x40, s20, s21, $0xb8;
	[tilespmem:$0x1F800] =	vst v63  }
0xdf: {  	_ =	swait.ge @p0 [sflag:s22], $0x2000  }
0xe0: {  	[sflag:s22] =	ssyncset.done @p0 $0x0  }
0xe1: {  	s20 =	sadd.s32 @!p0 $0x600, s18;
	s21 =	simm.s32 @!p0 $0xD000;
	[sflag:s22] =	ssyncadd.s32 @p0 $0xFFFFE000  }
0xe2: {  	[tilespmem:s21], [sflag:$0x5] =	stream.indirect.gather @!p0 [hbm4b:s4+s19], $0x40, s20, s19, $0xb8;
	[tilespmem:$0x1F800] =	vst v63  }
0xe3: {  	s20 =	simm.s32 @!p0 $0x6  }
0xe4: {  	_ =	swait.ge @!p0 [sflag:s20], $0x2000  }
0xe5: {  	[sflag:s20] =	ssyncset.done @!p0 $0x0  }
0xe6: {  	s21 =	simm.s32 @!p0 $0xF000;
	[sflag:s20] =	ssyncadd.s32 @!p0 $0xFFFFE000;
	s20 =	sadd.s32 @!p0 $0x2A80, s18  }
0xe7: {  	[spmem:s2] =	stream.indirect.scatter.add.f32 @!p0 [tilespmem:s21], [sflag:$0x9], $0x40, s20, s19, $0xb8;
	[tilespmem:$0x1F800] =	vst v63  }
0xe8: {  	_ =	swait.ge @!p0 [sflag:s23], $0x2000  }
0xe9: {  	[sflag:s23] =	ssyncset.done @!p0 $0x0  }
0xea: {  	s18 =	sadd.s32 @!p0 $0x680, s18;
	[sflag:s23] =	ssyncadd.s32 @!p0 $0xFFFFE000  }
0xeb: {  	[tilespmem:s21], [sflag:$0x6] =	stream.indirect.gather @!p0 [hbm4b:s4+s19], $0x40, s18, s19, $0xb8;
	[tilespmem:$0x1F800] =	vst v63  }
0xec: {  	_ =	swait.ge [sflag:s14], $0x2000  }
0xed: {  	[sflag:s14] =	ssyncset.done $0x0  }
.Ltmp3:
0xee: {  	s25 =	sadd.s32 $0x2B00, s17;
	[sflag:s14] =	ssyncadd.s32 $0xFFFFE000;
	(pc) =	sbr.rel @p0 .LBB2_6-.Ltmp3, $4  }
0xef: {  	[spmem:s2] =	stream.indirect.scatter.add.f32 [tilespmem:s9], [sflag:$0x9], $0x40, s25, s0, $0xb8;
	[tilespmem:$0x1F800] =	vst v63  }
0xf0: {  	_ =	swait.ge [sflag:s1], $0x2000  }
0xf1: {  	[sflag:s1] =	ssyncset.done $0x0  }
0xf2: {  	s18 =	sadd.s32 $0x2B80, s17;
	[sflag:s1] =	ssyncadd.s32 $0xFFFFE000  }
0xf3: {  	s19 =	sadd.s32 $0x700, s17  }
0xf4: {  	[tilespmem:s9], [sflag:$0x7] =	stream.indirect.gather [hbm4b:s4+s0], $0x40, s19, s0, $0xb8;
	[tilespmem:$0x1F800] =	vst v63  }
0xf5: {  	_ =	swait.ge [sflag:s15], $0x2000  }
0xf6: {  	[sflag:s15] =	ssyncset.done $0x0  }
0xf7: {  	[sflag:s15] =	ssyncadd.s32 $0xFFFFE000  }
0xf8: {  	[spmem:s2] =	stream.indirect.scatter.add.f32 [tilespmem:s10], [sflag:$0x9], $0x40, s18, s0, $0xb8;
	[tilespmem:$0x1F800] =	vst v63  }
.Ltmp4:
0xf9: {  	_ = 	snop;
	(pc) =	sbr.rel .LBB2_4-.Ltmp4, $4  }
0xfa: {  	_ =	swait.ge [sflag:s1], $0x2000  }
0xfb: {  	[sflag:s1] =	ssyncset.done $0x0  }
0xfc: {  	s25 =	sadd.s32 $0x780, s17;
	s16 =	sadd.s32 $0x1000, s16;
	[sflag:s1] =	ssyncadd.s32 $0xFFFFE000  }
0xfd: {  	[tilespmem:s10], [sflag:$0x8] =	stream.indirect.gather [hbm4b:s4+s0], $0x40, s25, s0, $0xb8;
	[tilespmem:$0x1F800] =	vst v63  }
.LBB2_7:
0xfe: {  	_ =	sfence.sel $0x180000  }
0xff: {  	[bflag:$0x0] =	sbarrier.arrive $0xFFFF  }
0x100: {  	_ =	strace $0x9000004A  }
0x101: {  	s0 =	stileid.u32;
	[bflag:$0x2] =	sbarrier.arrive $0xFFFF  }
0x102: {  	p0 =	sne.s32 s0, $0x0;
	s0 =	rddreg [dreg:$0x2]  }
0x103: {  	s0 =	sadd.s32 @!p0 $0x100000, s0  }
0x104: {  	[sflag:s0] =	ssyncadd.tile.s32 @!p0 $0x1;
	_ =	shalt  }
.Lfunc_end2:
_tile_overlayer_lowered:
.L_overlay_start_2:
0x105: {  	(tag) =	ssettag $0x2  }
0x106: {  	s0 =	rddreg [dreg:$0x0];
	s2 =	stileid.u32  }
0x107: {  	s1 =	rddreg [dreg:$0x1];
	p0 =	sne.s32 s2, $0x0  }
0x108: {  	s3 =	rddreg [dreg:$0x2];
	[bflag:$0x3] =	sbarrier.arrive $0xFFFF;
	s2 =	simm.s32 @!p0 $0x1C09  }
0x109: {  	[timem:s3], [sflag:s2] =	dma.local @!p0 [hbm:s0], s1  }
0x10a: {  	s0 =	simm.s32 @!p0 $0x9  }
0x10b: {  	_ =	swait.ge @!p0 [sflag:s0], s1  }
0x10c: {  	s1 =	ssub.s32 @!p0 $0x0, s1;
	[sflag:s0] =	ssyncset.done @!p0 $0x0  }
0x10d: {  	[sflag:s0] =	ssyncadd.s32 @!p0 s1  }
0x10e: {  	[bflag:$0x3] =	sbarrier.arrive $0xFFFF  }
0x10f: {  	_ =	shalt  }

// kernel: kernel.14.cloned.1.call-start
scs
__scs_entry_jumppad:
0x0: {  	(pc) =	sbr.rel $0x88, $3  }
0x1: {  	(tag) =	ssettag $0x0;
	lr =	simm.s32 $0x1  }
0x2: {  	[smem:$0x3F98] =	sst lr;
	_ =	strace $0xD0000000  }
0x3: {  	_ = 	snop  }
0x4: {  	_ = 	snop  }
0x5: {  	_ = 	snop  }
0x6: {  	_ = 	snop  }
0x7: {  	_ = 	snop  }
__scs_overlays_trampoline_lowered:
0x8: {  	[smem:$0x3FA7] =	sst s0  }
0x9: {  	[smem:$0x3FA8] =	sst s1  }
0xa: {  	[smem:$0x3FA9] =	sst s2  }
0xb: {  	[smem:$0x3FAA] =	sst s3  }
0xc: {  	[smem:$0x3FAB] =	sst s4  }
0xd: {  	[smem:$0x3FAC] =	sst s5  }
0xe: {  	[smem:$0x3FAD] =	sst s6  }
0xf: {  	[smem:$0x3FAE] =	sst s7  }
0x10: {  	[smem:$0x3FAF] =	sst s8  }
0x11: {  	[smem:$0x3FB0] =	sst s9;
	s0 =	simm.s32 @!p0 $0x0  }
0x12: {  	s1 =	sld [smem:$0x3F96];
	s0 =	simm.s32 @p0 $0x1  }
0x13: {  	[smem:$0x3FB1] =	sst s0;
	s0 =	simm.s32 @!p1 $0x0  }
0x14: {  	s2 =	sld [smem:$0x3F95];
	s0 =	simm.s32 @p1 $0x1  }
0x15: {  	[smem:$0x3FB2] =	sst s0;
	s0 =	simm.s32 @!p2 $0x0  }
0x16: {  	s3 =	sld [smem:$0x3FDB];
	s0 =	simm.s32 @p2 $0x1  }
0x17: {  	s4 =	simm.s32 $0x1BF5;
	[smem:$0x3FB4] =	sst s0  }
0x18: {  	s0 =	sld [smem:$0x3F97];
	_ =	swait.ge [sflag:s4], $0x0  }
0x19: {  	s7 =	sld [smem:$0x3F98]  }
0x1a: {  	s8 =	sadd.s32 $0xFFFFE003, lr  }
0x1b: {  	s9 =	sadd.s32 $0xFFFFFEF7, lr;
	s5 =	simm.s32 $0xFFFFFFFF;
	p2 =	slt.u32 s8, $0xFFFFF086  }
0x1c: {  	p1 =	slt.u32 s9, $0xF7A;
	s5 =	simm.s32 @!p2 $0x0  }
0x1d: {  	s5 =	simm.s32 @p1 $0x1;
	p0 =	seq.s32 s7, s2  }
0x1e: {  	s7 =	smul.u32 @!p0 $0xF7A, s2;
	p2 =	seq.s32 @!p0 s5, $0x0  }
0x1f: {  	s9 =	smul.u32 $0xF7A, s1;
	s8 =	simm.s32 @!p0 $0x1BF5;
	p2 =	por !p2, p0  }
0x20: {  	[sflag:s8] =	ssyncset.s32 @!p0 $0xFFFFF086;
	s6 =	sadd.s32 @!p0 s3, s7;
	s7 =	simm.s32 @!p0 $0x108  }
0x21: {  	s3 =	sadd.s32 s3, s9;
	s6 =	sadd.s32 @!p0 $0x88, s6;
	s7 =	simm.s32 @p2 $0x1082  }
0x22: {  	[simem:s7], [sflag:s8] =	dma.local @!p0 [hbm:s6], $0xF7A  }
0x23: {  	s9 =	sor.u32 $0xD0000000, s2;
	s6 =	simm.s32 $0x108;
	_ =	swait.ge @!p0 [sflag:s8], $0x0  }
0x24: {  	s3 =	sadd.s32 $0x88, s3;
	s6 =	simm.s32 @!p1 $0x1082;
	[sflag:s4] =	ssyncset.s32 $0xFFFFF086  }
0x25: {  	[simem:s6], [sflag:s4] =	dma.local [hbm:s3], $0xF7A  }
0x26: {  	[smem:$0x3F98] =	sst s1;
	(tag) =	ssettag s2;
	_ =	strace s9  }
0x27: {  	s1 =	sld [smem:$0x3FA8]  }
0x28: {  	s2 =	sld [smem:$0x3FA9]  }
0x29: {  	s4 =	sld [smem:$0x3FAB]  }
0x2a: {  	p0 =	seq.s32 s5, $0x0;
	s5 =	sld [smem:$0x3FAC]  }
0x2b: {  	s6 =	sld [smem:$0x3FAD]  }
0x2c: {  	s7 =	sld [smem:$0x3FAE]  }
0x2d: {  	s3 =	simm.s32 $0x108;
	s8 =	sld [smem:$0x3FAF]  }
0x2e: {  	s3 =	simm.s32 @!p0 $0x1082;
	s9 =	sld [smem:$0x3FB0]  }
0x2f: {  	lr =	sadd.s32 s0, s3;
	s0 =	sld [smem:$0x3FA7]  }
0x30: {  	s3 =	sld [smem:$0x3FAA]  }
0x31: {  	[smem:$0x3FB3] =	sst s10  }
0x32: {  	s10 =	sld [smem:$0x3FB1];
	_ =	sdelay $0x3  }
0x33: {  	p0 =	seq.s32 s10, $0x1;
	s10 =	sld [smem:$0x3FB3];
	_ =	sdelay $0x3  }
0x34: {  	[smem:$0x3FB3] =	sst s10  }
0x35: {  	s10 =	sld [smem:$0x3FB2];
	_ =	sdelay $0x3  }
0x36: {  	p1 =	seq.s32 s10, $0x1;
	s10 =	sld [smem:$0x3FB3];
	_ =	sdelay $0x3  }
0x37: {  	[smem:$0x3FB3] =	sst s10  }
0x38: {  	s10 =	sld [smem:$0x3FB4]  }
0x39: {  	_ = 	snop;
	(pc) =	sbr.ind lr, $3  }
0x3a: {  	_ = 	snop  }
0x3b: {  	_ = 	snop  }
0x3c: {  	p2 =	seq.s32 s10, $0x1;
	s10 =	sld [smem:$0x3FB3]  }
0x3d: {  	_ =	shalt  }
0x3e: {  	_ =	shalt  }
0x3f: {  	_ =	shalt  }
0x40: {  	_ =	shalt  }
0x41: {  	_ =	shalt  }
0x42: {  	_ =	shalt  }
0x43: {  	_ =	shalt  }
0x44: {  	_ =	shalt  }
0x45: {  	_ =	shalt  }
0x46: {  	_ =	shalt  }
0x47: {  	_ =	shalt  }
0x48: {  	_ =	shalt  }
0x49: {  	_ =	shalt  }
0x4a: {  	_ =	shalt  }
0x4b: {  	_ =	shalt  }
0x4c: {  	_ =	shalt  }
0x4d: {  	_ =	shalt  }
0x4e: {  	_ =	shalt  }
0x4f: {  	_ =	shalt  }
0x50: {  	_ =	shalt  }
0x51: {  	_ =	shalt  }
0x52: {  	_ =	shalt  }
0x53: {  	_ =	shalt  }
0x54: {  	_ =	shalt  }
0x55: {  	_ =	shalt  }
0x56: {  	_ =	shalt  }
0x57: {  	_ =	shalt  }
0x58: {  	_ =	shalt  }
0x59: {  	_ =	shalt  }
0x5a: {  	_ =	shalt  }
0x5b: {  	_ =	shalt  }
0x5c: {  	_ =	shalt  }
0x5d: {  	_ =	shalt  }
0x5e: {  	_ =	shalt  }
0x5f: {  	_ =	shalt  }
0x60: {  	_ =	shalt  }
0x61: {  	_ =	shalt  }
0x62: {  	_ =	shalt  }
0x63: {  	_ =	shalt  }
0x64: {  	_ =	shalt  }
0x65: {  	_ =	shalt  }
0x66: {  	_ =	shalt  }
0x67: {  	_ =	shalt  }
0x68: {  	_ =	shalt  }
0x69: {  	_ =	shalt  }
0x6a: {  	_ =	shalt  }
0x6b: {  	_ =	shalt  }
0x6c: {  	_ =	shalt  }
0x6d: {  	_ =	shalt  }
0x6e: {  	_ =	shalt  }
0x6f: {  	_ =	shalt  }
0x70: {  	_ =	shalt  }
0x71: {  	_ =	shalt  }
0x72: {  	_ =	shalt  }
0x73: {  	_ =	shalt  }
0x74: {  	_ =	shalt  }
0x75: {  	_ =	shalt  }
0x76: {  	_ =	shalt  }
0x77: {  	_ =	shalt  }
0x78: {  	_ =	shalt  }
0x79: {  	_ =	shalt  }
0x7a: {  	_ =	shalt  }
0x7b: {  	_ =	shalt  }
0x7c: {  	_ =	shalt  }
0x7d: {  	_ =	shalt  }
0x7e: {  	_ =	shalt  }
0x7f: {  	_ =	shalt  }
0x80: {  	_ =	shalt  }
0x81: {  	_ =	shalt  }
0x82: {  	_ =	shalt  }
0x83: {  	_ =	shalt  }
0x84: {  	_ =	shalt  }
0x85: {  	_ =	shalt  }
0x86: {  	_ =	shalt  }
0x87: {  	_ =	shalt  }
.Lfunc_end0:
.L_simem_size_0:
called_computation.2_lowered:
.L_overlay_start_0:
0x88: {  	s2 =	sld [smem:$0x3FD9]  }
0x89: {  	s3 =	sld [smem:$0x3FFE];
	_ =	sdelay $0x1  }
0x8a: {  	s1 =	srdreg.scid  }
0x8b: {  	s0 =	sand.u32 $0x1, s1  }
0x8c: {  	s16 =	sshll.u32 s0, $0xA;
	s2 =	sadd.s32 s3, s2  }
0x8d: {  	s2 =	sadd.s32 s2, s16  }
0x8e: {  	[smem:$0x3FBF] =	sst s2  }
0x8f: {  	_ = 	snop  }
0x90: {  	(tm) =	ssettm $0x1  }
0x91: {  	s17 =	sld [smem:$0x3FFB];
	_ =	sdelay $0x3  }
0x92: {  	_ =	strace s17  }
0x93: {  	s2 =	sld [smem:$0x3FFC];
	_ =	sdelay $0x3  }
0x94: {  	_ =	strace s2  }
0x95: {  	s2 =	sld [smem:$0x3FFD];
	_ =	sdelay $0x3  }
0x96: {  	_ =	strace s2  }
0x97: {  	_ =	strace $0x8FFFFFFF  }
0x98: {  	s18 =	sld [smem:$0x3FDB];
	_ =	sdelay $0x1  }
0x99: {  	s19 =	simm.s32 $_scs_section_size  }
0x9a: {  	s4 =	simm.s32 $_size__tile_overlayer_lowered;
	s5 =	simm.s32 $_tile_overlayer_lowered  }
0x9b: {  	s22 =	simm.s32 $0x1BFF;
	s21 =	sshll.u32 s5, $0x1;
	s2 =	sadd.s32 s19, s18  }
0x9c: {  	s6 =	simm.s32 $0x0;
	s20 =	sshll.u32 s4, $0x1;
	s4 =	sadd.s32 s21, s2  }
0x9d: {  	[timem:s6], [sflag:s22] =	dma.local [hbm:s4], s20  }
0x9e: {  	_ =	swait.ge [sflag:s22], s20  }
0x9f: {  	s3 =	ssub.s32 $0x0, s20;
	[sflag:s22] =	ssyncset.done $0x0  }
0xa0: {  	[sflag:s22] =	ssyncadd.s32 s3;
	_ =	sdelay $0x1  }
0xa1: {  	s23 =	simm.s32 $0x1B8B  }
0xa2: {  	_ =	swait.ge [sflag:s23], $0x1  }
0xa3: {  	[sflag:s23] =	ssyncset.done $0x0  }
0xa4: {  	s25 =	simm.s32 $0x1B8E;
	s24 =	sld [smem:$0x3FFE];
	[sflag:s23] =	ssyncadd.s32 $0xFFFFFFFF  }
0xa5: {  	s26 =	simm.s32 $execute0_lowered;
	[smem:$0x3FD2] =	sst s25  }
0xa6: {  	s4 =	sshll.u32 s26, $0x1;
	_ =	strace $0x8000004C;
	[dreg:$0x1] =	wrdreg $0xFFFFFFFF  }
0xa7: {  	s28 =	simm.s32 $_size_execute0_lowered;
	s2 =	sadd.s32 s2, s4;
	[dreg:$0x0] =	wrdreg $0x0  }
0xa8: {  	s4 =	sshll.u32 s28, $0x1;
	[dreg:$0x2] =	wrdreg s2  }
0xa9: {  	[dreg:$0x3] =	wrdreg s4  }
0xaa: {  	[dreg:$0x4] =	wrdreg $0xC0  }
0xab: {  	_ =	task [dreg:s6], $0x5FFFF  }
0xac: {  	[dreg:$0x1] =	wrdreg $0xFFFFFFFF  }
0xad: {  	[dreg:$0x0] =	wrdreg $0x60  }
0xae: {  	[dreg:$0x2] =	wrdreg s24  }
0xaf: {  	[dreg:$0x3] =	wrdreg $0x158000  }
0xb0: {  	[dreg:$0x4] =	wrdreg $0x9  }
0xb1: {  	_ =	task.clear_ibuf [dreg:s6], $0x5FFFF;
	_ =	strace $0x9000004C  }
0xb2: {  	s29 =	simm.s32 $0x9;
	_ =	strace $0x8000004E  }
0xb3: {  	_ =	swait.ge [sflag:s29], $0x1  }
0xb4: {  	[sflag:s29] =	ssyncadd.s32 $0xFFFFFFFF  }
0xb5: {  	_ =	strace $0x9000004E  }
0xb6: {  	_ =	sfence  }
0xb7: {  	s30 =	sld [smem:$0x0];
	_ =	sdelay $0x2  }
0xb8: {  	s31 =	sshll.u32 s1, $0xD;
	s1 =	sshrl.u32 s1, $0x2  }
0xb9: {  	s3 =	sand.u32 $0x4000, s31;
	s1 =	sadd.s32 s1, s30  }
0xba: {  	s0 =	sor.u32 s3, s0;
	s1 =	sshll.u32 s1, $0x11  }
0xbb: {  	s0 =	sor.u32 s1, s0  }
0xbc: {  	s0 =	sadd.s32 $0x8F2B, s0  }
0xbd: {  	[sflag:s0] =	ssyncadd.remote.s32 $0x1  }
0xbe: {  	_ =	sfence.sel $0xFFFF  }
0xbf: {  	[dreg:$0x0] =	wrdreg $0xFFFFFFFF;
	(pc) =	sbr.abs _section_cstart, $3  }
0xc0: {  	[dreg:$0x1] =	wrdreg $0xFFFFFFFF  }
0xc1: {  	_ =	task.clear_ibuf [dreg:s6], $0x2FFFF;
	_ =	strace $0x9FFFFFFF  }
0xc2: {  	(tm) =	ssettm $0x7FFFFFFF  }
0xc3: {  	_ =	shalt  }
tec
execute0_lowered:
.L_overlay_start_1:
0x0: {  	(tag) =	ssettag $0x1  }
0x1: {  	s5 =	rddreg [dreg:$0x0]  }
0x2: {  	s0 =	srdreg.scid;
	s2 =	rddreg [dreg:$0x1];
	s3 =	simm.s32 $0x0  }
0x3: {  	s8 =	stileid.u32;
	s0 =	sand.u32 $0x1, s0;
	[smem:$0x7FF] =	sst s3  }
0x4: {  	s7 =	smul.u32 $0xA000, s8;
	s4 =	sadd.s32 $0x65A00, s5;
	s1 =	sshll.u32 s0, $0x4  }
0x5: {  	s6 =	smul.u32 $0xA0000, s0;
	s0 =	ssub.s32 $0x2, s0;
	s1 =	sor.u32 s8, s1  }
0x6: {  	_ =	strace $0x8000004D;
	s9 =	sshrl.u32 s0, $0x1;
	s1 =	smul.u32 $0x500, s1  }
0x7: {  	s8 =	smul.u32 $0x28000, s8;
	s6 =	sadd.s32 s7, s6;
	s0 =	ssub.s32 s0, s9  }
0x8: {  	s6 =	sshrl.u32 s6, $0x3;
	s0 =	smax.u32 s0, $0x1;
	s1 =	sadd.s32 s1, s5  }
0x9: {  	s8 =	sshrl.u32 s8, $0x2;
	[dreg:$0x6] =	wrdreg s0;
	s26 =	sadd.s32 $0x1A00, s1  }
0xa: {  	s6 =	sadd.s32 s6, s5;
	s1 =	sadd.s32 $0xBA00, s1;
	[dreg:$0x3] =	wrdreg s26  }
0xb: {  	s5 =	sadd.s32 s8, s2;
	s9 =	sadd.s32 $0x79A00, s6;
	[dreg:$0x4] =	wrdreg s1  }
0xc: {  	s11 =	sadd.s32 $0x800, s5;
	[dreg:$0x5] =	wrdreg s9  }
0xd: {  	s12 =	sadd.s32 $0x1000, s5;
	[dreg:$0x7] =	wrdreg s11  }
0xe: {  	s13 =	sadd.s32 $0x1800, s5;
	[dreg:$0x8] =	wrdreg s12  }
0xf: {  	s14 =	sadd.s32 $0x2000, s5;
	[dreg:$0x9] =	wrdreg s13  }
0x10: {  	s15 =	sadd.s32 $0x2800, s5;
	[dreg:$0xa] =	wrdreg s14  }
0x11: {  	s31 =	simm.s32 $0x15000;
	s16 =	sadd.s32 $0x3000, s5;
	[dreg:$0xb] =	wrdreg s15  }
0x12: {  	s10 =	sadd.s32 s7, s2;
	s17 =	sadd.s32 $0x3800, s5;
	[dreg:$0xc] =	wrdreg s16  }
0x13: {  	s7 =	simm.s32 $0x9000;
	s18 =	sadd.s32 $0x4000, s5;
	[dreg:$0xd] =	wrdreg s17  }
0x14: {  	s0 =	simm.s32 $0x80;
	s19 =	sadd.s32 $0x4800, s5;
	[dreg:$0xe] =	wrdreg s18  }
0x15: {  	s8 =	simm.s32 $0xD000;
	s20 =	sadd.s32 $0x5000, s5;
	[dreg:$0xf] =	wrdreg s19  }
0x16: {  	s21 =	sadd.s32 $0x5800, s5;
	s22 =	sadd.s32 $0x6000, s5;
	[dreg:$0x10] =	wrdreg s20  }
0x17: {  	s23 =	sadd.s32 $0x6800, s5;
	s24 =	sadd.s32 $0x7000, s5;
	[dreg:$0x11] =	wrdreg s21  }
0x18: {  	s25 =	sadd.s32 $0x7800, s5;
	s28 =	sadd.s32 $0x8800, s5;
	[dreg:$0x12] =	wrdreg s22  }
0x19: {  	s29 =	sadd.s32 $0x9000, s5;
	s30 =	sadd.s32 $0x9800, s5;
	[dreg:$0x13] =	wrdreg s23  }
.Ltmp0:
0x1a: {  	s6 =	simm.s32 $0x5000;
	[dreg:$0x14] =	wrdreg s24;
	(pc) =	sbr.rel .LBB2_1-.Ltmp0, $4  }
0x1b: {  	[dreg:$0x15] =	wrdreg s25;
	s26 =	sshrl.u32 s10, $0x3;
	s1 =	simm.s32 $0x9  }
0x1c: {  	s9 =	simm.s32 $0x11000;
	s10 =	simm.s32 $0x13000;
	s11 =	simm.s32 $0x1  }
0x1d: {  	s12 =	simm.s32 $0x3;
	s13 =	simm.s32 $0x5;
	s14 =	simm.s32 $0x7  }
0x1e: {  	v0 =	vimm.f32 $0.0e+00;
	s15 =	simm.s32 $0x8;
	[dreg:$0x16] =	wrdreg s26;
	s26 =	sadd.s32 $0x8000, s5  }
.LBB2_6:
0x1f: {  	_ =	swait.ge [sflag:s15], $0x2000  }
0x20: {  	[sflag:s15] =	ssyncset.done $0x0  }
0x21: {  	[sflag:s15] =	ssyncadd.s32 $0xFFFFE000  }
0x22: {  	[spmem:s2] =	stream.indirect.scatter.add.f32 [tilespmem:s10], [sflag:$0x9], $0x40, s18, s0, $0xb8;
	[tilespmem:$0x1F800] =	vst v63  }
0x23: {  	_ =	swait.ge [sflag:s1], $0x2000  }
0x24: {  	[sflag:s1] =	ssyncset.done $0x0  }
0x25: {  	[sflag:s1] =	ssyncadd.s32 $0xFFFFE000  }
0x26: {  	s16 =	stileid.u32;
	[bflag:$0x0] =	sbarrier.arrive $0xFFFF  }
0x27: {  	s16 =	sshll.u32 s16, $0x6;
	s17 =	rddreg [dreg:$0x5]  }
0x28: {  	s16 =	sor.u32 $0x1C09, s16;
	s24 =	rddreg [dreg:$0x16]  }
0x29: {  	[hbm:s17], [sflag:s16] =	dma.local [spmem:s24], $0x1400  }
0x2a: {  	_ =	swait.ge [sflag:s1], $0x1400  }
0x2b: {  	s3 =	sadd.s32 $0x1, s3;
	s25 =	rddreg [dreg:$0x6]  }
0x2c: {  	p0 =	sne.s32 s3, s25  }
.Ltmp1:
0x2d: {  	_ = 	snop;
	(pc) =	sbr.rel @!p0 .LBB2_7-.Ltmp1, $3  }
0x2e: {  	_ =	sdelay $0x1  }
0x2f: {  	[sflag:s1] =	ssyncset.done $0x0  }
0x30: {  	[sflag:s1] =	ssyncadd.s32 $0xFFFFEC00  }
.LBB2_1:
0x31: {  	s17 =	simm.s32 $0x100;
	s16 =	simm.s32 $0x0  }
.LBB2_2:
0x32: {  	p0 =	sne.s32 s17, $0x1F00;
	[tilespmem:s16+$0x15030] =	vst v0;
	s18 =	smov.u32 s17;
	s17 =	sadd.s32 $0x100, s17  }
.Ltmp2:
0x33: {  	[tilespmem:s16+$0x15020] =	vst v0;
	(pc) =	sbr.rel @p0 .LBB2_2-.Ltmp2, $3  }
0x34: {  	[tilespmem:s16+$0x15000] =	vst v0  }
0x35: {  	[tilespmem:s16+$0x15010] =	vst v0;
	_ =	sdelay $0x1  }
0x36: {  	s16 =	sshra.s32 s18, $0x2  }
0x37: {  	[tilespmem:s16+$0x15030] =	vst v0  }
0x38: {  	[tilespmem:s16+$0x15020] =	vst v0  }
0x39: {  	[tilespmem:s16+$0x15000] =	vst v0  }
0x3a: {  	[tilespmem:s16+$0x15010] =	vst v0  }
0x3b: {  	[spmem:s5] =	stream.linear.scatter [tilespmem:s31], [sflag:$0x9], $0x800, $0x38;
	[tilespmem:$0x1F800] =	vst v63  }
0x3c: {  	_ =	swait.ge [sflag:s1], $0x800  }
0x3d: {  	[sflag:s1] =	ssyncset.done $0x0  }
0x3e: {  	s18 =	rddreg [dreg:$0x7];
	[sflag:s1] =	ssyncadd.s32 $0xFFFFF800  }
0x3f: {  	[spmem:s18] =	stream.linear.scatter [tilespmem:s31], [sflag:$0x9], $0x800, $0x38;
	[tilespmem:$0x1F800] =	vst v63  }
0x40: {  	_ =	swait.ge [sflag:s1], $0x800  }
0x41: {  	[sflag:s1] =	ssyncset.done $0x0  }
0x42: {  	s19 =	rddreg [dreg:$0x8];
	[sflag:s1] =	ssyncadd.s32 $0xFFFFF800  }
0x43: {  	[spmem:s19] =	stream.linear.scatter [tilespmem:s31], [sflag:$0x9], $0x800, $0x38;
	[tilespmem:$0x1F800] =	vst v63  }
0x44: {  	_ =	swait.ge [sflag:s1], $0x800  }
0x45: {  	[sflag:s1] =	ssyncset.done $0x0  }
0x46: {  	s20 =	rddreg [dreg:$0x9];
	[sflag:s1] =	ssyncadd.s32 $0xFFFFF800  }
0x47: {  	[spmem:s20] =	stream.linear.scatter [tilespmem:s31], [sflag:$0x9], $0x800, $0x38;
	[tilespmem:$0x1F800] =	vst v63  }
0x48: {  	_ =	swait.ge [sflag:s1], $0x800  }
0x49: {  	[sflag:s1] =	ssyncset.done $0x0  }
0x4a: {  	s21 =	rddreg [dreg:$0xa];
	[sflag:s1] =	ssyncadd.s32 $0xFFFFF800  }
0x4b: {  	[spmem:s21] =	stream.linear.scatter [tilespmem:s31], [sflag:$0x9], $0x800, $0x38;
	[tilespmem:$0x1F800] =	vst v63  }
0x4c: {  	_ =	swait.ge [sflag:s1], $0x800  }
0x4d: {  	[sflag:s1] =	ssyncset.done $0x0  }
0x4e: {  	s22 =	rddreg [dreg:$0xb];
	[sflag:s1] =	ssyncadd.s32 $0xFFFFF800  }
0x4f: {  	[spmem:s22] =	stream.linear.scatter [tilespmem:s31], [sflag:$0x9], $0x800, $0x38;
	[tilespmem:$0x1F800] =	vst v63  }
0x50: {  	_ =	swait.ge [sflag:s1], $0x800  }
0x51: {  	[sflag:s1] =	ssyncset.done $0x0  }
0x52: {  	s23 =	rddreg [dreg:$0xc];
	[sflag:s1] =	ssyncadd.s32 $0xFFFFF800  }
0x53: {  	[spmem:s23] =	stream.linear.scatter [tilespmem:s31], [sflag:$0x9], $0x800, $0x38;
	[tilespmem:$0x1F800] =	vst v63  }
0x54: {  	_ =	swait.ge [sflag:s1], $0x800  }
0x55: {  	[sflag:s1] =	ssyncset.done $0x0  }
0x56: {  	s24 =	rddreg [dreg:$0xd];
	[sflag:s1] =	ssyncadd.s32 $0xFFFFF800  }
0x57: {  	[spmem:s24] =	stream.linear.scatter [tilespmem:s31], [sflag:$0x9], $0x800, $0x38;
	[tilespmem:$0x1F800] =	vst v63  }
0x58: {  	_ =	swait.ge [sflag:s1], $0x800  }
0x59: {  	[sflag:s1] =	ssyncset.done $0x0  }
0x5a: {  	s25 =	rddreg [dreg:$0xe];
	[sflag:s1] =	ssyncadd.s32 $0xFFFFF800  }
0x5b: {  	[spmem:s25] =	stream.linear.scatter [tilespmem:s31], [sflag:$0x9], $0x800, $0x38;
	[tilespmem:$0x1F800] =	vst v63  }
0x5c: {  	_ =	swait.ge [sflag:s1], $0x800  }
0x5d: {  	[sflag:s1] =	ssyncset.done $0x0  }
0x5e: {  	s17 =	rddreg [dreg:$0xf];
	[sflag:s1] =	ssyncadd.s32 $0xFFFFF800  }
0x5f: {  	[spmem:s17] =	stream.linear.scatter [tilespmem:s31], [sflag:$0x9], $0x800, $0x38;
	[tilespmem:$0x1F800] =	vst v63  }
0x60: {  	_ =	swait.ge [sflag:s1], $0x800  }
0x61: {  	[sflag:s1] =	ssyncset.done $0x0  }
0x62: {  	s18 =	rddreg [dreg:$0x10];
	[sflag:s1] =	ssyncadd.s32 $0xFFFFF800  }
0x63: {  	[spmem:s18] =	stream.linear.scatter [tilespmem:s31], [sflag:$0x9], $0x800, $0x38;
	[tilespmem:$0x1F800] =	vst v63  }
0x64: {  	_ =	swait.ge [sflag:s1], $0x800  }
0x65: {  	[sflag:s1] =	ssyncset.done $0x0  }
0x66: {  	s19 =	rddreg [dreg:$0x11];
	[sflag:s1] =	ssyncadd.s32 $0xFFFFF800  }
0x67: {  	[spmem:s19] =	stream.linear.scatter [tilespmem:s31], [sflag:$0x9], $0x800, $0x38;
	[tilespmem:$0x1F800] =	vst v63  }
0x68: {  	_ =	swait.ge [sflag:s1], $0x800  }
0x69: {  	[sflag:s1] =	ssyncset.done $0x0  }
0x6a: {  	s20 =	rddreg [dreg:$0x12];
	[sflag:s1] =	ssyncadd.s32 $0xFFFFF800  }
0x6b: {  	[spmem:s20] =	stream.linear.scatter [tilespmem:s31], [sflag:$0x9], $0x800, $0x38;
	[tilespmem:$0x1F800] =	vst v63  }
0x6c: {  	_ =	swait.ge [sflag:s1], $0x800  }
0x6d: {  	[sflag:s1] =	ssyncset.done $0x0  }
0x6e: {  	s21 =	rddreg [dreg:$0x13];
	[sflag:s1] =	ssyncadd.s32 $0xFFFFF800  }
0x6f: {  	[spmem:s21] =	stream.linear.scatter [tilespmem:s31], [sflag:$0x9], $0x800, $0x38;
	[tilespmem:$0x1F800] =	vst v63  }
0x70: {  	_ =	swait.ge [sflag:s1], $0x800  }
0x71: {  	[sflag:s1] =	ssyncset.done $0x0  }
0x72: {  	s22 =	rddreg [dreg:$0x14];
	[sflag:s1] =	ssyncadd.s32 $0xFFFFF800  }
0x73: {  	[spmem:s22] =	stream.linear.scatter [tilespmem:s31], [sflag:$0x9], $0x800, $0x38;
	[tilespmem:$0x1F800] =	vst v63  }
0x74: {  	_ =	swait.ge [sflag:s1], $0x800  }
0x75: {  	[sflag:s1] =	ssyncset.done $0x0  }
0x76: {  	s23 =	rddreg [dreg:$0x15];
	[sflag:s1] =	ssyncadd.s32 $0xFFFFF800  }
0x77: {  	[spmem:s23] =	stream.linear.scatter [tilespmem:s31], [sflag:$0x9], $0x800, $0x38;
	[tilespmem:$0x1F800] =	vst v63  }
0x78: {  	_ =	swait.ge [sflag:s1], $0x800  }
0x79: {  	[sflag:s1] =	ssyncset.done $0x0  }
0x7a: {  	[sflag:s1] =	ssyncadd.s32 $0xFFFFF800  }
0x7b: {  	[spmem:s26] =	stream.linear.scatter [tilespmem:s31], [sflag:$0x9], $0x800, $0x38;
	[tilespmem:$0x1F800] =	vst v63  }
0x7c: {  	_ =	swait.ge [sflag:s1], $0x800  }
0x7d: {  	[sflag:s1] =	ssyncset.done $0x0  }
0x7e: {  	[sflag:s1] =	ssyncadd.s32 $0xFFFFF800  }
0x7f: {  	[spmem:s28] =	stream.linear.scatter [tilespmem:s31], [sflag:$0x9], $0x800, $0x38;
	[tilespmem:$0x1F800] =	vst v63  }
0x80: {  	_ =	swait.ge [sflag:s1], $0x800  }
0x81: {  	[sflag:s1] =	ssyncset.done $0x0  }
0x82: {  	[sflag:s1] =	ssyncadd.s32 $0xFFFFF800  }
0x83: {  	[spmem:s29] =	stream.linear.scatter [tilespmem:s31], [sflag:$0x9], $0x800, $0x38;
	[tilespmem:$0x1F800] =	vst v63  }
0x84: {  	_ =	swait.ge [sflag:s1], $0x800  }
0x85: {  	[sflag:s1] =	ssyncset.done $0x0  }
0x86: {  	[sflag:s1] =	ssyncadd.s32 $0xFFFFF800  }
0x87: {  	[spmem:s30] =	stream.linear.scatter [tilespmem:s31], [sflag:$0x9], $0x800, $0x38;
	[tilespmem:$0x1F800] =	vst v63  }
0x88: {  	_ =	swait.ge [sflag:s1], $0x800  }
0x89: {  	[sflag:s1] =	ssyncset.done $0x0  }
0x8a: {  	s16 =	simm.s32 $0x0;
	s17 =	rddreg [dreg:$0x3];
	[sflag:s1] =	ssyncadd.s32 $0xFFFFF800  }
0x8b: {  	[tilespmem:s16], [sflag:$0x9] =	stream.linear.gather [hbm4b:s17+s16], $0x2800, $0x38;
	[tilespmem:$0x1F800] =	vst v63  }
0x8c: {  	_ =	swait.ge [sflag:s1], $0x2800  }
0x8d: {  	[sflag:s1] =	ssyncset.done $0x0  }
0x8e: {  	s18 =	simm.s32 $0x2800;
	s24 =	rddreg [dreg:$0x4];
	[sflag:s1] =	ssyncadd.s32 $0xFFFFD800  }
0x8f: {  	[tilespmem:s18], [sflag:$0x9] =	stream.linear.gather [hbm4b:s24+s16], $0x2800, $0x38;
	[tilespmem:$0x1F800] =	vst v63  }
0x90: {  	_ =	swait.ge [sflag:s1], $0x2800  }
0x91: {  	[sflag:s1] =	ssyncset.done $0x0  }
0x92: {  	[sflag:s1] =	ssyncadd.s32 $0xFFFFD800  }
0x93: {  	[bflag:$0x0] =	sbarrier.arrive $0xFFFF  }
0x94: {  	[tilespmem:s6], [sflag:$0x1] =	stream.indirect.gather [hbm4b:s4+s0], $0x40, s16, s0, $0xb8;
	[tilespmem:$0x1F800] =	vst v63  }
0x95: {  	s25 =	simm.s32 $0x7000  }
0x96: {  	[tilespmem:s25], [sflag:$0x2] =	stream.indirect.gather [hbm4b:s4+s0], $0x40, s0, s0, $0xb8;
	[tilespmem:$0x1F800] =	vst v63  }
0x97: {  	s18 =	simm.s32 $0x100  }
0x98: {  	[tilespmem:s7], [sflag:$0x3] =	stream.indirect.gather [hbm4b:s4+s0], $0x40, s18, s0, $0xb8;
	[tilespmem:$0x1F800] =	vst v63  }
0x99: {  	s19 =	simm.s32 $0x180;
	s20 =	simm.s32 $0xB000  }
0x9a: {  	[tilespmem:s20], [sflag:$0x4] =	stream.indirect.gather [hbm4b:s4+s0], $0x40, s19, s0, $0xb8;
	[tilespmem:$0x1F800] =	vst v63  }
0x9b: {  	s21 =	simm.s32 $0x200  }
0x9c: {  	[tilespmem:s8], [sflag:$0x5] =	stream.indirect.gather [hbm4b:s4+s0], $0x40, s21, s0, $0xb8;
	[tilespmem:$0x1F800] =	vst v63  }
0x9d: {  	s22 =	simm.s32 $0x280;
	s23 =	simm.s32 $0xF000  }
0x9e: {  	[tilespmem:s23], [sflag:$0x6] =	stream.indirect.gather [hbm4b:s4+s0], $0x40, s22, s0, $0xb8;
	[tilespmem:$0x1F800] =	vst v63  }
0x9f: {  	s24 =	simm.s32 $0x300  }
0xa0: {  	[tilespmem:s9], [sflag:$0x7] =	stream.indirect.gather [hbm4b:s4+s0], $0x40, s24, s0, $0xb8;
	[tilespmem:$0x1F800] =	vst v63  }
0xa1: {  	s25 =	simm.s32 $0x380  }
0xa2: {  	[tilespmem:s10], [sflag:$0x8] =	stream.indirect.gather [hbm4b:s4+s0], $0x40, s25, s0, $0xb8;
	[tilespmem:$0x1F800] =	vst v63  }
.LBB2_4:
0xa3: {  	_ =	swait.ge [sflag:s11], $0x2000  }
0xa4: {  	s17 =	sshra.s32 s16, $0x2;
	[sflag:s11] =	ssyncset.done $0x0  }
0xa5: {  	s18 =	sadd.s32 $0x2800, s17;
	[sflag:s11] =	ssyncadd.s32 $0xFFFFE000  }
0xa6: {  	[spmem:s2] =	stream.indirect.scatter.add.f32 [tilespmem:s6], [sflag:$0x9], $0x40, s18, s0, $0xb8;
	[tilespmem:$0x1F800] =	vst v63  }
0xa7: {  	_ =	swait.ge [sflag:s1], $0x2000  }
0xa8: {  	p0 =	seq.s32 s16, $0x9000;
	[sflag:s1] =	ssyncset.done $0x0  }
0xa9: {  	s18 =	simm.s32 @p0 $0x2;
	[sflag:s1] =	ssyncadd.s32 $0xFFFFE000  }
0xaa: {  	s20 =	sshra.s32 @p0 s16, $0x2;
	_ =	swait.ge @p0 [sflag:s18], $0x2000  }
0xab: {  	s21 =	simm.s32 @p0 $0x80;
	s19 =	simm.s32 @p0 $0x7000;
	[sflag:s18] =	ssyncset.done @p0 $0x0  }
0xac: {  	s22 =	simm.s32 @p0 $0x9;
	[sflag:s18] =	ssyncadd.s32 @p0 $0xFFFFE000;
	s18 =	sadd.s32 @p0 $0x2880, s20  }
0xad: {  	[spmem:s2] =	stream.indirect.scatter.add.f32 @p0 [tilespmem:s19], [sflag:$0x9], $0x40, s18, s21, $0xb8;
	[tilespmem:$0x1F800] =	vst v63  }
0xae: {  	_ =	swait.ge @p0 [sflag:s22], $0x2000  }
0xaf: {  	s24 =	simm.s32 @!p0 $0x5000;
	s18 =	sshra.s32 @!p0 s16, $0x2;
	[sflag:s22] =	ssyncset.done @p0 $0x0  }
0xb0: {  	s19 =	simm.s32 @!p0 $0x80;
	s23 =	sadd.s32 @!p0 $0x400, s18;
	[sflag:s22] =	ssyncadd.s32 @p0 $0xFFFFE000  }
0xb1: {  	[tilespmem:s24], [sflag:$0x1] =	stream.indirect.gather @!p0 [hbm4b:s4+s19], $0x40, s23, s19, $0xb8;
	[tilespmem:$0x1F800] =	vst v63  }
0xb2: {  	s23 =	simm.s32 @!p0 $0x2  }
0xb3: {  	_ =	swait.ge @!p0 [sflag:s23], $0x2000  }
0xb4: {  	[sflag:s23] =	ssyncset.done @!p0 $0x0  }
0xb5: {  	s24 =	simm.s32 @!p0 $0x7000;
	[sflag:s23] =	ssyncadd.s32 @!p0 $0xFFFFE000;
	s23 =	sadd.s32 @!p0 $0x2880, s18  }
0xb6: {  	[spmem:s2] =	stream.indirect.scatter.add.f32 @!p0 [tilespmem:s24], [sflag:$0x9], $0x40, s23, s19, $0xb8;
	[tilespmem:$0x1F800] =	vst v63  }
0xb7: {  	s23 =	simm.s32 @!p0 $0x9  }
0xb8: {  	_ =	swait.ge @!p0 [sflag:s23], $0x2000  }
0xb9: {  	[sflag:s23] =	ssyncset.done @!p0 $0x0  }
0xba: {  	s25 =	sadd.s32 @!p0 $0x480, s18;
	[sflag:s23] =	ssyncadd.s32 @!p0 $0xFFFFE000  }
0xbb: {  	[tilespmem:s24], [sflag:$0x2] =	stream.indirect.gather @!p0 [hbm4b:s4+s19], $0x40, s25, s19, $0xb8;
	[tilespmem:$0x1F800] =	vst v63  }
0xbc: {  	_ =	swait.ge [sflag:s12], $0x2000  }
0xbd: {  	[sflag:s12] =	ssyncset.done $0x0  }
0xbe: {  	s25 =	sadd.s32 $0x2900, s17;
	[sflag:s12] =	ssyncadd.s32 $0xFFFFE000  }
0xbf: {  	[spmem:s2] =	stream.indirect.scatter.add.f32 [tilespmem:s7], [sflag:$0x9], $0x40, s25, s0, $0xb8;
	[tilespmem:$0x1F800] =	vst v63  }
0xc0: {  	_ =	swait.ge [sflag:s1], $0x2000  }
0xc1: {  	[sflag:s1] =	ssyncset.done $0x0  }
0xc2: {  	s24 =	simm.s32 @p0 $0x4;
	[sflag:s1] =	ssyncadd.s32 $0xFFFFE000  }
0xc3: {  	_ =	swait.ge @p0 [sflag:s24], $0x2000  }
0xc4: {  	[sflag:s24] =	ssyncset.done @p0 $0x0  }
0xc5: {  	s25 =	simm.s32 @p0 $0xB000;
	[sflag:s24] =	ssyncadd.s32 @p0 $0xFFFFE000;
	s24 =	sadd.s32 @p0 $0x2980, s20  }
0xc6: {  	[spmem:s2] =	stream.indirect.scatter.add.f32 @p0 [tilespmem:s25], [sflag:$0x9], $0x40, s24, s21, $0xb8;
	[tilespmem:$0x1F800] =	vst v63  }
0xc7: {  	_ =	swait.ge @p0 [sflag:s22], $0x2000  }
0xc8: {  	[sflag:s22] =	ssyncset.done @p0 $0x0  }
0xc9: {  	s24 =	sadd.s32 @!p0 $0x500, s18;
	s25 =	simm.s32 @!p0 $0x9000;
	[sflag:s22] =	ssyncadd.s32 @p0 $0xFFFFE000  }
0xca: {  	[tilespmem:s25], [sflag:$0x3] =	stream.indirect.gather @!p0 [hbm4b:s4+s19], $0x40, s24, s19, $0xb8;
	[tilespmem:$0x1F800] =	vst v63  }
0xcb: {  	s24 =	simm.s32 @!p0 $0x4  }
0xcc: {  	_ =	swait.ge @!p0 [sflag:s24], $0x2000  }
0xcd: {  	[sflag:s24] =	ssyncset.done @!p0 $0x0  }
0xce: {  	s25 =	simm.s32 @!p0 $0xB000;
	[sflag:s24] =	ssyncadd.s32 @!p0 $0xFFFFE000;
	s24 =	sadd.s32 @!p0 $0x2980, s18  }
0xcf: {  	[spmem:s2] =	stream.indirect.scatter.add.f32 @!p0 [tilespmem:s25], [sflag:$0x9], $0x40, s24, s19, $0xb8;
	[tilespmem:$0x1F800] =	vst v63  }
0xd0: {  	_ =	swait.ge @!p0 [sflag:s23], $0x2000  }
0xd1: {  	[sflag:s23] =	ssyncset.done @!p0 $0x0  }
0xd2: {  	s24 =	sadd.s32 @!p0 $0x580, s18;
	[sflag:s23] =	ssyncadd.s32 @!p0 $0xFFFFE000  }
0xd3: {  	[tilespmem:s25], [sflag:$0x4] =	stream.indirect.gather @!p0 [hbm4b:s4+s19], $0x40, s24, s19, $0xb8;
	[tilespmem:$0x1F800] =	vst v63  }
0xd4: {  	_ =	swait.ge [sflag:s13], $0x2000  }
0xd5: {  	[sflag:s13] =	ssyncset.done $0x0  }
0xd6: {  	s25 =	sadd.s32 $0x2A00, s17;
	[sflag:s13] =	ssyncadd.s32 $0xFFFFE000  }
0xd7: {  	[spmem:s2] =	stream.indirect.scatter.add.f32 [tilespmem:s8], [sflag:$0x9], $0x40, s25, s0, $0xb8;
	[tilespmem:$0x1F800] =	vst v63  }
0xd8: {  	_ =	swait.ge [sflag:s1], $0x2000  }
0xd9: {  	[sflag:s1] =	ssyncset.done $0x0  }
0xda: {  	s24 =	simm.s32 @p0 $0x6;
	[sflag:s1] =	ssyncadd.s32 $0xFFFFE000  }
0xdb: {  	_ =	swait.ge @p0 [sflag:s24], $0x2000  }
0xdc: {  	[sflag:s24] =	ssyncset.done @p0 $0x0  }
0xdd: {  	s20 =	sadd.s32 @p0 $0x2A80, s20;
	[sflag:s24] =	ssyncadd.s32 @p0 $0xFFFFE000;
	s24 =	simm.s32 @p0 $0xF000  }
0xde: {  	[spmem:s2] =	stream.indirect.scatter.add.f32 @p0 [tilespmem:s24], [sflag:$0x9], $0x40, s20, s21, $0xb8;
	[tilespmem:$0x1F800] =	vst v63  }
0xdf: {  	_ =	swait.ge @p0 [sflag:s22], $0x2000  }
0xe0: {  	[sflag:s22] =	ssyncset.done @p0 $0x0  }
0xe1: {  	s20 =	sadd.s32 @!p0 $0x600, s18;
	s21 =	simm.s32 @!p0 $0xD000;
	[sflag:s22] =	ssyncadd.s32 @p0 $0xFFFFE000  }
0xe2: {  	[tilespmem:s21], [sflag:$0x5] =	stream.indirect.gather @!p0 [hbm4b:s4+s19], $0x40, s20, s19, $0xb8;
	[tilespmem:$0x1F800] =	vst v63  }
0xe3: {  	s20 =	simm.s32 @!p0 $0x6  }
0xe4: {  	_ =	swait.ge @!p0 [sflag:s20], $0x2000  }
0xe5: {  	[sflag:s20] =	ssyncset.done @!p0 $0x0  }
0xe6: {  	s21 =	simm.s32 @!p0 $0xF000;
	[sflag:s20] =	ssyncadd.s32 @!p0 $0xFFFFE000;
	s20 =	sadd.s32 @!p0 $0x2A80, s18  }
0xe7: {  	[spmem:s2] =	stream.indirect.scatter.add.f32 @!p0 [tilespmem:s21], [sflag:$0x9], $0x40, s20, s19, $0xb8;
	[tilespmem:$0x1F800] =	vst v63  }
0xe8: {  	_ =	swait.ge @!p0 [sflag:s23], $0x2000  }
0xe9: {  	[sflag:s23] =	ssyncset.done @!p0 $0x0  }
0xea: {  	s18 =	sadd.s32 @!p0 $0x680, s18;
	[sflag:s23] =	ssyncadd.s32 @!p0 $0xFFFFE000  }
0xeb: {  	[tilespmem:s21], [sflag:$0x6] =	stream.indirect.gather @!p0 [hbm4b:s4+s19], $0x40, s18, s19, $0xb8;
	[tilespmem:$0x1F800] =	vst v63  }
0xec: {  	_ =	swait.ge [sflag:s14], $0x2000  }
0xed: {  	[sflag:s14] =	ssyncset.done $0x0  }
.Ltmp3:
0xee: {  	s25 =	sadd.s32 $0x2B00, s17;
	[sflag:s14] =	ssyncadd.s32 $0xFFFFE000;
	(pc) =	sbr.rel @p0 .LBB2_6-.Ltmp3, $4  }
0xef: {  	[spmem:s2] =	stream.indirect.scatter.add.f32 [tilespmem:s9], [sflag:$0x9], $0x40, s25, s0, $0xb8;
	[tilespmem:$0x1F800] =	vst v63  }
0xf0: {  	_ =	swait.ge [sflag:s1], $0x2000  }
0xf1: {  	[sflag:s1] =	ssyncset.done $0x0  }
0xf2: {  	s18 =	sadd.s32 $0x2B80, s17;
	[sflag:s1] =	ssyncadd.s32 $0xFFFFE000  }
0xf3: {  	s19 =	sadd.s32 $0x700, s17  }
0xf4: {  	[tilespmem:s9], [sflag:$0x7] =	stream.indirect.gather [hbm4b:s4+s0], $0x40, s19, s0, $0xb8;
	[tilespmem:$0x1F800] =	vst v63  }
0xf5: {  	_ =	swait.ge [sflag:s15], $0x2000  }
0xf6: {  	[sflag:s15] =	ssyncset.done $0x0  }
0xf7: {  	[sflag:s15] =	ssyncadd.s32 $0xFFFFE000  }
0xf8: {  	[spmem:s2] =	stream.indirect.scatter.add.f32 [tilespmem:s10], [sflag:$0x9], $0x40, s18, s0, $0xb8;
	[tilespmem:$0x1F800] =	vst v63  }
.Ltmp4:
0xf9: {  	_ = 	snop;
	(pc) =	sbr.rel .LBB2_4-.Ltmp4, $4  }
0xfa: {  	_ =	swait.ge [sflag:s1], $0x2000  }
0xfb: {  	[sflag:s1] =	ssyncset.done $0x0  }
0xfc: {  	s25 =	sadd.s32 $0x780, s17;
	s16 =	sadd.s32 $0x1000, s16;
	[sflag:s1] =	ssyncadd.s32 $0xFFFFE000  }
0xfd: {  	[tilespmem:s10], [sflag:$0x8] =	stream.indirect.gather [hbm4b:s4+s0], $0x40, s25, s0, $0xb8;
	[tilespmem:$0x1F800] =	vst v63  }
.LBB2_7:
0xfe: {  	_ =	sfence.sel $0x180000  }
0xff: {  	[bflag:$0x0] =	sbarrier.arrive $0xFFFF  }
0x100: {  	_ =	strace $0x9000004D  }
0x101: {  	s0 =	stileid.u32;
	[bflag:$0x2] =	sbarrier.arrive $0xFFFF  }
0x102: {  	p0 =	sne.s32 s0, $0x0;
	s0 =	rddreg [dreg:$0x2]  }
0x103: {  	s0 =	sadd.s32 @!p0 $0x100000, s0  }
0x104: {  	[sflag:s0] =	ssyncadd.tile.s32 @!p0 $0x1;
	_ =	shalt  }
.Lfunc_end2:
_tile_overlayer_lowered:
.L_overlay_start_2:
0x105: {  	(tag) =	ssettag $0x2  }
0x106: {  	s0 =	rddreg [dreg:$0x0];
	s2 =	stileid.u32  }
0x107: {  	s1 =	rddreg [dreg:$0x1];
	p0 =	sne.s32 s2, $0x0  }
0x108: {  	s3 =	rddreg [dreg:$0x2];
	[bflag:$0x3] =	sbarrier.arrive $0xFFFF;
	s2 =	simm.s32 @!p0 $0x1C09  }
0x109: {  	[timem:s3], [sflag:s2] =	dma.local @!p0 [hbm:s0], s1  }
0x10a: {  	s0 =	simm.s32 @!p0 $0x9  }
0x10b: {  	_ =	swait.ge @!p0 [sflag:s0], s1  }
0x10c: {  	s1 =	ssub.s32 @!p0 $0x0, s1;
	[sflag:s0] =	ssyncset.done @!p0 $0x0  }
0x10d: {  	[sflag:s0] =	ssyncadd.s32 @!p0 s1  }
0x10e: {  	[bflag:$0x3] =	sbarrier.arrive $0xFFFF  }
0x10f: {  	_ =	shalt  }

// kernel: kernel.8.cloned.1.call-start
scs
__scs_entry_jumppad:
0x0: {  	(pc) =	sbr.rel $0x88, $3  }
0x1: {  	(tag) =	ssettag $0x0;
	lr =	simm.s32 $0x1  }
0x2: {  	[smem:$0x3F98] =	sst lr;
	_ =	strace $0xD0000000  }
0x3: {  	_ = 	snop  }
0x4: {  	_ = 	snop  }
0x5: {  	_ = 	snop  }
0x6: {  	_ = 	snop  }
0x7: {  	_ = 	snop  }
__scs_overlays_trampoline_lowered:
0x8: {  	[smem:$0x3FA7] =	sst s0  }
0x9: {  	[smem:$0x3FA8] =	sst s1  }
0xa: {  	[smem:$0x3FA9] =	sst s2  }
0xb: {  	[smem:$0x3FAA] =	sst s3  }
0xc: {  	[smem:$0x3FAB] =	sst s4  }
0xd: {  	[smem:$0x3FAC] =	sst s5  }
0xe: {  	[smem:$0x3FAD] =	sst s6  }
0xf: {  	[smem:$0x3FAE] =	sst s7  }
0x10: {  	[smem:$0x3FAF] =	sst s8  }
0x11: {  	[smem:$0x3FB0] =	sst s9;
	s0 =	simm.s32 @!p0 $0x0  }
0x12: {  	s1 =	sld [smem:$0x3F96];
	s0 =	simm.s32 @p0 $0x1  }
0x13: {  	[smem:$0x3FB1] =	sst s0;
	s0 =	simm.s32 @!p1 $0x0  }
0x14: {  	s2 =	sld [smem:$0x3F95];
	s0 =	simm.s32 @p1 $0x1  }
0x15: {  	[smem:$0x3FB2] =	sst s0;
	s0 =	simm.s32 @!p2 $0x0  }
0x16: {  	s3 =	sld [smem:$0x3FDB];
	s0 =	simm.s32 @p2 $0x1  }
0x17: {  	s4 =	simm.s32 $0x1BF5;
	[smem:$0x3FB4] =	sst s0  }
0x18: {  	s0 =	sld [smem:$0x3F97];
	_ =	swait.ge [sflag:s4], $0x0  }
0x19: {  	s7 =	sld [smem:$0x3F98]  }
0x1a: {  	s8 =	sadd.s32 $0xFFFFE003, lr  }
0x1b: {  	s9 =	sadd.s32 $0xFFFFFEF7, lr;
	s5 =	simm.s32 $0xFFFFFFFF;
	p2 =	slt.u32 s8, $0xFFFFF086  }
0x1c: {  	p1 =	slt.u32 s9, $0xF7A;
	s5 =	simm.s32 @!p2 $0x0  }
0x1d: {  	s5 =	simm.s32 @p1 $0x1;
	p0 =	seq.s32 s7, s2  }
0x1e: {  	s7 =	smul.u32 @!p0 $0xF7A, s2;
	p2 =	seq.s32 @!p0 s5, $0x0  }
0x1f: {  	s9 =	smul.u32 $0xF7A, s1;
	s8 =	simm.s32 @!p0 $0x1BF5;
	p2 =	por !p2, p0  }
0x20: {  	[sflag:s8] =	ssyncset.s32 @!p0 $0xFFFFF086;
	s6 =	sadd.s32 @!p0 s3, s7;
	s7 =	simm.s32 @!p0 $0x108  }
0x21: {  	s3 =	sadd.s32 s3, s9;
	s6 =	sadd.s32 @!p0 $0x88, s6;
	s7 =	simm.s32 @p2 $0x1082  }
0x22: {  	[simem:s7], [sflag:s8] =	dma.local @!p0 [hbm:s6], $0xF7A  }
0x23: {  	s9 =	sor.u32 $0xD0000000, s2;
	s6 =	simm.s32 $0x108;
	_ =	swait.ge @!p0 [sflag:s8], $0x0  }
0x24: {  	s3 =	sadd.s32 $0x88, s3;
	s6 =	simm.s32 @!p1 $0x1082;
	[sflag:s4] =	ssyncset.s32 $0xFFFFF086  }
0x25: {  	[simem:s6], [sflag:s4] =	dma.local [hbm:s3], $0xF7A  }
0x26: {  	[smem:$0x3F98] =	sst s1;
	(tag) =	ssettag s2;
	_ =	strace s9  }
0x27: {  	s1 =	sld [smem:$0x3FA8]  }
0x28: {  	s2 =	sld [smem:$0x3FA9]  }
0x29: {  	s4 =	sld [smem:$0x3FAB]  }
0x2a: {  	p0 =	seq.s32 s5, $0x0;
	s5 =	sld [smem:$0x3FAC]  }
0x2b: {  	s6 =	sld [smem:$0x3FAD]  }
0x2c: {  	s7 =	sld [smem:$0x3FAE]  }
0x2d: {  	s3 =	simm.s32 $0x108;
	s8 =	sld [smem:$0x3FAF]  }
0x2e: {  	s3 =	simm.s32 @!p0 $0x1082;
	s9 =	sld [smem:$0x3FB0]  }
0x2f: {  	lr =	sadd.s32 s0, s3;
	s0 =	sld [smem:$0x3FA7]  }
0x30: {  	s3 =	sld [smem:$0x3FAA]  }
0x31: {  	[smem:$0x3FB3] =	sst s10  }
0x32: {  	s10 =	sld [smem:$0x3FB1];
	_ =	sdelay $0x3  }
0x33: {  	p0 =	seq.s32 s10, $0x1;
	s10 =	sld [smem:$0x3FB3];
	_ =	sdelay $0x3  }
0x34: {  	[smem:$0x3FB3] =	sst s10  }
0x35: {  	s10 =	sld [smem:$0x3FB2];
	_ =	sdelay $0x3  }
0x36: {  	p1 =	seq.s32 s10, $0x1;
	s10 =	sld [smem:$0x3FB3];
	_ =	sdelay $0x3  }
0x37: {  	[smem:$0x3FB3] =	sst s10  }
0x38: {  	s10 =	sld [smem:$0x3FB4]  }
0x39: {  	_ = 	snop;
	(pc) =	sbr.ind lr, $3  }
0x3a: {  	_ = 	snop  }
0x3b: {  	_ = 	snop  }
0x3c: {  	p2 =	seq.s32 s10, $0x1;
	s10 =	sld [smem:$0x3FB3]  }
0x3d: {  	_ =	shalt  }
0x3e: {  	_ =	shalt  }
0x3f: {  	_ =	shalt  }
0x40: {  	_ =	shalt  }
0x41: {  	_ =	shalt  }
0x42: {  	_ =	shalt  }
0x43: {  	_ =	shalt  }
0x44: {  	_ =	shalt  }
0x45: {  	_ =	shalt  }
0x46: {  	_ =	shalt  }
0x47: {  	_ =	shalt  }
0x48: {  	_ =	shalt  }
0x49: {  	_ =	shalt  }
0x4a: {  	_ =	shalt  }
0x4b: {  	_ =	shalt  }
0x4c: {  	_ =	shalt  }
0x4d: {  	_ =	shalt  }
0x4e: {  	_ =	shalt  }
0x4f: {  	_ =	shalt  }
0x50: {  	_ =	shalt  }
0x51: {  	_ =	shalt  }
0x52: {  	_ =	shalt  }
0x53: {  	_ =	shalt  }
0x54: {  	_ =	shalt  }
0x55: {  	_ =	shalt  }
0x56: {  	_ =	shalt  }
0x57: {  	_ =	shalt  }
0x58: {  	_ =	shalt  }
0x59: {  	_ =	shalt  }
0x5a: {  	_ =	shalt  }
0x5b: {  	_ =	shalt  }
0x5c: {  	_ =	shalt  }
0x5d: {  	_ =	shalt  }
0x5e: {  	_ =	shalt  }
0x5f: {  	_ =	shalt  }
0x60: {  	_ =	shalt  }
0x61: {  	_ =	shalt  }
0x62: {  	_ =	shalt  }
0x63: {  	_ =	shalt  }
0x64: {  	_ =	shalt  }
0x65: {  	_ =	shalt  }
0x66: {  	_ =	shalt  }
0x67: {  	_ =	shalt  }
0x68: {  	_ =	shalt  }
0x69: {  	_ =	shalt  }
0x6a: {  	_ =	shalt  }
0x6b: {  	_ =	shalt  }
0x6c: {  	_ =	shalt  }
0x6d: {  	_ =	shalt  }
0x6e: {  	_ =	shalt  }
0x6f: {  	_ =	shalt  }
0x70: {  	_ =	shalt  }
0x71: {  	_ =	shalt  }
0x72: {  	_ =	shalt  }
0x73: {  	_ =	shalt  }
0x74: {  	_ =	shalt  }
0x75: {  	_ =	shalt  }
0x76: {  	_ =	shalt  }
0x77: {  	_ =	shalt  }
0x78: {  	_ =	shalt  }
0x79: {  	_ =	shalt  }
0x7a: {  	_ =	shalt  }
0x7b: {  	_ =	shalt  }
0x7c: {  	_ =	shalt  }
0x7d: {  	_ =	shalt  }
0x7e: {  	_ =	shalt  }
0x7f: {  	_ =	shalt  }
0x80: {  	_ =	shalt  }
0x81: {  	_ =	shalt  }
0x82: {  	_ =	shalt  }
0x83: {  	_ =	shalt  }
0x84: {  	_ =	shalt  }
0x85: {  	_ =	shalt  }
0x86: {  	_ =	shalt  }
0x87: {  	_ =	shalt  }
.Lfunc_end0:
.L_simem_size_0:
called_computation_lowered:
.L_overlay_start_0:
0x88: {  	s2 =	sld [smem:$0x3FD9]  }
0x89: {  	s3 =	sld [smem:$0x3FFE];
	_ =	sdelay $0x1  }
0x8a: {  	s1 =	srdreg.scid  }
0x8b: {  	s0 =	sand.u32 $0x1, s1  }
0x8c: {  	s16 =	sshll.u32 s0, $0xA;
	s2 =	sadd.s32 s3, s2  }
0x8d: {  	s2 =	sadd.s32 s2, s16  }
0x8e: {  	[smem:$0x3FBF] =	sst s2  }
0x8f: {  	_ = 	snop  }
0x90: {  	(tm) =	ssettm $0x1  }
0x91: {  	s17 =	sld [smem:$0x3FFB];
	_ =	sdelay $0x3  }
0x92: {  	_ =	strace s17  }
0x93: {  	s2 =	sld [smem:$0x3FFC];
	_ =	sdelay $0x3  }
0x94: {  	_ =	strace s2  }
0x95: {  	s2 =	sld [smem:$0x3FFD];
	_ =	sdelay $0x3  }
0x96: {  	_ =	strace s2  }
0x97: {  	_ =	strace $0x8FFFFFFF  }
0x98: {  	s18 =	sld [smem:$0x3FDB];
	_ =	sdelay $0x1  }
0x99: {  	s19 =	simm.s32 $_scs_section_size  }
0x9a: {  	s4 =	simm.s32 $_size__tile_overlayer_lowered;
	s5 =	simm.s32 $_tile_overlayer_lowered  }
0x9b: {  	s22 =	simm.s32 $0x1BFF;
	s21 =	sshll.u32 s5, $0x1;
	s2 =	sadd.s32 s19, s18  }
0x9c: {  	s6 =	simm.s32 $0x0;
	s20 =	sshll.u32 s4, $0x1;
	s4 =	sadd.s32 s21, s2  }
0x9d: {  	[timem:s6], [sflag:s22] =	dma.local [hbm:s4], s20  }
0x9e: {  	_ =	swait.ge [sflag:s22], s20  }
0x9f: {  	s3 =	ssub.s32 $0x0, s20;
	[sflag:s22] =	ssyncset.done $0x0  }
0xa0: {  	[sflag:s22] =	ssyncadd.s32 s3;
	_ =	sdelay $0x1  }
0xa1: {  	s23 =	simm.s32 $0x1B8B  }
0xa2: {  	_ =	swait.ge [sflag:s23], $0x1  }
0xa3: {  	[sflag:s23] =	ssyncset.done $0x0  }
0xa4: {  	s25 =	simm.s32 $0x1B8E;
	s24 =	sld [smem:$0x3FFE];
	[sflag:s23] =	ssyncadd.s32 $0xFFFFFFFF  }
0xa5: {  	s26 =	simm.s32 $execute0_lowered;
	[smem:$0x3FD2] =	sst s25  }
0xa6: {  	s4 =	sshll.u32 s26, $0x1;
	_ =	strace $0x80000046;
	[dreg:$0x1] =	wrdreg $0xFFFFFFFF  }
0xa7: {  	s28 =	simm.s32 $_size_execute0_lowered;
	s2 =	sadd.s32 s2, s4;
	[dreg:$0x0] =	wrdreg $0x0  }
0xa8: {  	s4 =	sshll.u32 s28, $0x1;
	[dreg:$0x2] =	wrdreg s2  }
0xa9: {  	[dreg:$0x3] =	wrdreg s4  }
0xaa: {  	[dreg:$0x4] =	wrdreg $0xC0  }
0xab: {  	_ =	task [dreg:s6], $0x5FFFF  }
0xac: {  	[dreg:$0x1] =	wrdreg $0xFFFFFFFF  }
0xad: {  	[dreg:$0x0] =	wrdreg $0x60  }
0xae: {  	[dreg:$0x2] =	wrdreg s24  }
0xaf: {  	[dreg:$0x3] =	wrdreg $0x34000  }
0xb0: {  	[dreg:$0x4] =	wrdreg $0x9  }
0xb1: {  	_ =	task.clear_ibuf [dreg:s6], $0x5FFFF;
	_ =	strace $0x90000046  }
0xb2: {  	s29 =	simm.s32 $0x9;
	_ =	strace $0x80000048  }
0xb3: {  	_ =	swait.ge [sflag:s29], $0x1  }
0xb4: {  	[sflag:s29] =	ssyncadd.s32 $0xFFFFFFFF  }
0xb5: {  	_ =	strace $0x90000048  }
0xb6: {  	_ =	sfence  }
0xb7: {  	s30 =	sld [smem:$0x0];
	_ =	sdelay $0x2  }
0xb8: {  	s31 =	sshll.u32 s1, $0xD;
	s1 =	sshrl.u32 s1, $0x2  }
0xb9: {  	s3 =	sand.u32 $0x4000, s31;
	s1 =	sadd.s32 s1, s30  }
0xba: {  	s0 =	sor.u32 s3, s0;
	s1 =	sshll.u32 s1, $0x11  }
0xbb: {  	s0 =	sor.u32 s1, s0  }
0xbc: {  	s0 =	sadd.s32 $0x8F2B, s0  }
0xbd: {  	[sflag:s0] =	ssyncadd.remote.s32 $0x1  }
0xbe: {  	_ =	sfence.sel $0xFFFF  }
0xbf: {  	[dreg:$0x0] =	wrdreg $0xFFFFFFFF;
	(pc) =	sbr.abs _section_cstart, $3  }
0xc0: {  	[dreg:$0x1] =	wrdreg $0xFFFFFFFF  }
0xc1: {  	_ =	task.clear_ibuf [dreg:s6], $0x2FFFF;
	_ =	strace $0x9FFFFFFF  }
0xc2: {  	(tm) =	ssettm $0x7FFFFFFF  }
0xc3: {  	_ =	shalt  }
tec
execute0_lowered:
.L_overlay_start_1:
0x0: {  	(tag) =	ssettag $0x1  }
0x1: {  	s4 =	rddreg [dreg:$0x0]  }
0x2: {  	s2 =	rddreg [dreg:$0x1];
	s1 =	srdreg.scid  }
0x3: {  	s0 =	rddreg [dreg:$0x2];
	s3 =	simm.s32 $0x0;
	s17 =	simm.s32 $0x2  }
0x4: {  	s18 =	simm.s32 $0x3000;
	s19 =	simm.s32 $0x80;
	s20 =	simm.s32 $0x2800  }
0x5: {  	s21 =	simm.s32 $0x100;
	s22 =	simm.s32 $0x180;
	s5 =	sand.u32 $0x1, s1  }
0x6: {  	s23 =	simm.s32 $0x1;
	s1 =	stileid.u32;
	s6 =	smul.u32 $0x28000, s5  }
0x7: {  	[smem:$0x7FF] =	sst s3;
	s7 =	sshll.u32 s5, $0x4;
	s8 =	smul.u32 $0x2800, s1  }
0x8: {  	s5 =	ssub.s32 $0x2, s5;
	s9 =	smul.u32 $0xA000, s1;
	s7 =	sor.u32 s1, s7  }
0x9: {  	_ =	strace $0x80000047;
	s30 =	sshrl.u32 s5, $0x1;
	s7 =	smul.u32 $0x500, s7  }
0xa: {  	s6 =	sadd.s32 s8, s6;
	s10 =	ssub.s32 s5, s30;
	s31 =	sshrl.u32 s9, $0x2  }
0xb: {  	s24 =	sadd.s32 s8, s2;
	s6 =	sshrl.u32 s6, $0x3;
	s5 =	sadd.s32 s31, s2  }
0xc: {  	s24 =	sshrl.u32 s24, $0x3;
	s7 =	sadd.s32 s7, s4;
	s6 =	sadd.s32 s6, s4  }
0xd: {  	s8 =	sadd.s32 $0x400, s5;
	s9 =	sadd.s32 $0x800, s5;
	s11 =	sadd.s32 $0x1000, s5  }
0xe: {  	s12 =	sadd.s32 $0x1400, s5;
	s13 =	sadd.s32 $0x1800, s5;
	s14 =	sadd.s32 $0x1C00, s5  }
0xf: {  	s15 =	sadd.s32 $0x2000, s5;
	s16 =	sadd.s32 $0x2400, s5;
	s4 =	sadd.s32 $0xBA00, s7  }
0x10: {  	v0 =	vimm.f32 $0.0e+00;
	v1 =	vimm.f32 $1.000000000e+00;
	s6 =	sadd.s32 $0x15A00, s6;
	s7 =	smax.u32 s10, $0x1;
	s10 =	sadd.s32 $0xC00, s5  }
.LBB2_1:
0x11: {  	s25 =	simm.s32 $0x0  }
.LBB2_2:
0x12: {  	p0 =	sne.s32 s25, $0xFC0  }
.Ltmp0:
0x13: {  	_ = 	snop;
	(pc) =	sbr.rel @p0 .LBB2_2-.Ltmp0, $3  }
0x14: {  	_ =	sdelay $0x1  }
0x15: {  	s26 =	sshra.s32 s25, $0x2  }
0x16: {  	s25 =	sadd.s32 $0x40, s25;
	[tilespmem:s26+$0x3000] =	vst v0  }
0x17: {  	s25 =	simm.s32 $0x40;
	s26 =	simm.s32 $0x0  }
.LBB2_4:
0x18: {  	p0 =	sne.s32 s25, $0x1FC0;
	[tilespmem:s26+$0x2800] =	vst v1;
	s26 =	smov.u32 s25;
	s25 =	sadd.s32 $0x40, s25  }
.Ltmp1:
0x19: {  	(pc) =	sbr.rel @p0 .LBB2_4-.Ltmp1, $2  }
0x1a: {  	_ =	sdelay $0x2  }
0x1b: {  	s26 =	sshra.s32 s26, $0x2  }
0x1c: {  	[tilespmem:s26+$0x2800] =	vst v1;
	s25 =	simm.s32 $0x0  }
0x1d: {  	[tilespmem:s25], [sflag:$0x2] =	stream.linear.gather [hbm4b:s4+s25], $0x2800, $0x38;
	[tilespmem:$0x5C00] =	vst v63  }
0x1e: {  	_ =	swait.ge [sflag:s17], $0x2800  }
0x1f: {  	[sflag:s17] =	ssyncset.done $0x0  }
0x20: {  	[sflag:s17] =	ssyncadd.s32 $0xFFFFD800  }
0x21: {  	[spmem:s5] =	stream.linear.scatter [tilespmem:s18], [sflag:$0x2], $0x400, $0x38;
	[tilespmem:$0x5C00] =	vst v63  }
0x22: {  	_ =	swait.ge [sflag:s17], $0x400  }
0x23: {  	[sflag:s17] =	ssyncset.done $0x0  }
0x24: {  	[sflag:s17] =	ssyncadd.s32 $0xFFFFFC00  }
0x25: {  	[spmem:s8] =	stream.linear.scatter [tilespmem:s18], [sflag:$0x2], $0x400, $0x38;
	[tilespmem:$0x5C00] =	vst v63  }
0x26: {  	_ =	swait.ge [sflag:s17], $0x400  }
0x27: {  	[sflag:s17] =	ssyncset.done $0x0  }
0x28: {  	[sflag:s17] =	ssyncadd.s32 $0xFFFFFC00  }
0x29: {  	[spmem:s9] =	stream.linear.scatter [tilespmem:s18], [sflag:$0x2], $0x400, $0x38;
	[tilespmem:$0x5C00] =	vst v63  }
0x2a: {  	_ =	swait.ge [sflag:s17], $0x400  }
0x2b: {  	[sflag:s17] =	ssyncset.done $0x0  }
0x2c: {  	[sflag:s17] =	ssyncadd.s32 $0xFFFFFC00  }
0x2d: {  	[spmem:s10] =	stream.linear.scatter [tilespmem:s18], [sflag:$0x2], $0x400, $0x38;
	[tilespmem:$0x5C00] =	vst v63  }
0x2e: {  	_ =	swait.ge [sflag:s17], $0x400  }
0x2f: {  	[sflag:s17] =	ssyncset.done $0x0  }
0x30: {  	[sflag:s17] =	ssyncadd.s32 $0xFFFFFC00  }
0x31: {  	[spmem:s11] =	stream.linear.scatter [tilespmem:s18], [sflag:$0x2], $0x400, $0x38;
	[tilespmem:$0x5C00] =	vst v63  }
0x32: {  	_ =	swait.ge [sflag:s17], $0x400  }
0x33: {  	[sflag:s17] =	ssyncset.done $0x0  }
0x34: {  	[sflag:s17] =	ssyncadd.s32 $0xFFFFFC00  }
0x35: {  	[spmem:s12] =	stream.linear.scatter [tilespmem:s18], [sflag:$0x2], $0x400, $0x38;
	[tilespmem:$0x5C00] =	vst v63  }
0x36: {  	_ =	swait.ge [sflag:s17], $0x400  }
0x37: {  	[sflag:s17] =	ssyncset.done $0x0  }
0x38: {  	[sflag:s17] =	ssyncadd.s32 $0xFFFFFC00  }
0x39: {  	[spmem:s13] =	stream.linear.scatter [tilespmem:s18], [sflag:$0x2], $0x400, $0x38;
	[tilespmem:$0x5C00] =	vst v63  }
0x3a: {  	_ =	swait.ge [sflag:s17], $0x400  }
0x3b: {  	[sflag:s17] =	ssyncset.done $0x0  }
0x3c: {  	[sflag:s17] =	ssyncadd.s32 $0xFFFFFC00  }
0x3d: {  	[spmem:s14] =	stream.linear.scatter [tilespmem:s18], [sflag:$0x2], $0x400, $0x38;
	[tilespmem:$0x5C00] =	vst v63  }
0x3e: {  	_ =	swait.ge [sflag:s17], $0x400  }
0x3f: {  	[sflag:s17] =	ssyncset.done $0x0  }
0x40: {  	[sflag:s17] =	ssyncadd.s32 $0xFFFFFC00  }
0x41: {  	[spmem:s15] =	stream.linear.scatter [tilespmem:s18], [sflag:$0x2], $0x400, $0x38;
	[tilespmem:$0x5C00] =	vst v63  }
0x42: {  	_ =	swait.ge [sflag:s17], $0x400  }
0x43: {  	[sflag:s17] =	ssyncset.done $0x0  }
0x44: {  	[sflag:s17] =	ssyncadd.s32 $0xFFFFFC00  }
0x45: {  	[spmem:s16] =	stream.linear.scatter [tilespmem:s18], [sflag:$0x2], $0x400, $0x38;
	[tilespmem:$0x5C00] =	vst v63  }
0x46: {  	_ =	swait.ge [sflag:s17], $0x400  }
0x47: {  	[sflag:s17] =	ssyncset.done $0x0  }
0x48: {  	[sflag:s17] =	ssyncadd.s32 $0xFFFFFC00  }
0x49: {  	[bflag:$0x0] =	sbarrier.arrive $0xFFFF  }
0x4a: {  	[spmem:s2] =	stream.indirect.scatter.add.f32 [tilespmem:s20], [sflag:$0x1], $0x10, s25, s19, $0xb8;
	[tilespmem:$0x5C00] =	vst v63  }
0x4b: {  	_ = 	snop  }
0x4c: {  	[spmem:s2] =	stream.indirect.scatter.add.f32 [tilespmem:s20], [sflag:$0x1], $0x10, s19, s19, $0xb8;
	[tilespmem:$0x5C00] =	vst v63  }
0x4d: {  	_ = 	snop  }
0x4e: {  	[spmem:s2] =	stream.indirect.scatter.add.f32 [tilespmem:s20], [sflag:$0x1], $0x10, s21, s19, $0xb8;
	[tilespmem:$0x5C00] =	vst v63  }
0x4f: {  	_ = 	snop  }
0x50: {  	[spmem:s2] =	stream.indirect.scatter.add.f32 [tilespmem:s20], [sflag:$0x1], $0x10, s22, s19, $0xb8;
	[tilespmem:$0x5C00] =	vst v63  }
0x51: {  	s26 =	simm.s32 $0x200;
	p0 =	por $0x0, $0x0;
	_ =	swait.ge [sflag:s23], $0x800  }
0x52: {  	s28 =	simm.s32 $0x280;
	s29 =	simm.s32 @!p0 $0x80;
	[sflag:s23] =	ssyncset.done $0x0  }
0x53: {  	s30 =	simm.s32 @!p0 $0x2800;
	s25 =	simm.s32 $0x1;
	[sflag:s23] =	ssyncadd.s32 $0xFFFFF800  }
.LBB2_6:
0x54: {  	[spmem:s2] =	stream.indirect.scatter.add.f32 @!p0 [tilespmem:s30], [sflag:$0x1], $0x10, s26, s29, $0xb8;
	[tilespmem:$0x5C00] =	vst v63  }
0x55: {  	s29 =	smov.u32 s25;
	s25 =	sadd.s32 $0x1, s25  }
0x56: {  	p1 =	sne.s32 s25, $0x50  }
.Ltmp2:
0x57: {  	(pc) =	sbr.rel @p1 .LBB2_6-.Ltmp2, $4  }
0x58: {  	s26 =	smov.u32 s28  }
0x59: {  	_ =	swait.ge [sflag:s23], $0x800  }
0x5a: {  	s28 =	sadd.s32 $0x80, s28;
	p0 =	sgt.u32 s29, $0x4B;
	[sflag:s23] =	ssyncset.done $0x0  }
0x5b: {  	s29 =	simm.s32 @!p0 $0x80;
	s30 =	simm.s32 @!p0 $0x2800;
	[sflag:s23] =	ssyncadd.s32 $0xFFFFF800  }
0x5c: {  	[spmem:s2] =	stream.indirect.scatter.add.f32 @!p0 [tilespmem:s30], [sflag:$0x1], $0x10, s26, s29, $0xb8;
	[tilespmem:$0x5C00] =	vst v63  }
0x5d: {  	s3 =	sadd.s32 $0x1, s3  }
0x5e: {  	s25 =	sshll.u32 s1, $0x6;
	p0 =	sne.s32 s3, s7  }
.Ltmp3:
0x5f: {  	[bflag:$0x0] =	sbarrier.arrive $0xFFFF;
	s25 =	sor.u32 $0x1C02, s25;
	(pc) =	sbr.rel @p0 .LBB2_1-.Ltmp3, $4  }
0x60: {  	[hbm:s6], [sflag:s25] =	dma.local [spmem:s24], $0x500  }
0x61: {  	_ =	swait.ge [sflag:s17], $0x500  }
0x62: {  	[sflag:s17] =	ssyncset.done $0x0  }
0x63: {  	[sflag:s17] =	ssyncadd.s32 $0xFFFFFB00  }
0x64: {  	_ =	sfence.sel $0x180000  }
0x65: {  	[bflag:$0x0] =	sbarrier.arrive $0xFFFF  }
0x66: {  	p0 =	sne.s32 s1, $0x0;
	_ =	strace $0x90000047  }
0x67: {  	s0 =	sadd.s32 @!p0 $0x100000, s0;
	[bflag:$0x2] =	sbarrier.arrive $0xFFFF  }
0x68: {  	[sflag:s0] =	ssyncadd.tile.s32 @!p0 $0x1;
	_ =	shalt  }
.Lfunc_end2:
_tile_overlayer_lowered:
.L_overlay_start_2:
0x69: {  	(tag) =	ssettag $0x2  }
0x6a: {  	s0 =	rddreg [dreg:$0x0];
	s2 =	stileid.u32  }
0x6b: {  	s1 =	rddreg [dreg:$0x1];
	p0 =	sne.s32 s2, $0x0  }
0x6c: {  	s3 =	rddreg [dreg:$0x2];
	[bflag:$0x3] =	sbarrier.arrive $0xFFFF;
	s2 =	simm.s32 @!p0 $0x1C02  }
0x6d: {  	[timem:s3], [sflag:s2] =	dma.local @!p0 [hbm:s0], s1  }
0x6e: {  	s0 =	simm.s32 @!p0 $0x2  }
0x6f: {  	_ =	swait.ge @!p0 [sflag:s0], s1  }
0x70: {  	s1 =	ssub.s32 @!p0 $0x0, s1;
	[sflag:s0] =	ssyncset.done @!p0 $0x0  }
0x71: {  	[sflag:s0] =	ssyncadd.s32 @!p0 s1  }
0x72: {  	[bflag:$0x3] =	sbarrier.arrive $0xFFFF  }
0x73: {  	_ =	shalt  }

</sc_bundles>
